<compile_context>
chip_gen: v7x
topology: tpu7x:2x2x1
jax: 0.10.2.dev20260603
libtpu: 0.0.44.dev20260713+nightly
codegen_flags: <defaults>
</compile_context>

<pallas_src>
import functools

import jax
import jax.numpy as jnp
from jax import lax
from jax.experimental import pallas as pl
from jax.experimental.pallas import tpu as pltpu
from jax.experimental.pallas import tpu_sc as plsc

_MAX_VAL = 16383
_S = 16384
_D = 4096
_L = 16
_NW = 16
_EPW = _S // _NW
_VPW = _EPW // _L
_CHUNK = 128
_ROWS = 256
_COLS = _ROWS // _CHUNK

_sc_mesh = plsc.VectorSubcoreMesh(core_axis_name="c", subcore_axis_name="s",
                                  num_cores=1)


@functools.partial(
    pl.kernel,
    out_type=jax.ShapeDtypeStruct((_S // _CHUNK, _CHUNK), jnp.int32),
    mesh=_sc_mesh,
    scratch_types=[
        pltpu.VMEM((_EPW,), jnp.int32),
        pltpu.VMEM((_NW * _L,), jnp.int32),
        pltpu.VMEM_SHARED((_NW * _L,), jnp.int32),
        pltpu.VMEM((_EPW,), jnp.int32),
    ],
    compiler_params=pltpu.CompilerParams(needs_layout_passes=False),
)
def _sc_index_kernel(mask_hbm, out_hbm, own_v, tot_v, board, out_v):
    wid = lax.axis_index("s")
    base = wid * _EPW

    pltpu.sync_copy(mask_hbm.at[pl.ds(base, _EPW)], own_v)

    own_acc = jnp.zeros((_L,), jnp.int32)
    for j in range(_VPW):
        own_acc = own_acc + own_v[pl.ds(j * _L, _L)]
    tot_v[pl.ds(wid * _L, _L)] = jnp.full((_L,), jnp.sum(own_acc), jnp.int32)

    pltpu.sync_copy(tot_v.at[pl.ds(wid * _L, _L)], board.at[pl.ds(wid * _L, _L)])
    plsc.subcore_barrier()
    pltpu.sync_copy(board, tot_v)

    pre = jnp.zeros((_L,), jnp.int32)
    for j in range(_NW):
        row = tot_v[pl.ds(j * _L, _L)]
        pre = pre + jnp.where(j < wid, row, jnp.zeros((_L,), jnp.int32))
    off = jnp.max(pre) - 1

    for j in range(_VPW):
        v = own_v[pl.ds(j * _L, _L)]
        cs = jnp.cumsum(v) + off
        out_v[pl.ds(j * _L, _L)] = jnp.clip(cs, 0, _MAX_VAL)
        off = off + jnp.sum(v)

    for j in range(_EPW // _CHUNK):
        pltpu.sync_copy(out_v.at[pl.ds(j * _CHUNK, _CHUNK)],
                        out_hbm.at[8 * wid + j])


def _bcast_kernel(idx2d_ref, out_ref, hi_ref, lo_ref):
    i = pl.program_id(0)

    @pl.when(i == 0)
    def _prep():
        idx = idx2d_ref[...].astype(jnp.float32)
        hi = jnp.floor(idx * (1.0 / _CHUNK))
        lo = idx - hi * float(_CHUNK)
        hi_ref[...] = hi.T
        lo_ref[...] = lo.T

    sub = jax.lax.broadcasted_iota(jnp.int32, (_CHUNK, 1), 0)
    for j in range(_COLS):
        onehot = (sub == i * _COLS + j).astype(jnp.float32)
        hi_col = jnp.dot(hi_ref[...], onehot,
                         preferred_element_type=jnp.float32)
        lo_col = jnp.dot(lo_ref[...], onehot,
                         preferred_element_type=jnp.float32)
        colv = hi_col * float(_CHUNK) + lo_col
        out_ref[pl.ds(j * _CHUNK, _CHUNK), :] = jnp.broadcast_to(
            colv.astype(jnp.int32), (_CHUNK, _D))


@jax.jit
def kernel(mask_1d, inputs_embeds_row):
    del inputs_embeds_row
    idx2d = _sc_index_kernel(mask_1d.astype(jnp.int32))
    return pl.pallas_call(
        _bcast_kernel,
        grid=(_S // _ROWS,),
        in_specs=[pl.BlockSpec((_CHUNK, _CHUNK), lambda i: (0, 0))],
        out_specs=pl.BlockSpec((_ROWS, _D), lambda i: (i, 0)),
        out_shape=jax.ShapeDtypeStruct((_S, _D), jnp.int32),
        scratch_shapes=[pltpu.VMEM((_CHUNK, _CHUNK), jnp.float32),
                        pltpu.VMEM((_CHUNK, _CHUNK), jnp.float32)],
    )(idx2d)

# --- scband reference (transcript-rebuilt; emitter-appended) ---
"""Pipeline reference for scband-op1-to5-pipeline-4269197492500 (READ-ONLY COPY).

The authoritative reference and input builder live on the scoring server;
editing this copy changes nothing except your own understanding.
"""

import jax, jax.numpy as jnp
import numpy as np

MAX_VAL = 16383
S = 16384
D = 4096


def setup_inputs(seed: int = 0) -> dict:
    key = jax.random.key(seed)
    k1, k2 = jax.random.split(key)
    mask_1d = jax.random.randint(k1, (S,), 0, 2, dtype=jnp.int32)
    inputs_embeds_row = jax.random.normal(k2, (S, D), dtype=jnp.float32)
    return {"mask_1d": mask_1d, "inputs_embeds_row": inputs_embeds_row}


def reference(mask_1d, inputs_embeds_row):
    # Op1: cast to integer (torch .long())
    mask_i = mask_1d.astype(jnp.int32)
    # Op2 + Op3: cumsum along dim 0, then subtract 1
    source_idx = jnp.cumsum(mask_i, axis=0) - 1
    # Op4: clamp to [0, max_val]
    source_idx = jnp.clip(source_idx, 0, MAX_VAL)
    # Op5: unsqueeze(-1) + expand_as(inputs_embeds_row)
    source_idx_2d = jnp.broadcast_to(source_idx[:, None], inputs_embeds_row.shape)
    return source_idx_2d

if __name__ == "__main__":
    import jax
    _d = setup_inputs()
    print(jax.jit(kernel)(*tuple(_d.values())))

</pallas_src>

<mosaic_0001>
#map = affine_map<(d0, d1) -> (0)>
#map1 = affine_map<(d0, d1) -> (0, 0)>
module attributes {stable_mosaic.version = 14 : i64} {
  func.func @_sc_index_kernel(%arg0: i32, %arg1: i32, %arg2: memref<16384xi32, #tpu.memory_space<hbm>>, %arg3: memref<128x128xi32, #tpu.memory_space<hbm>>, %arg4: memref<1024xi32, #tpu.memory_space<vmem>>, %arg5: memref<256xi32, #tpu.memory_space<vmem>>, %arg6: memref<256xi32, #tpu.memory_space<vmem_shared>>, %arg7: memref<1024xi32, #tpu.memory_space<vmem>>) attributes {dimension_semantics = [#tpu.dimension_semantics<core_parallel>, #tpu.dimension_semantics<subcore_parallel>], iteration_bounds = array<i64: 1, 16>, scalar_prefetch = 0 : i64, scratch_operands = 4 : i64, tpu.core_type = #tpu.core_type<sc_vector_subcore>, window_params = [{transform_indices = #map}, {transform_indices = #map1}]} {
    %mul3A = arith.constant 1024 : i32
    %mul3A_0 = arith.muli %arg1, %mul3A : i32
    "tpu.region"() ({
      %run_scoped3A = tpu.sem_alloc : memref<!tpu.dma_semaphore, #tpu.memory_space<semaphore_mem>>
      %dma_start3A = tpu.memref_slice %arg2[%mul3A_0] : memref<16384xi32, #tpu.memory_space<hbm>> -> memref<1024xi32, #tpu.memory_space<hbm>>
      %dma_start3A_1647 = tpu.memref_slice %arg2[%mul3A_0] : memref<16384xi32, #tpu.memory_space<hbm>> -> memref<1024xi32, #tpu.memory_space<hbm>>
      tpu.enqueue_dma source(%dma_start3A_1647 : memref<1024xi32, #tpu.memory_space<hbm>>) target(%arg4 : memref<1024xi32, #tpu.memory_space<vmem>>) target_semaphore(%run_scoped3A : memref<!tpu.dma_semaphore, #tpu.memory_space<semaphore_mem>>)
      %dma_wait3A = tpu.memref_slice %arg2[%mul3A_0] : memref<16384xi32, #tpu.memory_space<hbm>> -> memref<1024xi32, #tpu.memory_space<hbm>>
      %dma_wait3A_1648 = tpu.memref_slice %arg2[%mul3A_0] : memref<16384xi32, #tpu.memory_space<hbm>> -> memref<1024xi32, #tpu.memory_space<hbm>>
      tpu.wait_dma2 semaphore(%run_scoped3A : memref<!tpu.dma_semaphore, #tpu.memory_space<semaphore_mem>>) src(%dma_wait3A_1648 : memref<1024xi32, #tpu.memory_space<hbm>>) dst(%arg4 : memref<1024xi32, #tpu.memory_space<vmem>>)
      tpu.yield
    }) : () -> ()
    %broadcast_in_dim3A = arith.constant 0 : i32
    %broadcast_in_dim3A_1 = vector.broadcast %broadcast_in_dim3A : i32 to vector<16xi32>
    %get3A = arith.constant 0 : index
    %get3A_2 = tpu.vector_load %arg4[%get3A] {strides = array<i32>} : memref<1024xi32, #tpu.memory_space<vmem>>, vector<16xi32>,
    %add3A = arith.addi %broadcast_in_dim3A_1, %get3A_2 : vector<16xi32>
    %get3A_3 = arith.constant 16 : index
    %get3A_4 = tpu.vector_load %arg4[%get3A_3] {strides = array<i32>} : memref<1024xi32, #tpu.memory_space<vmem>>, vector<16xi32>,
    %add3A_5 = arith.addi %add3A, %get3A_4 : vector<16xi32>
    %get3A_6 = arith.constant 32 : index
    %get3A_7 = tpu.vector_load %arg4[%get3A_6] {strides = array<i32>} : memref<1024xi32, #tpu.memory_space<vmem>>, vector<16xi32>,
    %add3A_8 = arith.addi %add3A_5, %get3A_7 : vector<16xi32>
    %get3A_9 = arith.constant 48 : index
    %get3A_10 = tpu.vector_load %arg4[%get3A_9] {strides = array<i32>} : memref<1024xi32, #tpu.memory_space<vmem>>, vector<16xi32>,
    %add3A_11 = arith.addi %add3A_8, %get3A_10 : vector<16xi32>
    %get3A_12 = arith.constant 64 : index
    %get3A_13 = tpu.vector_load %arg4[%get3A_12] {strides = array<i32>} : memref<1024xi32, #tpu.memory_space<vmem>>, vector<16xi32>,
    %add3A_14 = arith.addi %add3A_11, %get3A_13 : vector<16xi32>
    %get3A_15 = arith.constant 80 : index
    %get3A_16 = tpu.vector_load %arg4[%get3A_15] {strides = array<i32>} : memref<1024xi32, #tpu.memory_space<vmem>>, vector<16xi32>,
    %add3A_17 = arith.addi %add3A_14, %get3A_16 : vector<16xi32>
    %get3A_18 = arith.constant 96 : index
    %get3A_19 = tpu.vector_load %arg4[%get3A_18] {strides = array<i32>} : memref<1024xi32, #tpu.memory_space<vmem>>, vector<16xi32>,
    %add3A_20 = arith.addi %add3A_17, %get3A_19 : vector<16xi32>
    %get3A_21 = arith.constant 112 : index
    %get3A_22 = tpu.vector_load %arg4[%get3A_21] {strides = array<i32>} : memref<1024xi32, #tpu.memory_space<vmem>>, vector<16xi32>,
    %add3A_23 = arith.addi %add3A_20, %get3A_22 : vector<16xi32>
    %get3A_24 = arith.constant 128 : index
    %get3A_25 = tpu.vector_load %arg4[%get3A_24] {strides = array<i32>} : memref<1024xi32, #tpu.memory_space<vmem>>, vector<16xi32>,
    %add3A_26 = arith.addi %add3A_23, %get3A_25 : vector<16xi32>
    %get3A_27 = arith.constant 144 : index
    %get3A_28 = tpu.vector_load %arg4[%get3A_27] {strides = array<i32>} : memref<1024xi32, #tpu.memory_space<vmem>>, vector<16xi32>,
    %add3A_29 = arith.addi %add3A_26, %get3A_28 : vector<16xi32>
    %get3A_30 = arith.constant 160 : index
    %get3A_31 = tpu.vector_load %arg4[%get3A_30] {strides = array<i32>} : memref<1024xi32, #tpu.memory_space<vmem>>, vector<16xi32>,
    %add3A_32 = arith.addi %add3A_29, %get3A_31 : vector<16xi32>
    %get3A_33 = arith.constant 176 : index
    %get3A_34 = tpu.vector_load %arg4[%get3A_33] {strides = array<i32>} : memref<1024xi32, #tpu.memory_space<vmem>>, vector<16xi32>,
    %add3A_35 = arith.addi %add3A_32, %get3A_34 : vector<16xi32>
    %get3A_36 = arith.constant 192 : index
    %get3A_37 = tpu.vector_load %arg4[%get3A_36] {strides = array<i32>} : memref<1024xi32, #tpu.memory_space<vmem>>, vector<16xi32>,
    %add3A_38 = arith.addi %add3A_35, %get3A_37 : vector<16xi32>
    %get3A_39 = arith.constant 208 : index
    %get3A_40 = tpu.vector_load %arg4[%get3A_39] {strides = array<i32>} : memref<1024xi32, #tpu.memory_space<vmem>>, vector<16xi32>,
    %add3A_41 = arith.addi %add3A_38, %get3A_40 : vector<16xi32>
    %get3A_42 = arith.constant 224 : index
    %get3A_43 = tpu.vector_load %arg4[%get3A_42] {strides = array<i32>} : memref<1024xi32, #tpu.memory_space<vmem>>, vector<16xi32>,
    %add3A_44 = arith.addi %add3A_41, %get3A_43 : vector<16xi32>
    %get3A_45 = arith.constant 240 : index
    %get3A_46 = tpu.vector_load %arg4[%get3A_45] {strides = array<i32>} : memref<1024xi32, #tpu.memory_space<vmem>>, vector<16xi32>,
    %add3A_47 = arith.addi %add3A_44, %get3A_46 : vector<16xi32>
    %get3A_48 = arith.constant 256 : index
    %get3A_49 = tpu.vector_load %arg4[%get3A_48] {strides = array<i32>} : memref<1024xi32, #tpu.memory_space<vmem>>, vector<16xi32>,
    %add3A_50 = arith.addi %add3A_47, %get3A_49 : vector<16xi32>
    %get3A_51 = arith.constant 272 : index
    %get3A_52 = tpu.vector_load %arg4[%get3A_51] {strides = array<i32>} : memref<1024xi32, #tpu.memory_space<vmem>>, vector<16xi32>,
    %add3A_53 = arith.addi %add3A_50, %get3A_52 : vector<16xi32>
    %get3A_54 = arith.constant 288 : index
    %get3A_55 = tpu.vector_load %arg4[%get3A_54] {strides = array<i32>} : memref<1024xi32, #tpu.memory_space<vmem>>, vector<16xi32>,
    %add3A_56 = arith.addi %add3A_53, %get3A_55 : vector<16xi32>
    %get3A_57 = arith.constant 304 : index
    %get3A_58 = tpu.vector_load %arg4[%get3A_57] {strides = array<i32>} : memref<1024xi32, #tpu.memory_space<vmem>>, vector<16xi32>,
    %add3A_59 = arith.addi %add3A_56, %get3A_58 : vector<16xi32>
    %get3A_60 = arith.constant 320 : index
    %get3A_61 = tpu.vector_load %arg4[%get3A_60] {strides = array<i32>} : memref<1024xi32, #tpu.memory_space<vmem>>, vector<16xi32>,
    %add3A_62 = arith.addi %add3A_59, %get3A_61 : vector<16xi32>
    %get3A_63 = arith.constant 336 : index
    %get3A_64 = tpu.vector_load %arg4[%get3A_63] {strides = array<i32>} : memref<1024xi32, #tpu.memory_space<vmem>>, vector<16xi32>,
    %add3A_65 = arith.addi %add3A_62, %get3A_64 : vector<16xi32>
    %get3A_66 = arith.constant 352 : index
    %get3A_67 = tpu.vector_load %arg4[%get3A_66] {strides = array<i32>} : memref<1024xi32, #tpu.memory_space<vmem>>, vector<16xi32>,
    %add3A_68 = arith.addi %add3A_65, %get3A_67 : vector<16xi32>
    %get3A_69 = arith.constant 368 : index
    %get3A_70 = tpu.vector_load %arg4[%get3A_69] {strides = array<i32>} : memref<1024xi32, #tpu.memory_space<vmem>>, vector<16xi32>,
    %add3A_71 = arith.addi %add3A_68, %get3A_70 : vector<16xi32>
    %get3A_72 = arith.constant 384 : index
    %get3A_73 = tpu.vector_load %arg4[%get3A_72] {strides = array<i32>} : memref<1024xi32, #tpu.memory_space<vmem>>, vector<16xi32>,
    %add3A_74 = arith.addi %add3A_71, %get3A_73 : vector<16xi32>
    %get3A_75 = arith.constant 400 : index
    %get3A_76 = tpu.vector_load %arg4[%get3A_75] {strides = array<i32>} : memref<1024xi32, #tpu.memory_space<vmem>>, vector<16xi32>,
    %add3A_77 = arith.addi %add3A_74, %get3A_76 : vector<16xi32>
    %get3A_78 = arith.constant 416 : index
    %get3A_79 = tpu.vector_load %arg4[%get3A_78] {strides = array<i32>} : memref<1024xi32, #tpu.memory_space<vmem>>, vector<16xi32>,
    %add3A_80 = arith.addi %add3A_77, %get3A_79 : vector<16xi32>
    %get3A_81 = arith.constant 432 : index
    %get3A_82 = tpu.vector_load %arg4[%get3A_81] {strides = array<i32>} : memref<1024xi32, #tpu.memory_space<vmem>>, vector<16xi32>,
    %add3A_83 = arith.addi %add3A_80, %get3A_82 : vector<16xi32>
    %get3A_84 = arith.constant 448 : index
    %get3A_85 = tpu.vector_load %arg4[%get3A_84] {strides = array<i32>} : memref<1024xi32, #tpu.memory_space<vmem>>, vector<16xi32>,
    %add3A_86 = arith.addi %add3A_83, %get3A_85 : vector<16xi32>
    %get3A_87 = arith.constant 464 : index
    %get3A_88 = tpu.vector_load %arg4[%get3A_87] {strides = array<i32>} : memref<1024xi32, #tpu.memory_space<vmem>>, vector<16xi32>,
    %add3A_89 = arith.addi %add3A_86, %get3A_88 : vector<16xi32>
    %get3A_90 = arith.constant 480 : index
    %get3A_91 = tpu.vector_load %arg4[%get3A_90] {strides = array<i32>} : memref<1024xi32, #tpu.memory_space<vmem>>, vector<16xi32>,
    %add3A_92 = arith.addi %add3A_89, %get3A_91 : vector<16xi32>
    %get3A_93 = arith.constant 496 : index
    %get3A_94 = tpu.vector_load %arg4[%get3A_93] {strides = array<i32>} : memref<1024xi32, #tpu.memory_space<vmem>>, vector<16xi32>,
    %add3A_95 = arith.addi %add3A_92, %get3A_94 : vector<16xi32>
    %get3A_96 = arith.constant 512 : index
    %get3A_97 = tpu.vector_load %arg4[%get3A_96] {strides = array<i32>} : memref<1024xi32, #tpu.memory_space<vmem>>, vector<16xi32>,
    %add3A_98 = arith.addi %add3A_95, %get3A_97 : vector<16xi32>
    %get3A_99 = arith.constant 528 : index
    %get3A_100 = tpu.vector_load %arg4[%get3A_99] {strides = array<i32>} : memref<1024xi32, #tpu.memory_space<vmem>>, vector<16xi32>,
    %add3A_101 = arith.addi %add3A_98, %get3A_100 : vector<16xi32>
    %get3A_102 = arith.constant 544 : index
    %get3A_103 = tpu.vector_load %arg4[%get3A_102] {strides = array<i32>} : memref<1024xi32, #tpu.memory_space<vmem>>, vector<16xi32>,
    %add3A_104 = arith.addi %add3A_101, %get3A_103 : vector<16xi32>
    %get3A_105 = arith.constant 560 : index
    %get3A_106 = tpu.vector_load %arg4[%get3A_105] {strides = array<i32>} : memref<1024xi32, #tpu.memory_space<vmem>>, vector<16xi32>,
    %add3A_107 = arith.addi %add3A_104, %get3A_106 : vector<16xi32>
    %get3A_108 = arith.constant 576 : index
    %get3A_109 = tpu.vector_load %arg4[%get3A_108] {strides = array<i32>} : memref<1024xi32, #tpu.memory_space<vmem>>, vector<16xi32>,
    %add3A_110 = arith.addi %add3A_107, %get3A_109 : vector<16xi32>
    %get3A_111 = arith.constant 592 : index
    %get3A_112 = tpu.vector_load %arg4[%get3A_111] {strides = array<i32>} : memref<1024xi32, #tpu.memory_space<vmem>>, vector<16xi32>,
    %add3A_113 = arith.addi %add3A_110, %get3A_112 : vector<16xi32>
    %get3A_114 = arith.constant 608 : index
    %get3A_115 = tpu.vector_load %arg4[%get3A_114] {strides = array<i32>} : memref<1024xi32, #tpu.memory_space<vmem>>, vector<16xi32>,
    %add3A_116 = arith.addi %add3A_113, %get3A_115 : vector<16xi32>
    %get3A_117 = arith.constant 624 : index
    %get3A_118 = tpu.vector_load %arg4[%get3A_117] {strides = array<i32>} : memref<1024xi32, #tpu.memory_space<vmem>>, vector<16xi32>,
    %add3A_119 = arith.addi %add3A_116, %get3A_118 : vector<16xi32>
    %get3A_120 = arith.constant 640 : index
    %get3A_121 = tpu.vector_load %arg4[%get3A_120] {strides = array<i32>} : memref<1024xi32, #tpu.memory_space<vmem>>, vector<16xi32>,
    %add3A_122 = arith.addi %add3A_119, %get3A_121 : vector<16xi32>
    %get3A_123 = arith.constant 656 : index
    %get3A_124 = tpu.vector_load %arg4[%get3A_123] {strides = array<i32>} : memref<1024xi32, #tpu.memory_space<vmem>>, vector<16xi32>,
    %add3A_125 = arith.addi %add3A_122, %get3A_124 : vector<16xi32>
    %get3A_126 = arith.constant 672 : index
    %get3A_127 = tpu.vector_load %arg4[%get3A_126] {strides = array<i32>} : memref<1024xi32, #tpu.memory_space<vmem>>, vector<16xi32>,
    %add3A_128 = arith.addi %add3A_125, %get3A_127 : vector<16xi32>
    %get3A_129 = arith.constant 688 : index
    %get3A_130 = tpu.vector_load %arg4[%get3A_129] {strides = array<i32>} : memref<1024xi32, #tpu.memory_space<vmem>>, vector<16xi32>,
    %add3A_131 = arith.addi %add3A_128, %get3A_130 : vector<16xi32>
    %get3A_132 = arith.constant 704 : index
    %get3A_133 = tpu.vector_load %arg4[%get3A_132] {strides = array<i32>} : memref<1024xi32, #tpu.memory_space<vmem>>, vector<16xi32>,
    %add3A_134 = arith.addi %add3A_131, %get3A_133 : vector<16xi32>
    %get3A_135 = arith.constant 720 : index
    %get3A_136 = tpu.vector_load %arg4[%get3A_135] {strides = array<i32>} : memref<1024xi32, #tpu.memory_space<vmem>>, vector<16xi32>,
    %add3A_137 = arith.addi %add3A_134, %get3A_136 : vector<16xi32>
    %get3A_138 = arith.constant 736 : index
    %get3A_139 = tpu.vector_load %arg4[%get3A_138] {strides = array<i32>} : memref<1024xi32, #tpu.memory_space<vmem>>, vector<16xi32>,
    %add3A_140 = arith.addi %add3A_137, %get3A_139 : vector<16xi32>
    %get3A_141 = arith.constant 752 : index
    %get3A_142 = tpu.vector_load %arg4[%get3A_141] {strides = array<i32>} : memref<1024xi32, #tpu.memory_space<vmem>>, vector<16xi32>,
    %add3A_143 = arith.addi %add3A_140, %get3A_142 : vector<16xi32>
    %get3A_144 = arith.constant 768 : index
    %get3A_145 = tpu.vector_load %arg4[%get3A_144] {strides = array<i32>} : memref<1024xi32, #tpu.memory_space<vmem>>, vector<16xi32>,
    %add3A_146 = arith.addi %add3A_143, %get3A_145 : vector<16xi32>
    %get3A_147 = arith.constant 784 : index
    %get3A_148 = tpu.vector_load %arg4[%get3A_147] {strides = array<i32>} : memref<1024xi32, #tpu.memory_space<vmem>>, vector<16xi32>,
    %add3A_149 = arith.addi %add3A_146, %get3A_148 : vector<16xi32>
    %get3A_150 = arith.constant 800 : index
    %get3A_151 = tpu.vector_load %arg4[%get3A_150] {strides = array<i32>} : memref<1024xi32, #tpu.memory_space<vmem>>, vector<16xi32>,
    %add3A_152 = arith.addi %add3A_149, %get3A_151 : vector<16xi32>
    %get3A_153 = arith.constant 816 : index
    %get3A_154 = tpu.vector_load %arg4[%get3A_153] {strides = array<i32>} : memref<1024xi32, #tpu.memory_space<vmem>>, vector<16xi32>,
    %add3A_155 = arith.addi %add3A_152, %get3A_154 : vector<16xi32>
    %get3A_156 = arith.constant 832 : index
    %get3A_157 = tpu.vector_load %arg4[%get3A_156] {strides = array<i32>} : memref<1024xi32, #tpu.memory_space<vmem>>, vector<16xi32>,
    %add3A_158 = arith.addi %add3A_155, %get3A_157 : vector<16xi32>
    %get3A_159 = arith.constant 848 : index
    %get3A_160 = tpu.vector_load %arg4[%get3A_159] {strides = array<i32>} : memref<1024xi32, #tpu.memory_space<vmem>>, vector<16xi32>,
    %add3A_161 = arith.addi %add3A_158, %get3A_160 : vector<16xi32>
    %get3A_162 = arith.constant 864 : index
    %get3A_163 = tpu.vector_load %arg4[%get3A_162] {strides = array<i32>} : memref<1024xi32, #tpu.memory_space<vmem>>, vector<16xi32>,
    %add3A_164 = arith.addi %add3A_161, %get3A_163 : vector<16xi32>
    %get3A_165 = arith.constant 880 : index
    %get3A_166 = tpu.vector_load %arg4[%get3A_165] {strides = array<i32>} : memref<1024xi32, #tpu.memory_space<vmem>>, vector<16xi32>,
    %add3A_167 = arith.addi %add3A_164, %get3A_166 : vector<16xi32>
    %get3A_168 = arith.constant 896 : index
    %get3A_169 = tpu.vector_load %arg4[%get3A_168] {strides = array<i32>} : memref<1024xi32, #tpu.memory_space<vmem>>, vector<16xi32>,
    %add3A_170 = arith.addi %add3A_167, %get3A_169 : vector<16xi32>
    %get3A_171 = arith.constant 912 : index
    %get3A_172 = tpu.vector_load %arg4[%get3A_171] {strides = array<i32>} : memref<1024xi32, #tpu.memory_space<vmem>>, vector<16xi32>,
    %add3A_173 = arith.addi %add3A_170, %get3A_172 : vector<16xi32>
    %get3A_174 = arith.constant 928 : index
    %get3A_175 = tpu.vector_load %arg4[%get3A_174] {strides = array<i32>} : memref<1024xi32, #tpu.memory_space<vmem>>, vector<16xi32>,
    %add3A_176 = arith.addi %add3A_173, %get3A_175 : vector<16xi32>
    %get3A_177 = arith.constant 944 : index
    %get3A_178 = tpu.vector_load %arg4[%get3A_177] {strides = array<i32>} : memref<1024xi32, #tpu.memory_space<vmem>>, vector<16xi32>,
    %add3A_179 = arith.addi %add3A_176, %get3A_178 : vector<16xi32>
    %get3A_180 = arith.constant 960 : index
    %get3A_181 = tpu.vector_load %arg4[%get3A_180] {strides = array<i32>} : memref<1024xi32, #tpu.memory_space<vmem>>, vector<16xi32>,
    %add3A_182 = arith.addi %add3A_179, %get3A_181 : vector<16xi32>
    %get3A_183 = arith.constant 976 : index
    %get3A_184 = tpu.vector_load %arg4[%get3A_183] {strides = array<i32>} : memref<1024xi32, #tpu.memory_space<vmem>>, vector<16xi32>,
    %add3A_185 = arith.addi %add3A_182, %get3A_184 : vector<16xi32>
    %get3A_186 = arith.constant 992 : index
    %get3A_187 = tpu.vector_load %arg4[%get3A_186] {strides = array<i32>} : memref<1024xi32, #tpu.memory_space<vmem>>, vector<16xi32>,
    %add3A_188 = arith.addi %add3A_185, %get3A_187 : vector<16xi32>
    %get3A_189 = arith.constant 1008 : index
    %get3A_190 = tpu.vector_load %arg4[%get3A_189] {strides = array<i32>} : memref<1024xi32, #tpu.memory_space<vmem>>, vector<16xi32>,
    %add3A_191 = arith.addi %add3A_188, %get3A_190 : vector<16xi32>
    %reduce_sum3A = arith.constant true
    %reduce_sum3A_192 = vector.broadcast %reduce_sum3A : i1 to vector<16xi1>
    %reduce_sum3A_193 = tpu.scan <sum>, %add3A_191 masked %reduce_sum3A_192 : vector<16xi32>, vector<16xi1> -> vector<16xi32>
    %reduce_sum3A_194 = vector.extract %reduce_sum3A_193[15] : i32 from vector<16xi32>
    %broadcast_in_dim3A_195 = vector.broadcast %reduce_sum3A_194 : i32 to vector<16xi32>
    %mul3A_196 = arith.constant 16 : i32
    %mul3A_197 = arith.muli %arg1, %mul3A_196 : i32
    %swap3A = arith.index_cast %mul3A_197 : i32 to index
    %swap3A_198 = tpu.vector_load %arg5[%swap3A] {strides = array<i32>} : memref<256xi32, #tpu.memory_space<vmem>>, vector<16xi32>,
    tpu.vector_store %arg5[%swap3A], %broadcast_in_dim3A_195 {strides = array<i32>} : memref<256xi32, #tpu.memory_space<vmem>>, vector<16xi32>,
    %mul3A_199 = arith.constant 16 : i32
    %mul3A_200 = arith.muli %arg1, %mul3A_199 : i32
    %mul3A_201 = arith.constant 16 : i32
    %mul3A_202 = arith.muli %arg1, %mul3A_201 : i32
    "tpu.region"() ({
      %run_scoped3A = tpu.sem_alloc : memref<!tpu.dma_semaphore, #tpu.memory_space<semaphore_mem>>
      %dma_start3A = tpu.memref_slice %arg5[%mul3A_200] : memref<256xi32, #tpu.memory_space<vmem>> -> memref<16xi32, #tpu.memory_space<vmem>>
      %dma_start3A_1647 = tpu.memref_slice %arg6[%mul3A_202] : memref<256xi32, #tpu.memory_space<vmem_shared>> -> memref<16xi32, #tpu.memory_space<vmem_shared>>
      %dma_start3A_1648 = tpu.memref_slice %arg6[%mul3A_202] : memref<256xi32, #tpu.memory_space<vmem_shared>> -> memref<16xi32, #tpu.memory_space<vmem_shared>>
      %dma_start3A_1649 = tpu.memref_slice %arg5[%mul3A_200] : memref<256xi32, #tpu.memory_space<vmem>> -> memref<16xi32, #tpu.memory_space<vmem>>
      tpu.enqueue_dma source(%dma_start3A_1649 : memref<16xi32, #tpu.memory_space<vmem>>) target(%dma_start3A_1648 : memref<16xi32, #tpu.memory_space<vmem_shared>>) target_semaphore(%run_scoped3A : memref<!tpu.dma_semaphore, #tpu.memory_space<semaphore_mem>>)
      %dma_wait3A = tpu.memref_slice %arg5[%mul3A_200] : memref<256xi32, #tpu.memory_space<vmem>> -> memref<16xi32, #tpu.memory_space<vmem>>
      %dma_wait3A_1650 = tpu.memref_slice %arg6[%mul3A_202] : memref<256xi32, #tpu.memory_space<vmem_shared>> -> memref<16xi32, #tpu.memory_space<vmem_shared>>
      %dma_wait3A_1651 = tpu.memref_slice %arg6[%mul3A_202] : memref<256xi32, #tpu.memory_space<vmem_shared>> -> memref<16xi32, #tpu.memory_space<vmem_shared>>
      %dma_wait3A_1652 = tpu.memref_slice %arg5[%mul3A_200] : memref<256xi32, #tpu.memory_space<vmem>> -> memref<16xi32, #tpu.memory_space<vmem>>
      tpu.wait_dma2 semaphore(%run_scoped3A : memref<!tpu.dma_semaphore, #tpu.memory_space<semaphore_mem>>) src(%dma_wait3A_1652 : memref<16xi32, #tpu.memory_space<vmem>>) dst(%dma_wait3A_1651 : memref<16xi32, #tpu.memory_space<vmem_shared>>)
      tpu.yield
    }) : () -> ()
    %barrier3A = arith.constant 0 : index
    tpu.barrier barrier_id(%barrier3A)
    "tpu.region"() ({
      %run_scoped3A = tpu.sem_alloc : memref<!tpu.dma_semaphore, #tpu.memory_space<semaphore_mem>>
      tpu.enqueue_dma source(%arg6 : memref<256xi32, #tpu.memory_space<vmem_shared>>) target(%arg5 : memref<256xi32, #tpu.memory_space<vmem>>) target_semaphore(%run_scoped3A : memref<!tpu.dma_semaphore, #tpu.memory_space<semaphore_mem>>)
      tpu.wait_dma2 semaphore(%run_scoped3A : memref<!tpu.dma_semaphore, #tpu.memory_space<semaphore_mem>>) src(%arg6 : memref<256xi32, #tpu.memory_space<vmem_shared>>) dst(%arg5 : memref<256xi32, #tpu.memory_space<vmem>>)
      tpu.yield
    }) : () -> ()
    %broadcast_in_dim3A_203 = arith.constant 0 : i32
    %broadcast_in_dim3A_204 = vector.broadcast %broadcast_in_dim3A_203 : i32 to vector<16xi32>
    %get3A_205 = arith.constant 0 : index
    %get3A_206 = tpu.vector_load %arg5[%get3A_205] {strides = array<i32>} : memref<256xi32, #tpu.memory_space<vmem>>, vector<16xi32>,
    %gt3A = arith.constant 0 : i32
    %gt3A_207 = arith.cmpi sgt, %arg1, %gt3A : i32
    %broadcast_in_dim3A_208 = arith.constant 0 : i32
    %broadcast_in_dim3A_209 = vector.broadcast %broadcast_in_dim3A_208 : i32 to vector<16xi32>
    %select_n3A = arith.select %gt3A_207, %get3A_206, %broadcast_in_dim3A_209 : vector<16xi32>
    %add3A_210 = arith.addi %broadcast_in_dim3A_204, %select_n3A : vector<16xi32>
    %get3A_211 = arith.constant 16 : index
    %get3A_212 = tpu.vector_load %arg5[%get3A_211] {strides = array<i32>} : memref<256xi32, #tpu.memory_space<vmem>>, vector<16xi32>,
    %gt3A_213 = arith.constant 1 : i32
    %gt3A_214 = arith.cmpi sgt, %arg1, %gt3A_213 : i32
    %broadcast_in_dim3A_215 = arith.constant 0 : i32
    %broadcast_in_dim3A_216 = vector.broadcast %broadcast_in_dim3A_215 : i32 to vector<16xi32>
    %select_n3A_217 = arith.select %gt3A_214, %get3A_212, %broadcast_in_dim3A_216 : vector<16xi32>
    %add3A_218 = arith.addi %add3A_210, %select_n3A_217 : vector<16xi32>
    %get3A_219 = arith.constant 32 : index
    %get3A_220 = tpu.vector_load %arg5[%get3A_219] {strides = array<i32>} : memref<256xi32, #tpu.memory_space<vmem>>, vector<16xi32>,
    %gt3A_221 = arith.constant 2 : i32
    %gt3A_222 = arith.cmpi sgt, %arg1, %gt3A_221 : i32
    %broadcast_in_dim3A_223 = arith.constant 0 : i32
    %broadcast_in_dim3A_224 = vector.broadcast %broadcast_in_dim3A_223 : i32 to vector<16xi32>
    %select_n3A_225 = arith.select %gt3A_222, %get3A_220, %broadcast_in_dim3A_224 : vector<16xi32>
    %add3A_226 = arith.addi %add3A_218, %select_n3A_225 : vector<16xi32>
    %get3A_227 = arith.constant 48 : index
    %get3A_228 = tpu.vector_load %arg5[%get3A_227] {strides = array<i32>} : memref<256xi32, #tpu.memory_space<vmem>>, vector<16xi32>,
    %gt3A_229 = arith.constant 3 : i32
    %gt3A_230 = arith.cmpi sgt, %arg1, %gt3A_229 : i32
    %broadcast_in_dim3A_231 = arith.constant 0 : i32
    %broadcast_in_dim3A_232 = vector.broadcast %broadcast_in_dim3A_231 : i32 to vector<16xi32>
    %select_n3A_233 = arith.select %gt3A_230, %get3A_228, %broadcast_in_dim3A_232 : vector<16xi32>
    %add3A_234 = arith.addi %add3A_226, %select_n3A_233 : vector<16xi32>
    %get3A_235 = arith.constant 64 : index
    %get3A_236 = tpu.vector_load %arg5[%get3A_235] {strides = array<i32>} : memref<256xi32, #tpu.memory_space<vmem>>, vector<16xi32>,
    %gt3A_237 = arith.constant 4 : i32
    %gt3A_238 = arith.cmpi sgt, %arg1, %gt3A_237 : i32
    %broadcast_in_dim3A_239 = arith.constant 0 : i32
    %broadcast_in_dim3A_240 = vector.broadcast %broadcast_in_dim3A_239 : i32 to vector<16xi32>
    %select_n3A_241 = arith.select %gt3A_238, %get3A_236, %broadcast_in_dim3A_240 : vector<16xi32>
    %add3A_242 = arith.addi %add3A_234, %select_n3A_241 : vector<16xi32>
    %get3A_243 = arith.constant 80 : index
    %get3A_244 = tpu.vector_load %arg5[%get3A_243] {strides = array<i32>} : memref<256xi32, #tpu.memory_space<vmem>>, vector<16xi32>,
    %gt3A_245 = arith.constant 5 : i32
    %gt3A_246 = arith.cmpi sgt, %arg1, %gt3A_245 : i32
    %broadcast_in_dim3A_247 = arith.constant 0 : i32
    %broadcast_in_dim3A_248 = vector.broadcast %broadcast_in_dim3A_247 : i32 to vector<16xi32>
    %select_n3A_249 = arith.select %gt3A_246, %get3A_244, %broadcast_in_dim3A_248 : vector<16xi32>
    %add3A_250 = arith.addi %add3A_242, %select_n3A_249 : vector<16xi32>
    %get3A_251 = arith.constant 96 : index
    %get3A_252 = tpu.vector_load %arg5[%get3A_251] {strides = array<i32>} : memref<256xi32, #tpu.memory_space<vmem>>, vector<16xi32>,
    %gt3A_253 = arith.constant 6 : i32
    %gt3A_254 = arith.cmpi sgt, %arg1, %gt3A_253 : i32
    %broadcast_in_dim3A_255 = arith.constant 0 : i32
    %broadcast_in_dim3A_256 = vector.broadcast %broadcast_in_dim3A_255 : i32 to vector<16xi32>
    %select_n3A_257 = arith.select %gt3A_254, %get3A_252, %broadcast_in_dim3A_256 : vector<16xi32>
    %add3A_258 = arith.addi %add3A_250, %select_n3A_257 : vector<16xi32>
    %get3A_259 = arith.constant 112 : index
    %get3A_260 = tpu.vector_load %arg5[%get3A_259] {strides = array<i32>} : memref<256xi32, #tpu.memory_space<vmem>>, vector<16xi32>,
    %gt3A_261 = arith.constant 7 : i32
    %gt3A_262 = arith.cmpi sgt, %arg1, %gt3A_261 : i32
    %broadcast_in_dim3A_263 = arith.constant 0 : i32
    %broadcast_in_dim3A_264 = vector.broadcast %broadcast_in_dim3A_263 : i32 to vector<16xi32>
    %select_n3A_265 = arith.select %gt3A_262, %get3A_260, %broadcast_in_dim3A_264 : vector<16xi32>
    %add3A_266 = arith.addi %add3A_258, %select_n3A_265 : vector<16xi32>
    %get3A_267 = arith.constant 128 : index
    %get3A_268 = tpu.vector_load %arg5[%get3A_267] {strides = array<i32>} : memref<256xi32, #tpu.memory_space<vmem>>, vector<16xi32>,
    %gt3A_269 = arith.constant 8 : i32
    %gt3A_270 = arith.cmpi sgt, %arg1, %gt3A_269 : i32
    %broadcast_in_dim3A_271 = arith.constant 0 : i32
    %broadcast_in_dim3A_272 = vector.broadcast %broadcast_in_dim3A_271 : i32 to vector<16xi32>
    %select_n3A_273 = arith.select %gt3A_270, %get3A_268, %broadcast_in_dim3A_272 : vector<16xi32>
    %add3A_274 = arith.addi %add3A_266, %select_n3A_273 : vector<16xi32>
    %get3A_275 = arith.constant 144 : index
    %get3A_276 = tpu.vector_load %arg5[%get3A_275] {strides = array<i32>} : memref<256xi32, #tpu.memory_space<vmem>>, vector<16xi32>,
    %gt3A_277 = arith.constant 9 : i32
    %gt3A_278 = arith.cmpi sgt, %arg1, %gt3A_277 : i32
    %broadcast_in_dim3A_279 = arith.constant 0 : i32
    %broadcast_in_dim3A_280 = vector.broadcast %broadcast_in_dim3A_279 : i32 to vector<16xi32>
    %select_n3A_281 = arith.select %gt3A_278, %get3A_276, %broadcast_in_dim3A_280 : vector<16xi32>
    %add3A_282 = arith.addi %add3A_274, %select_n3A_281 : vector<16xi32>
    %get3A_283 = arith.constant 160 : index
    %get3A_284 = tpu.vector_load %arg5[%get3A_283] {strides = array<i32>} : memref<256xi32, #tpu.memory_space<vmem>>, vector<16xi32>,
    %gt3A_285 = arith.constant 10 : i32
    %gt3A_286 = arith.cmpi sgt, %arg1, %gt3A_285 : i32
    %broadcast_in_dim3A_287 = arith.constant 0 : i32
    %broadcast_in_dim3A_288 = vector.broadcast %broadcast_in_dim3A_287 : i32 to vector<16xi32>
    %select_n3A_289 = arith.select %gt3A_286, %get3A_284, %broadcast_in_dim3A_288 : vector<16xi32>
    %add3A_290 = arith.addi %add3A_282, %select_n3A_289 : vector<16xi32>
    %get3A_291 = arith.constant 176 : index
    %get3A_292 = tpu.vector_load %arg5[%get3A_291] {strides = array<i32>} : memref<256xi32, #tpu.memory_space<vmem>>, vector<16xi32>,
    %gt3A_293 = arith.constant 11 : i32
    %gt3A_294 = arith.cmpi sgt, %arg1, %gt3A_293 : i32
    %broadcast_in_dim3A_295 = arith.constant 0 : i32
    %broadcast_in_dim3A_296 = vector.broadcast %broadcast_in_dim3A_295 : i32 to vector<16xi32>
    %select_n3A_297 = arith.select %gt3A_294, %get3A_292, %broadcast_in_dim3A_296 : vector<16xi32>
    %add3A_298 = arith.addi %add3A_290, %select_n3A_297 : vector<16xi32>
    %get3A_299 = arith.constant 192 : index
    %get3A_300 = tpu.vector_load %arg5[%get3A_299] {strides = array<i32>} : memref<256xi32, #tpu.memory_space<vmem>>, vector<16xi32>,
    %gt3A_301 = arith.constant 12 : i32
    %gt3A_302 = arith.cmpi sgt, %arg1, %gt3A_301 : i32
    %broadcast_in_dim3A_303 = arith.constant 0 : i32
    %broadcast_in_dim3A_304 = vector.broadcast %broadcast_in_dim3A_303 : i32 to vector<16xi32>
    %select_n3A_305 = arith.select %gt3A_302, %get3A_300, %broadcast_in_dim3A_304 : vector<16xi32>
    %add3A_306 = arith.addi %add3A_298, %select_n3A_305 : vector<16xi32>
    %get3A_307 = arith.constant 208 : index
    %get3A_308 = tpu.vector_load %arg5[%get3A_307] {strides = array<i32>} : memref<256xi32, #tpu.memory_space<vmem>>, vector<16xi32>,
    %gt3A_309 = arith.constant 13 : i32
    %gt3A_310 = arith.cmpi sgt, %arg1, %gt3A_309 : i32
    %broadcast_in_dim3A_311 = arith.constant 0 : i32
    %broadcast_in_dim3A_312 = vector.broadcast %broadcast_in_dim3A_311 : i32 to vector<16xi32>
    %select_n3A_313 = arith.select %gt3A_310, %get3A_308, %broadcast_in_dim3A_312 : vector<16xi32>
    %add3A_314 = arith.addi %add3A_306, %select_n3A_313 : vector<16xi32>
    %get3A_315 = arith.constant 224 : index
    %get3A_316 = tpu.vector_load %arg5[%get3A_315] {strides = array<i32>} : memref<256xi32, #tpu.memory_space<vmem>>, vector<16xi32>,
    %gt3A_317 = arith.constant 14 : i32
    %gt3A_318 = arith.cmpi sgt, %arg1, %gt3A_317 : i32
    %broadcast_in_dim3A_319 = arith.constant 0 : i32
    %broadcast_in_dim3A_320 = vector.broadcast %broadcast_in_dim3A_319 : i32 to vector<16xi32>
    %select_n3A_321 = arith.select %gt3A_318, %get3A_316, %broadcast_in_dim3A_320 : vector<16xi32>
    %add3A_322 = arith.addi %add3A_314, %select_n3A_321 : vector<16xi32>
    %get3A_323 = arith.constant 240 : index
    %get3A_324 = tpu.vector_load %arg5[%get3A_323] {strides = array<i32>} : memref<256xi32, #tpu.memory_space<vmem>>, vector<16xi32>,
    %gt3A_325 = arith.constant 15 : i32
    %gt3A_326 = arith.cmpi sgt, %arg1, %gt3A_325 : i32
    %broadcast_in_dim3A_327 = arith.constant 0 : i32
    %broadcast_in_dim3A_328 = vector.broadcast %broadcast_in_dim3A_327 : i32 to vector<16xi32>
    %select_n3A_329 = arith.select %gt3A_326, %get3A_324, %broadcast_in_dim3A_328 : vector<16xi32>
    %add3A_330 = arith.addi %add3A_322, %select_n3A_329 : vector<16xi32>
    %reduce_max3A = arith.constant true
    %reduce_max3A_331 = vector.broadcast %reduce_max3A : i1 to vector<16xi1>
    %reduce_max3A_332 = arith.constant -2147483648 : i32
    %reduce_max3A_333 = vector.broadcast %reduce_max3A_332 : i32 to vector<16xi32>
    %reduce_max3A_334 = arith.xori %add3A_330, %reduce_max3A_333 : vector<16xi32>
    %reduce_max3A_335 = tpu.scan <max>, %reduce_max3A_334 masked %reduce_max3A_331 : vector<16xi32>, vector<16xi1> -> vector<16xi32>
    %reduce_max3A_336 = arith.xori %reduce_max3A_335, %reduce_max3A_333 : vector<16xi32>
    %reduce_max3A_337 = vector.extract %reduce_max3A_336[15] : i32 from vector<16xi32>
    %sub3A = arith.constant 1 : i32
    %sub3A_338 = arith.subi %reduce_max3A_337, %sub3A : i32
    %get3A_339 = arith.constant 0 : index
    %get3A_340 = tpu.vector_load %arg4[%get3A_339] {strides = array<i32>} : memref<1024xi32, #tpu.memory_space<vmem>>, vector<16xi32>,
    %cumsum3A = arith.constant true
    %cumsum3A_341 = vector.broadcast %cumsum3A : i1 to vector<16xi1>
    %cumsum3A_342 = tpu.scan <sum>, %get3A_340 masked %cumsum3A_341 : vector<16xi32>, vector<16xi1> -> vector<16xi32>
    %add3A_343 = vector.broadcast %sub3A_338 : i32 to vector<16xi32>
    %add3A_344 = arith.addi %cumsum3A_342, %add3A_343 : vector<16xi32>
    %jit3A = arith.constant 0 : i32
    %jit3A_345 = arith.constant 16383 : i32
    %max3A = vector.broadcast %jit3A : i32 to vector<16xi32>
    %max3A_346 = arith.maxsi %max3A, %add3A_344 : vector<16xi32>
    %min3A = vector.broadcast %jit3A_345 : i32 to vector<16xi32>
    %min3A_347 = arith.minsi %min3A, %max3A_346 : vector<16xi32>
    %swap3A_348 = arith.constant 0 : index
    %swap3A_349 = tpu.vector_load %arg7[%swap3A_348] {strides = array<i32>} : memref<1024xi32, #tpu.memory_space<vmem>>, vector<16xi32>,
    tpu.vector_store %arg7[%swap3A_348], %min3A_347 {strides = array<i32>} : memref<1024xi32, #tpu.memory_space<vmem>>, vector<16xi32>,
    %reduce_sum3A_350 = arith.constant true
    %reduce_sum3A_351 = vector.broadcast %reduce_sum3A_350 : i1 to vector<16xi1>
    %reduce_sum3A_352 = tpu.scan <sum>, %get3A_340 masked %reduce_sum3A_351 : vector<16xi32>, vector<16xi1> -> vector<16xi32>
    %reduce_sum3A_353 = vector.extract %reduce_sum3A_352[15] : i32 from vector<16xi32>
    %add3A_354 = arith.addi %sub3A_338, %reduce_sum3A_353 : i32
    %get3A_355 = arith.constant 16 : index
    %get3A_356 = tpu.vector_load %arg4[%get3A_355] {strides = array<i32>} : memref<1024xi32, #tpu.memory_space<vmem>>, vector<16xi32>,
    %cumsum3A_357 = arith.constant true
    %cumsum3A_358 = vector.broadcast %cumsum3A_357 : i1 to vector<16xi1>
    %cumsum3A_359 = tpu.scan <sum>, %get3A_356 masked %cumsum3A_358 : vector<16xi32>, vector<16xi1> -> vector<16xi32>
    %add3A_360 = vector.broadcast %add3A_354 : i32 to vector<16xi32>
    %add3A_361 = arith.addi %cumsum3A_359, %add3A_360 : vector<16xi32>
    %jit3A_362 = arith.constant 0 : i32
    %jit3A_363 = arith.constant 16383 : i32
    %max3A_364 = vector.broadcast %jit3A_362 : i32 to vector<16xi32>
    %max3A_365 = arith.maxsi %max3A_364, %add3A_361 : vector<16xi32>
    %min3A_366 = vector.broadcast %jit3A_363 : i32 to vector<16xi32>
    %min3A_367 = arith.minsi %min3A_366, %max3A_365 : vector<16xi32>
    %swap3A_368 = arith.constant 16 : index
    %swap3A_369 = tpu.vector_load %arg7[%swap3A_368] {strides = array<i32>} : memref<1024xi32, #tpu.memory_space<vmem>>, vector<16xi32>,
    tpu.vector_store %arg7[%swap3A_368], %min3A_367 {strides = array<i32>} : memref<1024xi32, #tpu.memory_space<vmem>>, vector<16xi32>,
    %reduce_sum3A_370 = arith.constant true
    %reduce_sum3A_371 = vector.broadcast %reduce_sum3A_370 : i1 to vector<16xi1>
    %reduce_sum3A_372 = tpu.scan <sum>, %get3A_356 masked %reduce_sum3A_371 : vector<16xi32>, vector<16xi1> -> vector<16xi32>
    %reduce_sum3A_373 = vector.extract %reduce_sum3A_372[15] : i32 from vector<16xi32>
    %add3A_374 = arith.addi %add3A_354, %reduce_sum3A_373 : i32
    %get3A_375 = arith.constant 32 : index
    %get3A_376 = tpu.vector_load %arg4[%get3A_375] {strides = array<i32>} : memref<1024xi32, #tpu.memory_space<vmem>>, vector<16xi32>,
    %cumsum3A_377 = arith.constant true
    %cumsum3A_378 = vector.broadcast %cumsum3A_377 : i1 to vector<16xi1>
    %cumsum3A_379 = tpu.scan <sum>, %get3A_376 masked %cumsum3A_378 : vector<16xi32>, vector<16xi1> -> vector<16xi32>
    %add3A_380 = vector.broadcast %add3A_374 : i32 to vector<16xi32>
    %add3A_381 = arith.addi %cumsum3A_379, %add3A_380 : vector<16xi32>
    %jit3A_382 = arith.constant 0 : i32
    %jit3A_383 = arith.constant 16383 : i32
    %max3A_384 = vector.broadcast %jit3A_382 : i32 to vector<16xi32>
    %max3A_385 = arith.maxsi %max3A_384, %add3A_381 : vector<16xi32>
    %min3A_386 = vector.broadcast %jit3A_383 : i32 to vector<16xi32>
    %min3A_387 = arith.minsi %min3A_386, %max3A_385 : vector<16xi32>
    %swap3A_388 = arith.constant 32 : index
    %swap3A_389 = tpu.vector_load %arg7[%swap3A_388] {strides = array<i32>} : memref<1024xi32, #tpu.memory_space<vmem>>, vector<16xi32>,
    tpu.vector_store %arg7[%swap3A_388], %min3A_387 {strides = array<i32>} : memref<1024xi32, #tpu.memory_space<vmem>>, vector<16xi32>,
    %reduce_sum3A_390 = arith.constant true
    %reduce_sum3A_391 = vector.broadcast %reduce_sum3A_390 : i1 to vector<16xi1>
    %reduce_sum3A_392 = tpu.scan <sum>, %get3A_376 masked %reduce_sum3A_391 : vector<16xi32>, vector<16xi1> -> vector<16xi32>
    %reduce_sum3A_393 = vector.extract %reduce_sum3A_392[15] : i32 from vector<16xi32>
    %add3A_394 = arith.addi %add3A_374, %reduce_sum3A_393 : i32
    %get3A_395 = arith.constant 48 : index
    %get3A_396 = tpu.vector_load %arg4[%get3A_395] {strides = array<i32>} : memref<1024xi32, #tpu.memory_space<vmem>>, vector<16xi32>,
    %cumsum3A_397 = arith.constant true
    %cumsum3A_398 = vector.broadcast %cumsum3A_397 : i1 to vector<16xi1>
    %cumsum3A_399 = tpu.scan <sum>, %get3A_396 masked %cumsum3A_398 : vector<16xi32>, vector<16xi1> -> vector<16xi32>
    %add3A_400 = vector.broadcast %add3A_394 : i32 to vector<16xi32>
    %add3A_401 = arith.addi %cumsum3A_399, %add3A_400 : vector<16xi32>
    %jit3A_402 = arith.constant 0 : i32
    %jit3A_403 = arith.constant 16383 : i32
    %max3A_404 = vector.broadcast %jit3A_402 : i32 to vector<16xi32>
    %max3A_405 = arith.maxsi %max3A_404, %add3A_401 : vector<16xi32>
    %min3A_406 = vector.broadcast %jit3A_403 : i32 to vector<16xi32>
    %min3A_407 = arith.minsi %min3A_406, %max3A_405 : vector<16xi32>
    %swap3A_408 = arith.constant 48 : index
    %swap3A_409 = tpu.vector_load %arg7[%swap3A_408] {strides = array<i32>} : memref<1024xi32, #tpu.memory_space<vmem>>, vector<16xi32>,
    tpu.vector_store %arg7[%swap3A_408], %min3A_407 {strides = array<i32>} : memref<1024xi32, #tpu.memory_space<vmem>>, vector<16xi32>,
    %reduce_sum3A_410 = arith.constant true
    %reduce_sum3A_411 = vector.broadcast %reduce_sum3A_410 : i1 to vector<16xi1>
    %reduce_sum3A_412 = tpu.scan <sum>, %get3A_396 masked %reduce_sum3A_411 : vector<16xi32>, vector<16xi1> -> vector<16xi32>
    %reduce_sum3A_413 = vector.extract %reduce_sum3A_412[15] : i32 from vector<16xi32>
    %add3A_414 = arith.addi %add3A_394, %reduce_sum3A_413 : i32
    %get3A_415 = arith.constant 64 : index
    %get3A_416 = tpu.vector_load %arg4[%get3A_415] {strides = array<i32>} : memref<1024xi32, #tpu.memory_space<vmem>>, vector<16xi32>,
    %cumsum3A_417 = arith.constant true
    %cumsum3A_418 = vector.broadcast %cumsum3A_417 : i1 to vector<16xi1>
    %cumsum3A_419 = tpu.scan <sum>, %get3A_416 masked %cumsum3A_418 : vector<16xi32>, vector<16xi1> -> vector<16xi32>
    %add3A_420 = vector.broadcast %add3A_414 : i32 to vector<16xi32>
    %add3A_421 = arith.addi %cumsum3A_419, %add3A_420 : vector<16xi32>
    %jit3A_422 = arith.constant 0 : i32
    %jit3A_423 = arith.constant 16383 : i32
    %max3A_424 = vector.broadcast %jit3A_422 : i32 to vector<16xi32>
    %max3A_425 = arith.maxsi %max3A_424, %add3A_421 : vector<16xi32>
    %min3A_426 = vector.broadcast %jit3A_423 : i32 to vector<16xi32>
    %min3A_427 = arith.minsi %min3A_426, %max3A_425 : vector<16xi32>
    %swap3A_428 = arith.constant 64 : index
    %swap3A_429 = tpu.vector_load %arg7[%swap3A_428] {strides = array<i32>} : memref<1024xi32, #tpu.memory_space<vmem>>, vector<16xi32>,
    tpu.vector_store %arg7[%swap3A_428], %min3A_427 {strides = array<i32>} : memref<1024xi32, #tpu.memory_space<vmem>>, vector<16xi32>,
    %reduce_sum3A_430 = arith.constant true
    %reduce_sum3A_431 = vector.broadcast %reduce_sum3A_430 : i1 to vector<16xi1>
    %reduce_sum3A_432 = tpu.scan <sum>, %get3A_416 masked %reduce_sum3A_431 : vector<16xi32>, vector<16xi1> -> vector<16xi32>
    %reduce_sum3A_433 = vector.extract %reduce_sum3A_432[15] : i32 from vector<16xi32>
    %add3A_434 = arith.addi %add3A_414, %reduce_sum3A_433 : i32
    %get3A_435 = arith.constant 80 : index
    %get3A_436 = tpu.vector_load %arg4[%get3A_435] {strides = array<i32>} : memref<1024xi32, #tpu.memory_space<vmem>>, vector<16xi32>,
    %cumsum3A_437 = arith.constant true
    %cumsum3A_438 = vector.broadcast %cumsum3A_437 : i1 to vector<16xi1>
    %cumsum3A_439 = tpu.scan <sum>, %get3A_436 masked %cumsum3A_438 : vector<16xi32>, vector<16xi1> -> vector<16xi32>
    %add3A_440 = vector.broadcast %add3A_434 : i32 to vector<16xi32>
    %add3A_441 = arith.addi %cumsum3A_439, %add3A_440 : vector<16xi32>
    %jit3A_442 = arith.constant 0 : i32
    %jit3A_443 = arith.constant 16383 : i32
    %max3A_444 = vector.broadcast %jit3A_442 : i32 to vector<16xi32>
    %max3A_445 = arith.maxsi %max3A_444, %add3A_441 : vector<16xi32>
    %min3A_446 = vector.broadcast %jit3A_443 : i32 to vector<16xi32>
    %min3A_447 = arith.minsi %min3A_446, %max3A_445 : vector<16xi32>
    %swap3A_448 = arith.constant 80 : index
    %swap3A_449 = tpu.vector_load %arg7[%swap3A_448] {strides = array<i32>} : memref<1024xi32, #tpu.memory_space<vmem>>, vector<16xi32>,
    tpu.vector_store %arg7[%swap3A_448], %min3A_447 {strides = array<i32>} : memref<1024xi32, #tpu.memory_space<vmem>>, vector<16xi32>,
    %reduce_sum3A_450 = arith.constant true
    %reduce_sum3A_451 = vector.broadcast %reduce_sum3A_450 : i1 to vector<16xi1>
    %reduce_sum3A_452 = tpu.scan <sum>, %get3A_436 masked %reduce_sum3A_451 : vector<16xi32>, vector<16xi1> -> vector<16xi32>
    %reduce_sum3A_453 = vector.extract %reduce_sum3A_452[15] : i32 from vector<16xi32>
    %add3A_454 = arith.addi %add3A_434, %reduce_sum3A_453 : i32
    %get3A_455 = arith.constant 96 : index
    %get3A_456 = tpu.vector_load %arg4[%get3A_455] {strides = array<i32>} : memref<1024xi32, #tpu.memory_space<vmem>>, vector<16xi32>,
    %cumsum3A_457 = arith.constant true
    %cumsum3A_458 = vector.broadcast %cumsum3A_457 : i1 to vector<16xi1>
    %cumsum3A_459 = tpu.scan <sum>, %get3A_456 masked %cumsum3A_458 : vector<16xi32>, vector<16xi1> -> vector<16xi32>
    %add3A_460 = vector.broadcast %add3A_454 : i32 to vector<16xi32>
    %add3A_461 = arith.addi %cumsum3A_459, %add3A_460 : vector<16xi32>
    %jit3A_462 = arith.constant 0 : i32
    %jit3A_463 = arith.constant 16383 : i32
    %max3A_464 = vector.broadcast %jit3A_462 : i32 to vector<16xi32>
    %max3A_465 = arith.maxsi %max3A_464, %add3A_461 : vector<16xi32>
    %min3A_466 = vector.broadcast %jit3A_463 : i32 to vector<16xi32>
    %min3A_467 = arith.minsi %min3A_466, %max3A_465 : vector<16xi32>
    %swap3A_468 = arith.constant 96 : index
    %swap3A_469 = tpu.vector_load %arg7[%swap3A_468] {strides = array<i32>} : memref<1024xi32, #tpu.memory_space<vmem>>, vector<16xi32>,
    tpu.vector_store %arg7[%swap3A_468], %min3A_467 {strides = array<i32>} : memref<1024xi32, #tpu.memory_space<vmem>>, vector<16xi32>,
    %reduce_sum3A_470 = arith.constant true
    %reduce_sum3A_471 = vector.broadcast %reduce_sum3A_470 : i1 to vector<16xi1>
    %reduce_sum3A_472 = tpu.scan <sum>, %get3A_456 masked %reduce_sum3A_471 : vector<16xi32>, vector<16xi1> -> vector<16xi32>
    %reduce_sum3A_473 = vector.extract %reduce_sum3A_472[15] : i32 from vector<16xi32>
    %add3A_474 = arith.addi %add3A_454, %reduce_sum3A_473 : i32
    %get3A_475 = arith.constant 112 : index
    %get3A_476 = tpu.vector_load %arg4[%get3A_475] {strides = array<i32>} : memref<1024xi32, #tpu.memory_space<vmem>>, vector<16xi32>,
    %cumsum3A_477 = arith.constant true
    %cumsum3A_478 = vector.broadcast %cumsum3A_477 : i1 to vector<16xi1>
    %cumsum3A_479 = tpu.scan <sum>, %get3A_476 masked %cumsum3A_478 : vector<16xi32>, vector<16xi1> -> vector<16xi32>
    %add3A_480 = vector.broadcast %add3A_474 : i32 to vector<16xi32>
    %add3A_481 = arith.addi %cumsum3A_479, %add3A_480 : vector<16xi32>
    %jit3A_482 = arith.constant 0 : i32
    %jit3A_483 = arith.constant 16383 : i32
    %max3A_484 = vector.broadcast %jit3A_482 : i32 to vector<16xi32>
    %max3A_485 = arith.maxsi %max3A_484, %add3A_481 : vector<16xi32>
    %min3A_486 = vector.broadcast %jit3A_483 : i32 to vector<16xi32>
    %min3A_487 = arith.minsi %min3A_486, %max3A_485 : vector<16xi32>
    %swap3A_488 = arith.constant 112 : index
    %swap3A_489 = tpu.vector_load %arg7[%swap3A_488] {strides = array<i32>} : memref<1024xi32, #tpu.memory_space<vmem>>, vector<16xi32>,
    tpu.vector_store %arg7[%swap3A_488], %min3A_487 {strides = array<i32>} : memref<1024xi32, #tpu.memory_space<vmem>>, vector<16xi32>,
    %reduce_sum3A_490 = arith.constant true
    %reduce_sum3A_491 = vector.broadcast %reduce_sum3A_490 : i1 to vector<16xi1>
    %reduce_sum3A_492 = tpu.scan <sum>, %get3A_476 masked %reduce_sum3A_491 : vector<16xi32>, vector<16xi1> -> vector<16xi32>
    %reduce_sum3A_493 = vector.extract %reduce_sum3A_492[15] : i32 from vector<16xi32>
    %add3A_494 = arith.addi %add3A_474, %reduce_sum3A_493 : i32
    %get3A_495 = arith.constant 128 : index
    %get3A_496 = tpu.vector_load %arg4[%get3A_495] {strides = array<i32>} : memref<1024xi32, #tpu.memory_space<vmem>>, vector<16xi32>,
    %cumsum3A_497 = arith.constant true
    %cumsum3A_498 = vector.broadcast %cumsum3A_497 : i1 to vector<16xi1>
    %cumsum3A_499 = tpu.scan <sum>, %get3A_496 masked %cumsum3A_498 : vector<16xi32>, vector<16xi1> -> vector<16xi32>
    %add3A_500 = vector.broadcast %add3A_494 : i32 to vector<16xi32>
    %add3A_501 = arith.addi %cumsum3A_499, %add3A_500 : vector<16xi32>
    %jit3A_502 = arith.constant 0 : i32
    %jit3A_503 = arith.constant 16383 : i32
    %max3A_504 = vector.broadcast %jit3A_502 : i32 to vector<16xi32>
    %max3A_505 = arith.maxsi %max3A_504, %add3A_501 : vector<16xi32>
    %min3A_506 = vector.broadcast %jit3A_503 : i32 to vector<16xi32>
    %min3A_507 = arith.minsi %min3A_506, %max3A_505 : vector<16xi32>
    %swap3A_508 = arith.constant 128 : index
    %swap3A_509 = tpu.vector_load %arg7[%swap3A_508] {strides = array<i32>} : memref<1024xi32, #tpu.memory_space<vmem>>, vector<16xi32>,
    tpu.vector_store %arg7[%swap3A_508], %min3A_507 {strides = array<i32>} : memref<1024xi32, #tpu.memory_space<vmem>>, vector<16xi32>,
    %reduce_sum3A_510 = arith.constant true
    %reduce_sum3A_511 = vector.broadcast %reduce_sum3A_510 : i1 to vector<16xi1>
    %reduce_sum3A_512 = tpu.scan <sum>, %get3A_496 masked %reduce_sum3A_511 : vector<16xi32>, vector<16xi1> -> vector<16xi32>
    %reduce_sum3A_513 = vector.extract %reduce_sum3A_512[15] : i32 from vector<16xi32>
    %add3A_514 = arith.addi %add3A_494, %reduce_sum3A_513 : i32
    %get3A_515 = arith.constant 144 : index
    %get3A_516 = tpu.vector_load %arg4[%get3A_515] {strides = array<i32>} : memref<1024xi32, #tpu.memory_space<vmem>>, vector<16xi32>,
    %cumsum3A_517 = arith.constant true
    %cumsum3A_518 = vector.broadcast %cumsum3A_517 : i1 to vector<16xi1>
    %cumsum3A_519 = tpu.scan <sum>, %get3A_516 masked %cumsum3A_518 : vector<16xi32>, vector<16xi1> -> vector<16xi32>
    %add3A_520 = vector.broadcast %add3A_514 : i32 to vector<16xi32>
    %add3A_521 = arith.addi %cumsum3A_519, %add3A_520 : vector<16xi32>
    %jit3A_522 = arith.constant 0 : i32
    %jit3A_523 = arith.constant 16383 : i32
    %max3A_524 = vector.broadcast %jit3A_522 : i32 to vector<16xi32>
    %max3A_525 = arith.maxsi %max3A_524, %add3A_521 : vector<16xi32>
    %min3A_526 = vector.broadcast %jit3A_523 : i32 to vector<16xi32>
    %min3A_527 = arith.minsi %min3A_526, %max3A_525 : vector<16xi32>
    %swap3A_528 = arith.constant 144 : index
    %swap3A_529 = tpu.vector_load %arg7[%swap3A_528] {strides = array<i32>} : memref<1024xi32, #tpu.memory_space<vmem>>, vector<16xi32>,
    tpu.vector_store %arg7[%swap3A_528], %min3A_527 {strides = array<i32>} : memref<1024xi32, #tpu.memory_space<vmem>>, vector<16xi32>,
    %reduce_sum3A_530 = arith.constant true
    %reduce_sum3A_531 = vector.broadcast %reduce_sum3A_530 : i1 to vector<16xi1>
    %reduce_sum3A_532 = tpu.scan <sum>, %get3A_516 masked %reduce_sum3A_531 : vector<16xi32>, vector<16xi1> -> vector<16xi32>
    %reduce_sum3A_533 = vector.extract %reduce_sum3A_532[15] : i32 from vector<16xi32>
    %add3A_534 = arith.addi %add3A_514, %reduce_sum3A_533 : i32
    %get3A_535 = arith.constant 160 : index
    %get3A_536 = tpu.vector_load %arg4[%get3A_535] {strides = array<i32>} : memref<1024xi32, #tpu.memory_space<vmem>>, vector<16xi32>,
    %cumsum3A_537 = arith.constant true
    %cumsum3A_538 = vector.broadcast %cumsum3A_537 : i1 to vector<16xi1>
    %cumsum3A_539 = tpu.scan <sum>, %get3A_536 masked %cumsum3A_538 : vector<16xi32>, vector<16xi1> -> vector<16xi32>
    %add3A_540 = vector.broadcast %add3A_534 : i32 to vector<16xi32>
    %add3A_541 = arith.addi %cumsum3A_539, %add3A_540 : vector<16xi32>
    %jit3A_542 = arith.constant 0 : i32
    %jit3A_543 = arith.constant 16383 : i32
    %max3A_544 = vector.broadcast %jit3A_542 : i32 to vector<16xi32>
    %max3A_545 = arith.maxsi %max3A_544, %add3A_541 : vector<16xi32>
    %min3A_546 = vector.broadcast %jit3A_543 : i32 to vector<16xi32>
    %min3A_547 = arith.minsi %min3A_546, %max3A_545 : vector<16xi32>
    %swap3A_548 = arith.constant 160 : index
    %swap3A_549 = tpu.vector_load %arg7[%swap3A_548] {strides = array<i32>} : memref<1024xi32, #tpu.memory_space<vmem>>, vector<16xi32>,
    tpu.vector_store %arg7[%swap3A_548], %min3A_547 {strides = array<i32>} : memref<1024xi32, #tpu.memory_space<vmem>>, vector<16xi32>,
    %reduce_sum3A_550 = arith.constant true
    %reduce_sum3A_551 = vector.broadcast %reduce_sum3A_550 : i1 to vector<16xi1>
    %reduce_sum3A_552 = tpu.scan <sum>, %get3A_536 masked %reduce_sum3A_551 : vector<16xi32>, vector<16xi1> -> vector<16xi32>
    %reduce_sum3A_553 = vector.extract %reduce_sum3A_552[15] : i32 from vector<16xi32>
    %add3A_554 = arith.addi %add3A_534, %reduce_sum3A_553 : i32
    %get3A_555 = arith.constant 176 : index
    %get3A_556 = tpu.vector_load %arg4[%get3A_555] {strides = array<i32>} : memref<1024xi32, #tpu.memory_space<vmem>>, vector<16xi32>,
    %cumsum3A_557 = arith.constant true
    %cumsum3A_558 = vector.broadcast %cumsum3A_557 : i1 to vector<16xi1>
    %cumsum3A_559 = tpu.scan <sum>, %get3A_556 masked %cumsum3A_558 : vector<16xi32>, vector<16xi1> -> vector<16xi32>
    %add3A_560 = vector.broadcast %add3A_554 : i32 to vector<16xi32>
    %add3A_561 = arith.addi %cumsum3A_559, %add3A_560 : vector<16xi32>
    %jit3A_562 = arith.constant 0 : i32
    %jit3A_563 = arith.constant 16383 : i32
    %max3A_564 = vector.broadcast %jit3A_562 : i32 to vector<16xi32>
    %max3A_565 = arith.maxsi %max3A_564, %add3A_561 : vector<16xi32>
    %min3A_566 = vector.broadcast %jit3A_563 : i32 to vector<16xi32>
    %min3A_567 = arith.minsi %min3A_566, %max3A_565 : vector<16xi32>
    %swap3A_568 = arith.constant 176 : index
    %swap3A_569 = tpu.vector_load %arg7[%swap3A_568] {strides = array<i32>} : memref<1024xi32, #tpu.memory_space<vmem>>, vector<16xi32>,
    tpu.vector_store %arg7[%swap3A_568], %min3A_567 {strides = array<i32>} : memref<1024xi32, #tpu.memory_space<vmem>>, vector<16xi32>,
    %reduce_sum3A_570 = arith.constant true
    %reduce_sum3A_571 = vector.broadcast %reduce_sum3A_570 : i1 to vector<16xi1>
    %reduce_sum3A_572 = tpu.scan <sum>, %get3A_556 masked %reduce_sum3A_571 : vector<16xi32>, vector<16xi1> -> vector<16xi32>
    %reduce_sum3A_573 = vector.extract %reduce_sum3A_572[15] : i32 from vector<16xi32>
    %add3A_574 = arith.addi %add3A_554, %reduce_sum3A_573 : i32
    %get3A_575 = arith.constant 192 : index
    %get3A_576 = tpu.vector_load %arg4[%get3A_575] {strides = array<i32>} : memref<1024xi32, #tpu.memory_space<vmem>>, vector<16xi32>,
    %cumsum3A_577 = arith.constant true
    %cumsum3A_578 = vector.broadcast %cumsum3A_577 : i1 to vector<16xi1>
    %cumsum3A_579 = tpu.scan <sum>, %get3A_576 masked %cumsum3A_578 : vector<16xi32>, vector<16xi1> -> vector<16xi32>
    %add3A_580 = vector.broadcast %add3A_574 : i32 to vector<16xi32>
    %add3A_581 = arith.addi %cumsum3A_579, %add3A_580 : vector<16xi32>
    %jit3A_582 = arith.constant 0 : i32
    %jit3A_583 = arith.constant 16383 : i32
    %max3A_584 = vector.broadcast %jit3A_582 : i32 to vector<16xi32>
    %max3A_585 = arith.maxsi %max3A_584, %add3A_581 : vector<16xi32>
    %min3A_586 = vector.broadcast %jit3A_583 : i32 to vector<16xi32>
    %min3A_587 = arith.minsi %min3A_586, %max3A_585 : vector<16xi32>
    %swap3A_588 = arith.constant 192 : index
    %swap3A_589 = tpu.vector_load %arg7[%swap3A_588] {strides = array<i32>} : memref<1024xi32, #tpu.memory_space<vmem>>, vector<16xi32>,
    tpu.vector_store %arg7[%swap3A_588], %min3A_587 {strides = array<i32>} : memref<1024xi32, #tpu.memory_space<vmem>>, vector<16xi32>,
    %reduce_sum3A_590 = arith.constant true
    %reduce_sum3A_591 = vector.broadcast %reduce_sum3A_590 : i1 to vector<16xi1>
    %reduce_sum3A_592 = tpu.scan <sum>, %get3A_576 masked %reduce_sum3A_591 : vector<16xi32>, vector<16xi1> -> vector<16xi32>
    %reduce_sum3A_593 = vector.extract %reduce_sum3A_592[15] : i32 from vector<16xi32>
    %add3A_594 = arith.addi %add3A_574, %reduce_sum3A_593 : i32
    %get3A_595 = arith.constant 208 : index
    %get3A_596 = tpu.vector_load %arg4[%get3A_595] {strides = array<i32>} : memref<1024xi32, #tpu.memory_space<vmem>>, vector<16xi32>,
    %cumsum3A_597 = arith.constant true
    %cumsum3A_598 = vector.broadcast %cumsum3A_597 : i1 to vector<16xi1>
    %cumsum3A_599 = tpu.scan <sum>, %get3A_596 masked %cumsum3A_598 : vector<16xi32>, vector<16xi1> -> vector<16xi32>
    %add3A_600 = vector.broadcast %add3A_594 : i32 to vector<16xi32>
    %add3A_601 = arith.addi %cumsum3A_599, %add3A_600 : vector<16xi32>
    %jit3A_602 = arith.constant 0 : i32
    %jit3A_603 = arith.constant 16383 : i32
    %max3A_604 = vector.broadcast %jit3A_602 : i32 to vector<16xi32>
    %max3A_605 = arith.maxsi %max3A_604, %add3A_601 : vector<16xi32>
    %min3A_606 = vector.broadcast %jit3A_603 : i32 to vector<16xi32>
    %min3A_607 = arith.minsi %min3A_606, %max3A_605 : vector<16xi32>
    %swap3A_608 = arith.constant 208 : index
    %swap3A_609 = tpu.vector_load %arg7[%swap3A_608] {strides = array<i32>} : memref<1024xi32, #tpu.memory_space<vmem>>, vector<16xi32>,
    tpu.vector_store %arg7[%swap3A_608], %min3A_607 {strides = array<i32>} : memref<1024xi32, #tpu.memory_space<vmem>>, vector<16xi32>,
    %reduce_sum3A_610 = arith.constant true
    %reduce_sum3A_611 = vector.broadcast %reduce_sum3A_610 : i1 to vector<16xi1>
    %reduce_sum3A_612 = tpu.scan <sum>, %get3A_596 masked %reduce_sum3A_611 : vector<16xi32>, vector<16xi1> -> vector<16xi32>
    %reduce_sum3A_613 = vector.extract %reduce_sum3A_612[15] : i32 from vector<16xi32>
    %add3A_614 = arith.addi %add3A_594, %reduce_sum3A_613 : i32
    %get3A_615 = arith.constant 224 : index
    %get3A_616 = tpu.vector_load %arg4[%get3A_615] {strides = array<i32>} : memref<1024xi32, #tpu.memory_space<vmem>>, vector<16xi32>,
    %cumsum3A_617 = arith.constant true
    %cumsum3A_618 = vector.broadcast %cumsum3A_617 : i1 to vector<16xi1>
    %cumsum3A_619 = tpu.scan <sum>, %get3A_616 masked %cumsum3A_618 : vector<16xi32>, vector<16xi1> -> vector<16xi32>
    %add3A_620 = vector.broadcast %add3A_614 : i32 to vector<16xi32>
    %add3A_621 = arith.addi %cumsum3A_619, %add3A_620 : vector<16xi32>
    %jit3A_622 = arith.constant 0 : i32
    %jit3A_623 = arith.constant 16383 : i32
    %max3A_624 = vector.broadcast %jit3A_622 : i32 to vector<16xi32>
    %max3A_625 = arith.maxsi %max3A_624, %add3A_621 : vector<16xi32>
    %min3A_626 = vector.broadcast %jit3A_623 : i32 to vector<16xi32>
    %min3A_627 = arith.minsi %min3A_626, %max3A_625 : vector<16xi32>
    %swap3A_628 = arith.constant 224 : index
    %swap3A_629 = tpu.vector_load %arg7[%swap3A_628] {strides = array<i32>} : memref<1024xi32, #tpu.memory_space<vmem>>, vector<16xi32>,
    tpu.vector_store %arg7[%swap3A_628], %min3A_627 {strides = array<i32>} : memref<1024xi32, #tpu.memory_space<vmem>>, vector<16xi32>,
    %reduce_sum3A_630 = arith.constant true
    %reduce_sum3A_631 = vector.broadcast %reduce_sum3A_630 : i1 to vector<16xi1>
    %reduce_sum3A_632 = tpu.scan <sum>, %get3A_616 masked %reduce_sum3A_631 : vector<16xi32>, vector<16xi1> -> vector<16xi32>
    %reduce_sum3A_633 = vector.extract %reduce_sum3A_632[15] : i32 from vector<16xi32>
    %add3A_634 = arith.addi %add3A_614, %reduce_sum3A_633 : i32
    %get3A_635 = arith.constant 240 : index
    %get3A_636 = tpu.vector_load %arg4[%get3A_635] {strides = array<i32>} : memref<1024xi32, #tpu.memory_space<vmem>>, vector<16xi32>,
    %cumsum3A_637 = arith.constant true
    %cumsum3A_638 = vector.broadcast %cumsum3A_637 : i1 to vector<16xi1>
    %cumsum3A_639 = tpu.scan <sum>, %get3A_636 masked %cumsum3A_638 : vector<16xi32>, vector<16xi1> -> vector<16xi32>
    %add3A_640 = vector.broadcast %add3A_634 : i32 to vector<16xi32>
    %add3A_641 = arith.addi %cumsum3A_639, %add3A_640 : vector<16xi32>
    %jit3A_642 = arith.constant 0 : i32
    %jit3A_643 = arith.constant 16383 : i32
    %max3A_644 = vector.broadcast %jit3A_642 : i32 to vector<16xi32>
    %max3A_645 = arith.maxsi %max3A_644, %add3A_641 : vector<16xi32>
    %min3A_646 = vector.broadcast %jit3A_643 : i32 to vector<16xi32>
    %min3A_647 = arith.minsi %min3A_646, %max3A_645 : vector<16xi32>
    %swap3A_648 = arith.constant 240 : index
    %swap3A_649 = tpu.vector_load %arg7[%swap3A_648] {strides = array<i32>} : memref<1024xi32, #tpu.memory_space<vmem>>, vector<16xi32>,
    tpu.vector_store %arg7[%swap3A_648], %min3A_647 {strides = array<i32>} : memref<1024xi32, #tpu.memory_space<vmem>>, vector<16xi32>,
    %reduce_sum3A_650 = arith.constant true
    %reduce_sum3A_651 = vector.broadcast %reduce_sum3A_650 : i1 to vector<16xi1>
    %reduce_sum3A_652 = tpu.scan <sum>, %get3A_636 masked %reduce_sum3A_651 : vector<16xi32>, vector<16xi1> -> vector<16xi32>
    %reduce_sum3A_653 = vector.extract %reduce_sum3A_652[15] : i32 from vector<16xi32>
    %add3A_654 = arith.addi %add3A_634, %reduce_sum3A_653 : i32
    %get3A_655 = arith.constant 256 : index
    %get3A_656 = tpu.vector_load %arg4[%get3A_655] {strides = array<i32>} : memref<1024xi32, #tpu.memory_space<vmem>>, vector<16xi32>,
    %cumsum3A_657 = arith.constant true
    %cumsum3A_658 = vector.broadcast %cumsum3A_657 : i1 to vector<16xi1>
    %cumsum3A_659 = tpu.scan <sum>, %get3A_656 masked %cumsum3A_658 : vector<16xi32>, vector<16xi1> -> vector<16xi32>
    %add3A_660 = vector.broadcast %add3A_654 : i32 to vector<16xi32>
    %add3A_661 = arith.addi %cumsum3A_659, %add3A_660 : vector<16xi32>
    %jit3A_662 = arith.constant 0 : i32
    %jit3A_663 = arith.constant 16383 : i32
    %max3A_664 = vector.broadcast %jit3A_662 : i32 to vector<16xi32>
    %max3A_665 = arith.maxsi %max3A_664, %add3A_661 : vector<16xi32>
    %min3A_666 = vector.broadcast %jit3A_663 : i32 to vector<16xi32>
    %min3A_667 = arith.minsi %min3A_666, %max3A_665 : vector<16xi32>
    %swap3A_668 = arith.constant 256 : index
    %swap3A_669 = tpu.vector_load %arg7[%swap3A_668] {strides = array<i32>} : memref<1024xi32, #tpu.memory_space<vmem>>, vector<16xi32>,
    tpu.vector_store %arg7[%swap3A_668], %min3A_667 {strides = array<i32>} : memref<1024xi32, #tpu.memory_space<vmem>>, vector<16xi32>,
    %reduce_sum3A_670 = arith.constant true
    %reduce_sum3A_671 = vector.broadcast %reduce_sum3A_670 : i1 to vector<16xi1>
    %reduce_sum3A_672 = tpu.scan <sum>, %get3A_656 masked %reduce_sum3A_671 : vector<16xi32>, vector<16xi1> -> vector<16xi32>
    %reduce_sum3A_673 = vector.extract %reduce_sum3A_672[15] : i32 from vector<16xi32>
    %add3A_674 = arith.addi %add3A_654, %reduce_sum3A_673 : i32
    %get3A_675 = arith.constant 272 : index
    %get3A_676 = tpu.vector_load %arg4[%get3A_675] {strides = array<i32>} : memref<1024xi32, #tpu.memory_space<vmem>>, vector<16xi32>,
    %cumsum3A_677 = arith.constant true
    %cumsum3A_678 = vector.broadcast %cumsum3A_677 : i1 to vector<16xi1>
    %cumsum3A_679 = tpu.scan <sum>, %get3A_676 masked %cumsum3A_678 : vector<16xi32>, vector<16xi1> -> vector<16xi32>
    %add3A_680 = vector.broadcast %add3A_674 : i32 to vector<16xi32>
    %add3A_681 = arith.addi %cumsum3A_679, %add3A_680 : vector<16xi32>
    %jit3A_682 = arith.constant 0 : i32
    %jit3A_683 = arith.constant 16383 : i32
    %max3A_684 = vector.broadcast %jit3A_682 : i32 to vector<16xi32>
    %max3A_685 = arith.maxsi %max3A_684, %add3A_681 : vector<16xi32>
    %min3A_686 = vector.broadcast %jit3A_683 : i32 to vector<16xi32>
    %min3A_687 = arith.minsi %min3A_686, %max3A_685 : vector<16xi32>
    %swap3A_688 = arith.constant 272 : index
    %swap3A_689 = tpu.vector_load %arg7[%swap3A_688] {strides = array<i32>} : memref<1024xi32, #tpu.memory_space<vmem>>, vector<16xi32>,
    tpu.vector_store %arg7[%swap3A_688], %min3A_687 {strides = array<i32>} : memref<1024xi32, #tpu.memory_space<vmem>>, vector<16xi32>,
    %reduce_sum3A_690 = arith.constant true
    %reduce_sum3A_691 = vector.broadcast %reduce_sum3A_690 : i1 to vector<16xi1>
    %reduce_sum3A_692 = tpu.scan <sum>, %get3A_676 masked %reduce_sum3A_691 : vector<16xi32>, vector<16xi1> -> vector<16xi32>
    %reduce_sum3A_693 = vector.extract %reduce_sum3A_692[15] : i32 from vector<16xi32>
    %add3A_694 = arith.addi %add3A_674, %reduce_sum3A_693 : i32
    %get3A_695 = arith.constant 288 : index
    %get3A_696 = tpu.vector_load %arg4[%get3A_695] {strides = array<i32>} : memref<1024xi32, #tpu.memory_space<vmem>>, vector<16xi32>,
    %cumsum3A_697 = arith.constant true
    %cumsum3A_698 = vector.broadcast %cumsum3A_697 : i1 to vector<16xi1>
    %cumsum3A_699 = tpu.scan <sum>, %get3A_696 masked %cumsum3A_698 : vector<16xi32>, vector<16xi1> -> vector<16xi32>
    %add3A_700 = vector.broadcast %add3A_694 : i32 to vector<16xi32>
    %add3A_701 = arith.addi %cumsum3A_699, %add3A_700 : vector<16xi32>
    %jit3A_702 = arith.constant 0 : i32
    %jit3A_703 = arith.constant 16383 : i32
    %max3A_704 = vector.broadcast %jit3A_702 : i32 to vector<16xi32>
    %max3A_705 = arith.maxsi %max3A_704, %add3A_701 : vector<16xi32>
    %min3A_706 = vector.broadcast %jit3A_703 : i32 to vector<16xi32>
    %min3A_707 = arith.minsi %min3A_706, %max3A_705 : vector<16xi32>
    %swap3A_708 = arith.constant 288 : index
    %swap3A_709 = tpu.vector_load %arg7[%swap3A_708] {strides = array<i32>} : memref<1024xi32, #tpu.memory_space<vmem>>, vector<16xi32>,
    tpu.vector_store %arg7[%swap3A_708], %min3A_707 {strides = array<i32>} : memref<1024xi32, #tpu.memory_space<vmem>>, vector<16xi32>,
    %reduce_sum3A_710 = arith.constant true
    %reduce_sum3A_711 = vector.broadcast %reduce_sum3A_710 : i1 to vector<16xi1>
    %reduce_sum3A_712 = tpu.scan <sum>, %get3A_696 masked %reduce_sum3A_711 : vector<16xi32>, vector<16xi1> -> vector<16xi32>
    %reduce_sum3A_713 = vector.extract %reduce_sum3A_712[15] : i32 from vector<16xi32>
    %add3A_714 = arith.addi %add3A_694, %reduce_sum3A_713 : i32
    %get3A_715 = arith.constant 304 : index
    %get3A_716 = tpu.vector_load %arg4[%get3A_715] {strides = array<i32>} : memref<1024xi32, #tpu.memory_space<vmem>>, vector<16xi32>,
    %cumsum3A_717 = arith.constant true
    %cumsum3A_718 = vector.broadcast %cumsum3A_717 : i1 to vector<16xi1>
    %cumsum3A_719 = tpu.scan <sum>, %get3A_716 masked %cumsum3A_718 : vector<16xi32>, vector<16xi1> -> vector<16xi32>
    %add3A_720 = vector.broadcast %add3A_714 : i32 to vector<16xi32>
    %add3A_721 = arith.addi %cumsum3A_719, %add3A_720 : vector<16xi32>
    %jit3A_722 = arith.constant 0 : i32
    %jit3A_723 = arith.constant 16383 : i32
    %max3A_724 = vector.broadcast %jit3A_722 : i32 to vector<16xi32>
    %max3A_725 = arith.maxsi %max3A_724, %add3A_721 : vector<16xi32>
    %min3A_726 = vector.broadcast %jit3A_723 : i32 to vector<16xi32>
    %min3A_727 = arith.minsi %min3A_726, %max3A_725 : vector<16xi32>
    %swap3A_728 = arith.constant 304 : index
    %swap3A_729 = tpu.vector_load %arg7[%swap3A_728] {strides = array<i32>} : memref<1024xi32, #tpu.memory_space<vmem>>, vector<16xi32>,
    tpu.vector_store %arg7[%swap3A_728], %min3A_727 {strides = array<i32>} : memref<1024xi32, #tpu.memory_space<vmem>>, vector<16xi32>,
    %reduce_sum3A_730 = arith.constant true
    %reduce_sum3A_731 = vector.broadcast %reduce_sum3A_730 : i1 to vector<16xi1>
    %reduce_sum3A_732 = tpu.scan <sum>, %get3A_716 masked %reduce_sum3A_731 : vector<16xi32>, vector<16xi1> -> vector<16xi32>
    %reduce_sum3A_733 = vector.extract %reduce_sum3A_732[15] : i32 from vector<16xi32>
    %add3A_734 = arith.addi %add3A_714, %reduce_sum3A_733 : i32
    %get3A_735 = arith.constant 320 : index
    %get3A_736 = tpu.vector_load %arg4[%get3A_735] {strides = array<i32>} : memref<1024xi32, #tpu.memory_space<vmem>>, vector<16xi32>,
    %cumsum3A_737 = arith.constant true
    %cumsum3A_738 = vector.broadcast %cumsum3A_737 : i1 to vector<16xi1>
    %cumsum3A_739 = tpu.scan <sum>, %get3A_736 masked %cumsum3A_738 : vector<16xi32>, vector<16xi1> -> vector<16xi32>
    %add3A_740 = vector.broadcast %add3A_734 : i32 to vector<16xi32>
    %add3A_741 = arith.addi %cumsum3A_739, %add3A_740 : vector<16xi32>
    %jit3A_742 = arith.constant 0 : i32
    %jit3A_743 = arith.constant 16383 : i32
    %max3A_744 = vector.broadcast %jit3A_742 : i32 to vector<16xi32>
    %max3A_745 = arith.maxsi %max3A_744, %add3A_741 : vector<16xi32>
    %min3A_746 = vector.broadcast %jit3A_743 : i32 to vector<16xi32>
    %min3A_747 = arith.minsi %min3A_746, %max3A_745 : vector<16xi32>
    %swap3A_748 = arith.constant 320 : index
    %swap3A_749 = tpu.vector_load %arg7[%swap3A_748] {strides = array<i32>} : memref<1024xi32, #tpu.memory_space<vmem>>, vector<16xi32>,
    tpu.vector_store %arg7[%swap3A_748], %min3A_747 {strides = array<i32>} : memref<1024xi32, #tpu.memory_space<vmem>>, vector<16xi32>,
    %reduce_sum3A_750 = arith.constant true
    %reduce_sum3A_751 = vector.broadcast %reduce_sum3A_750 : i1 to vector<16xi1>
    %reduce_sum3A_752 = tpu.scan <sum>, %get3A_736 masked %reduce_sum3A_751 : vector<16xi32>, vector<16xi1> -> vector<16xi32>
    %reduce_sum3A_753 = vector.extract %reduce_sum3A_752[15] : i32 from vector<16xi32>
    %add3A_754 = arith.addi %add3A_734, %reduce_sum3A_753 : i32
    %get3A_755 = arith.constant 336 : index
    %get3A_756 = tpu.vector_load %arg4[%get3A_755] {strides = array<i32>} : memref<1024xi32, #tpu.memory_space<vmem>>, vector<16xi32>,
    %cumsum3A_757 = arith.constant true
    %cumsum3A_758 = vector.broadcast %cumsum3A_757 : i1 to vector<16xi1>
    %cumsum3A_759 = tpu.scan <sum>, %get3A_756 masked %cumsum3A_758 : vector<16xi32>, vector<16xi1> -> vector<16xi32>
    %add3A_760 = vector.broadcast %add3A_754 : i32 to vector<16xi32>
    %add3A_761 = arith.addi %cumsum3A_759, %add3A_760 : vector<16xi32>
    %jit3A_762 = arith.constant 0 : i32
    %jit3A_763 = arith.constant 16383 : i32
    %max3A_764 = vector.broadcast %jit3A_762 : i32 to vector<16xi32>
    %max3A_765 = arith.maxsi %max3A_764, %add3A_761 : vector<16xi32>
    %min3A_766 = vector.broadcast %jit3A_763 : i32 to vector<16xi32>
    %min3A_767 = arith.minsi %min3A_766, %max3A_765 : vector<16xi32>
    %swap3A_768 = arith.constant 336 : index
    %swap3A_769 = tpu.vector_load %arg7[%swap3A_768] {strides = array<i32>} : memref<1024xi32, #tpu.memory_space<vmem>>, vector<16xi32>,
    tpu.vector_store %arg7[%swap3A_768], %min3A_767 {strides = array<i32>} : memref<1024xi32, #tpu.memory_space<vmem>>, vector<16xi32>,
    %reduce_sum3A_770 = arith.constant true
    %reduce_sum3A_771 = vector.broadcast %reduce_sum3A_770 : i1 to vector<16xi1>
    %reduce_sum3A_772 = tpu.scan <sum>, %get3A_756 masked %reduce_sum3A_771 : vector<16xi32>, vector<16xi1> -> vector<16xi32>
    %reduce_sum3A_773 = vector.extract %reduce_sum3A_772[15] : i32 from vector<16xi32>
    %add3A_774 = arith.addi %add3A_754, %reduce_sum3A_773 : i32
    %get3A_775 = arith.constant 352 : index
    %get3A_776 = tpu.vector_load %arg4[%get3A_775] {strides = array<i32>} : memref<1024xi32, #tpu.memory_space<vmem>>, vector<16xi32>,
    %cumsum3A_777 = arith.constant true
    %cumsum3A_778 = vector.broadcast %cumsum3A_777 : i1 to vector<16xi1>
    %cumsum3A_779 = tpu.scan <sum>, %get3A_776 masked %cumsum3A_778 : vector<16xi32>, vector<16xi1> -> vector<16xi32>
    %add3A_780 = vector.broadcast %add3A_774 : i32 to vector<16xi32>
    %add3A_781 = arith.addi %cumsum3A_779, %add3A_780 : vector<16xi32>
    %jit3A_782 = arith.constant 0 : i32
    %jit3A_783 = arith.constant 16383 : i32
    %max3A_784 = vector.broadcast %jit3A_782 : i32 to vector<16xi32>
    %max3A_785 = arith.maxsi %max3A_784, %add3A_781 : vector<16xi32>
    %min3A_786 = vector.broadcast %jit3A_783 : i32 to vector<16xi32>
    %min3A_787 = arith.minsi %min3A_786, %max3A_785 : vector<16xi32>
    %swap3A_788 = arith.constant 352 : index
    %swap3A_789 = tpu.vector_load %arg7[%swap3A_788] {strides = array<i32>} : memref<1024xi32, #tpu.memory_space<vmem>>, vector<16xi32>,
    tpu.vector_store %arg7[%swap3A_788], %min3A_787 {strides = array<i32>} : memref<1024xi32, #tpu.memory_space<vmem>>, vector<16xi32>,
    %reduce_sum3A_790 = arith.constant true
    %reduce_sum3A_791 = vector.broadcast %reduce_sum3A_790 : i1 to vector<16xi1>
    %reduce_sum3A_792 = tpu.scan <sum>, %get3A_776 masked %reduce_sum3A_791 : vector<16xi32>, vector<16xi1> -> vector<16xi32>
    %reduce_sum3A_793 = vector.extract %reduce_sum3A_792[15] : i32 from vector<16xi32>
    %add3A_794 = arith.addi %add3A_774, %reduce_sum3A_793 : i32
    %get3A_795 = arith.constant 368 : index
    %get3A_796 = tpu.vector_load %arg4[%get3A_795] {strides = array<i32>} : memref<1024xi32, #tpu.memory_space<vmem>>, vector<16xi32>,
    %cumsum3A_797 = arith.constant true
    %cumsum3A_798 = vector.broadcast %cumsum3A_797 : i1 to vector<16xi1>
    %cumsum3A_799 = tpu.scan <sum>, %get3A_796 masked %cumsum3A_798 : vector<16xi32>, vector<16xi1> -> vector<16xi32>
    %add3A_800 = vector.broadcast %add3A_794 : i32 to vector<16xi32>
    %add3A_801 = arith.addi %cumsum3A_799, %add3A_800 : vector<16xi32>
    %jit3A_802 = arith.constant 0 : i32
    %jit3A_803 = arith.constant 16383 : i32
    %max3A_804 = vector.broadcast %jit3A_802 : i32 to vector<16xi32>
    %max3A_805 = arith.maxsi %max3A_804, %add3A_801 : vector<16xi32>
    %min3A_806 = vector.broadcast %jit3A_803 : i32 to vector<16xi32>
    %min3A_807 = arith.minsi %min3A_806, %max3A_805 : vector<16xi32>
    %swap3A_808 = arith.constant 368 : index
    %swap3A_809 = tpu.vector_load %arg7[%swap3A_808] {strides = array<i32>} : memref<1024xi32, #tpu.memory_space<vmem>>, vector<16xi32>,
    tpu.vector_store %arg7[%swap3A_808], %min3A_807 {strides = array<i32>} : memref<1024xi32, #tpu.memory_space<vmem>>, vector<16xi32>,
    %reduce_sum3A_810 = arith.constant true
    %reduce_sum3A_811 = vector.broadcast %reduce_sum3A_810 : i1 to vector<16xi1>
    %reduce_sum3A_812 = tpu.scan <sum>, %get3A_796 masked %reduce_sum3A_811 : vector<16xi32>, vector<16xi1> -> vector<16xi32>
    %reduce_sum3A_813 = vector.extract %reduce_sum3A_812[15] : i32 from vector<16xi32>
    %add3A_814 = arith.addi %add3A_794, %reduce_sum3A_813 : i32
    %get3A_815 = arith.constant 384 : index
    %get3A_816 = tpu.vector_load %arg4[%get3A_815] {strides = array<i32>} : memref<1024xi32, #tpu.memory_space<vmem>>, vector<16xi32>,
    %cumsum3A_817 = arith.constant true
    %cumsum3A_818 = vector.broadcast %cumsum3A_817 : i1 to vector<16xi1>
    %cumsum3A_819 = tpu.scan <sum>, %get3A_816 masked %cumsum3A_818 : vector<16xi32>, vector<16xi1> -> vector<16xi32>
    %add3A_820 = vector.broadcast %add3A_814 : i32 to vector<16xi32>
    %add3A_821 = arith.addi %cumsum3A_819, %add3A_820 : vector<16xi32>
    %jit3A_822 = arith.constant 0 : i32
    %jit3A_823 = arith.constant 16383 : i32
    %max3A_824 = vector.broadcast %jit3A_822 : i32 to vector<16xi32>
    %max3A_825 = arith.maxsi %max3A_824, %add3A_821 : vector<16xi32>
    %min3A_826 = vector.broadcast %jit3A_823 : i32 to vector<16xi32>
    %min3A_827 = arith.minsi %min3A_826, %max3A_825 : vector<16xi32>
    %swap3A_828 = arith.constant 384 : index
    %swap3A_829 = tpu.vector_load %arg7[%swap3A_828] {strides = array<i32>} : memref<1024xi32, #tpu.memory_space<vmem>>, vector<16xi32>,
    tpu.vector_store %arg7[%swap3A_828], %min3A_827 {strides = array<i32>} : memref<1024xi32, #tpu.memory_space<vmem>>, vector<16xi32>,
    %reduce_sum3A_830 = arith.constant true
    %reduce_sum3A_831 = vector.broadcast %reduce_sum3A_830 : i1 to vector<16xi1>
    %reduce_sum3A_832 = tpu.scan <sum>, %get3A_816 masked %reduce_sum3A_831 : vector<16xi32>, vector<16xi1> -> vector<16xi32>
    %reduce_sum3A_833 = vector.extract %reduce_sum3A_832[15] : i32 from vector<16xi32>
    %add3A_834 = arith.addi %add3A_814, %reduce_sum3A_833 : i32
    %get3A_835 = arith.constant 400 : index
    %get3A_836 = tpu.vector_load %arg4[%get3A_835] {strides = array<i32>} : memref<1024xi32, #tpu.memory_space<vmem>>, vector<16xi32>,
    %cumsum3A_837 = arith.constant true
    %cumsum3A_838 = vector.broadcast %cumsum3A_837 : i1 to vector<16xi1>
    %cumsum3A_839 = tpu.scan <sum>, %get3A_836 masked %cumsum3A_838 : vector<16xi32>, vector<16xi1> -> vector<16xi32>
    %add3A_840 = vector.broadcast %add3A_834 : i32 to vector<16xi32>
    %add3A_841 = arith.addi %cumsum3A_839, %add3A_840 : vector<16xi32>
    %jit3A_842 = arith.constant 0 : i32
    %jit3A_843 = arith.constant 16383 : i32
    %max3A_844 = vector.broadcast %jit3A_842 : i32 to vector<16xi32>
    %max3A_845 = arith.maxsi %max3A_844, %add3A_841 : vector<16xi32>
    %min3A_846 = vector.broadcast %jit3A_843 : i32 to vector<16xi32>
    %min3A_847 = arith.minsi %min3A_846, %max3A_845 : vector<16xi32>
    %swap3A_848 = arith.constant 400 : index
    %swap3A_849 = tpu.vector_load %arg7[%swap3A_848] {strides = array<i32>} : memref<1024xi32, #tpu.memory_space<vmem>>, vector<16xi32>,
    tpu.vector_store %arg7[%swap3A_848], %min3A_847 {strides = array<i32>} : memref<1024xi32, #tpu.memory_space<vmem>>, vector<16xi32>,
    %reduce_sum3A_850 = arith.constant true
    %reduce_sum3A_851 = vector.broadcast %reduce_sum3A_850 : i1 to vector<16xi1>
    %reduce_sum3A_852 = tpu.scan <sum>, %get3A_836 masked %reduce_sum3A_851 : vector<16xi32>, vector<16xi1> -> vector<16xi32>
    %reduce_sum3A_853 = vector.extract %reduce_sum3A_852[15] : i32 from vector<16xi32>
    %add3A_854 = arith.addi %add3A_834, %reduce_sum3A_853 : i32
    %get3A_855 = arith.constant 416 : index
    %get3A_856 = tpu.vector_load %arg4[%get3A_855] {strides = array<i32>} : memref<1024xi32, #tpu.memory_space<vmem>>, vector<16xi32>,
    %cumsum3A_857 = arith.constant true
    %cumsum3A_858 = vector.broadcast %cumsum3A_857 : i1 to vector<16xi1>
    %cumsum3A_859 = tpu.scan <sum>, %get3A_856 masked %cumsum3A_858 : vector<16xi32>, vector<16xi1> -> vector<16xi32>
    %add3A_860 = vector.broadcast %add3A_854 : i32 to vector<16xi32>
    %add3A_861 = arith.addi %cumsum3A_859, %add3A_860 : vector<16xi32>
    %jit3A_862 = arith.constant 0 : i32
    %jit3A_863 = arith.constant 16383 : i32
    %max3A_864 = vector.broadcast %jit3A_862 : i32 to vector<16xi32>
    %max3A_865 = arith.maxsi %max3A_864, %add3A_861 : vector<16xi32>
    %min3A_866 = vector.broadcast %jit3A_863 : i32 to vector<16xi32>
    %min3A_867 = arith.minsi %min3A_866, %max3A_865 : vector<16xi32>
    %swap3A_868 = arith.constant 416 : index
    %swap3A_869 = tpu.vector_load %arg7[%swap3A_868] {strides = array<i32>} : memref<1024xi32, #tpu.memory_space<vmem>>, vector<16xi32>,
    tpu.vector_store %arg7[%swap3A_868], %min3A_867 {strides = array<i32>} : memref<1024xi32, #tpu.memory_space<vmem>>, vector<16xi32>,
    %reduce_sum3A_870 = arith.constant true
    %reduce_sum3A_871 = vector.broadcast %reduce_sum3A_870 : i1 to vector<16xi1>
    %reduce_sum3A_872 = tpu.scan <sum>, %get3A_856 masked %reduce_sum3A_871 : vector<16xi32>, vector<16xi1> -> vector<16xi32>
    %reduce_sum3A_873 = vector.extract %reduce_sum3A_872[15] : i32 from vector<16xi32>
    %add3A_874 = arith.addi %add3A_854, %reduce_sum3A_873 : i32
    %get3A_875 = arith.constant 432 : index
    %get3A_876 = tpu.vector_load %arg4[%get3A_875] {strides = array<i32>} : memref<1024xi32, #tpu.memory_space<vmem>>, vector<16xi32>,
    %cumsum3A_877 = arith.constant true
    %cumsum3A_878 = vector.broadcast %cumsum3A_877 : i1 to vector<16xi1>
    %cumsum3A_879 = tpu.scan <sum>, %get3A_876 masked %cumsum3A_878 : vector<16xi32>, vector<16xi1> -> vector<16xi32>
    %add3A_880 = vector.broadcast %add3A_874 : i32 to vector<16xi32>
    %add3A_881 = arith.addi %cumsum3A_879, %add3A_880 : vector<16xi32>
    %jit3A_882 = arith.constant 0 : i32
    %jit3A_883 = arith.constant 16383 : i32
    %max3A_884 = vector.broadcast %jit3A_882 : i32 to vector<16xi32>
    %max3A_885 = arith.maxsi %max3A_884, %add3A_881 : vector<16xi32>
    %min3A_886 = vector.broadcast %jit3A_883 : i32 to vector<16xi32>
    %min3A_887 = arith.minsi %min3A_886, %max3A_885 : vector<16xi32>
    %swap3A_888 = arith.constant 432 : index
    %swap3A_889 = tpu.vector_load %arg7[%swap3A_888] {strides = array<i32>} : memref<1024xi32, #tpu.memory_space<vmem>>, vector<16xi32>,
    tpu.vector_store %arg7[%swap3A_888], %min3A_887 {strides = array<i32>} : memref<1024xi32, #tpu.memory_space<vmem>>, vector<16xi32>,
    %reduce_sum3A_890 = arith.constant true
    %reduce_sum3A_891 = vector.broadcast %reduce_sum3A_890 : i1 to vector<16xi1>
    %reduce_sum3A_892 = tpu.scan <sum>, %get3A_876 masked %reduce_sum3A_891 : vector<16xi32>, vector<16xi1> -> vector<16xi32>
    %reduce_sum3A_893 = vector.extract %reduce_sum3A_892[15] : i32 from vector<16xi32>
    %add3A_894 = arith.addi %add3A_874, %reduce_sum3A_893 : i32
    %get3A_895 = arith.constant 448 : index
    %get3A_896 = tpu.vector_load %arg4[%get3A_895] {strides = array<i32>} : memref<1024xi32, #tpu.memory_space<vmem>>, vector<16xi32>,
    %cumsum3A_897 = arith.constant true
    %cumsum3A_898 = vector.broadcast %cumsum3A_897 : i1 to vector<16xi1>
    %cumsum3A_899 = tpu.scan <sum>, %get3A_896 masked %cumsum3A_898 : vector<16xi32>, vector<16xi1> -> vector<16xi32>
    %add3A_900 = vector.broadcast %add3A_894 : i32 to vector<16xi32>
    %add3A_901 = arith.addi %cumsum3A_899, %add3A_900 : vector<16xi32>
    %jit3A_902 = arith.constant 0 : i32
    %jit3A_903 = arith.constant 16383 : i32
    %max3A_904 = vector.broadcast %jit3A_902 : i32 to vector<16xi32>
    %max3A_905 = arith.maxsi %max3A_904, %add3A_901 : vector<16xi32>
    %min3A_906 = vector.broadcast %jit3A_903 : i32 to vector<16xi32>
    %min3A_907 = arith.minsi %min3A_906, %max3A_905 : vector<16xi32>
    %swap3A_908 = arith.constant 448 : index
    %swap3A_909 = tpu.vector_load %arg7[%swap3A_908] {strides = array<i32>} : memref<1024xi32, #tpu.memory_space<vmem>>, vector<16xi32>,
    tpu.vector_store %arg7[%swap3A_908], %min3A_907 {strides = array<i32>} : memref<1024xi32, #tpu.memory_space<vmem>>, vector<16xi32>,
    %reduce_sum3A_910 = arith.constant true
    %reduce_sum3A_911 = vector.broadcast %reduce_sum3A_910 : i1 to vector<16xi1>
    %reduce_sum3A_912 = tpu.scan <sum>, %get3A_896 masked %reduce_sum3A_911 : vector<16xi32>, vector<16xi1> -> vector<16xi32>
    %reduce_sum3A_913 = vector.extract %reduce_sum3A_912[15] : i32 from vector<16xi32>
    %add3A_914 = arith.addi %add3A_894, %reduce_sum3A_913 : i32
    %get3A_915 = arith.constant 464 : index
    %get3A_916 = tpu.vector_load %arg4[%get3A_915] {strides = array<i32>} : memref<1024xi32, #tpu.memory_space<vmem>>, vector<16xi32>,
    %cumsum3A_917 = arith.constant true
    %cumsum3A_918 = vector.broadcast %cumsum3A_917 : i1 to vector<16xi1>
    %cumsum3A_919 = tpu.scan <sum>, %get3A_916 masked %cumsum3A_918 : vector<16xi32>, vector<16xi1> -> vector<16xi32>
    %add3A_920 = vector.broadcast %add3A_914 : i32 to vector<16xi32>
    %add3A_921 = arith.addi %cumsum3A_919, %add3A_920 : vector<16xi32>
    %jit3A_922 = arith.constant 0 : i32
    %jit3A_923 = arith.constant 16383 : i32
    %max3A_924 = vector.broadcast %jit3A_922 : i32 to vector<16xi32>
    %max3A_925 = arith.maxsi %max3A_924, %add3A_921 : vector<16xi32>
    %min3A_926 = vector.broadcast %jit3A_923 : i32 to vector<16xi32>
    %min3A_927 = arith.minsi %min3A_926, %max3A_925 : vector<16xi32>
    %swap3A_928 = arith.constant 464 : index
    %swap3A_929 = tpu.vector_load %arg7[%swap3A_928] {strides = array<i32>} : memref<1024xi32, #tpu.memory_space<vmem>>, vector<16xi32>,
    tpu.vector_store %arg7[%swap3A_928], %min3A_927 {strides = array<i32>} : memref<1024xi32, #tpu.memory_space<vmem>>, vector<16xi32>,
    %reduce_sum3A_930 = arith.constant true
    %reduce_sum3A_931 = vector.broadcast %reduce_sum3A_930 : i1 to vector<16xi1>
    %reduce_sum3A_932 = tpu.scan <sum>, %get3A_916 masked %reduce_sum3A_931 : vector<16xi32>, vector<16xi1> -> vector<16xi32>
    %reduce_sum3A_933 = vector.extract %reduce_sum3A_932[15] : i32 from vector<16xi32>
    %add3A_934 = arith.addi %add3A_914, %reduce_sum3A_933 : i32
    %get3A_935 = arith.constant 480 : index
    %get3A_936 = tpu.vector_load %arg4[%get3A_935] {strides = array<i32>} : memref<1024xi32, #tpu.memory_space<vmem>>, vector<16xi32>,
    %cumsum3A_937 = arith.constant true
    %cumsum3A_938 = vector.broadcast %cumsum3A_937 : i1 to vector<16xi1>
    %cumsum3A_939 = tpu.scan <sum>, %get3A_936 masked %cumsum3A_938 : vector<16xi32>, vector<16xi1> -> vector<16xi32>
    %add3A_940 = vector.broadcast %add3A_934 : i32 to vector<16xi32>
    %add3A_941 = arith.addi %cumsum3A_939, %add3A_940 : vector<16xi32>
    %jit3A_942 = arith.constant 0 : i32
    %jit3A_943 = arith.constant 16383 : i32
    %max3A_944 = vector.broadcast %jit3A_942 : i32 to vector<16xi32>
    %max3A_945 = arith.maxsi %max3A_944, %add3A_941 : vector<16xi32>
    %min3A_946 = vector.broadcast %jit3A_943 : i32 to vector<16xi32>
    %min3A_947 = arith.minsi %min3A_946, %max3A_945 : vector<16xi32>
    %swap3A_948 = arith.constant 480 : index
    %swap3A_949 = tpu.vector_load %arg7[%swap3A_948] {strides = array<i32>} : memref<1024xi32, #tpu.memory_space<vmem>>, vector<16xi32>,
    tpu.vector_store %arg7[%swap3A_948], %min3A_947 {strides = array<i32>} : memref<1024xi32, #tpu.memory_space<vmem>>, vector<16xi32>,
    %reduce_sum3A_950 = arith.constant true
    %reduce_sum3A_951 = vector.broadcast %reduce_sum3A_950 : i1 to vector<16xi1>
    %reduce_sum3A_952 = tpu.scan <sum>, %get3A_936 masked %reduce_sum3A_951 : vector<16xi32>, vector<16xi1> -> vector<16xi32>
    %reduce_sum3A_953 = vector.extract %reduce_sum3A_952[15] : i32 from vector<16xi32>
    %add3A_954 = arith.addi %add3A_934, %reduce_sum3A_953 : i32
    %get3A_955 = arith.constant 496 : index
    %get3A_956 = tpu.vector_load %arg4[%get3A_955] {strides = array<i32>} : memref<1024xi32, #tpu.memory_space<vmem>>, vector<16xi32>,
    %cumsum3A_957 = arith.constant true
    %cumsum3A_958 = vector.broadcast %cumsum3A_957 : i1 to vector<16xi1>
    %cumsum3A_959 = tpu.scan <sum>, %get3A_956 masked %cumsum3A_958 : vector<16xi32>, vector<16xi1> -> vector<16xi32>
    %add3A_960 = vector.broadcast %add3A_954 : i32 to vector<16xi32>
    %add3A_961 = arith.addi %cumsum3A_959, %add3A_960 : vector<16xi32>
    %jit3A_962 = arith.constant 0 : i32
    %jit3A_963 = arith.constant 16383 : i32
    %max3A_964 = vector.broadcast %jit3A_962 : i32 to vector<16xi32>
    %max3A_965 = arith.maxsi %max3A_964, %add3A_961 : vector<16xi32>
    %min3A_966 = vector.broadcast %jit3A_963 : i32 to vector<16xi32>
    %min3A_967 = arith.minsi %min3A_966, %max3A_965 : vector<16xi32>
    %swap3A_968 = arith.constant 496 : index
    %swap3A_969 = tpu.vector_load %arg7[%swap3A_968] {strides = array<i32>} : memref<1024xi32, #tpu.memory_space<vmem>>, vector<16xi32>,
    tpu.vector_store %arg7[%swap3A_968], %min3A_967 {strides = array<i32>} : memref<1024xi32, #tpu.memory_space<vmem>>, vector<16xi32>,
    %reduce_sum3A_970 = arith.constant true
    %reduce_sum3A_971 = vector.broadcast %reduce_sum3A_970 : i1 to vector<16xi1>
    %reduce_sum3A_972 = tpu.scan <sum>, %get3A_956 masked %reduce_sum3A_971 : vector<16xi32>, vector<16xi1> -> vector<16xi32>
    %reduce_sum3A_973 = vector.extract %reduce_sum3A_972[15] : i32 from vector<16xi32>
    %add3A_974 = arith.addi %add3A_954, %reduce_sum3A_973 : i32
    %get3A_975 = arith.constant 512 : index
    %get3A_976 = tpu.vector_load %arg4[%get3A_975] {strides = array<i32>} : memref<1024xi32, #tpu.memory_space<vmem>>, vector<16xi32>,
    %cumsum3A_977 = arith.constant true
    %cumsum3A_978 = vector.broadcast %cumsum3A_977 : i1 to vector<16xi1>
    %cumsum3A_979 = tpu.scan <sum>, %get3A_976 masked %cumsum3A_978 : vector<16xi32>, vector<16xi1> -> vector<16xi32>
    %add3A_980 = vector.broadcast %add3A_974 : i32 to vector<16xi32>
    %add3A_981 = arith.addi %cumsum3A_979, %add3A_980 : vector<16xi32>
    %jit3A_982 = arith.constant 0 : i32
    %jit3A_983 = arith.constant 16383 : i32
    %max3A_984 = vector.broadcast %jit3A_982 : i32 to vector<16xi32>
    %max3A_985 = arith.maxsi %max3A_984, %add3A_981 : vector<16xi32>
    %min3A_986 = vector.broadcast %jit3A_983 : i32 to vector<16xi32>
    %min3A_987 = arith.minsi %min3A_986, %max3A_985 : vector<16xi32>
    %swap3A_988 = arith.constant 512 : index
    %swap3A_989 = tpu.vector_load %arg7[%swap3A_988] {strides = array<i32>} : memref<1024xi32, #tpu.memory_space<vmem>>, vector<16xi32>,
    tpu.vector_store %arg7[%swap3A_988], %min3A_987 {strides = array<i32>} : memref<1024xi32, #tpu.memory_space<vmem>>, vector<16xi32>,
    %reduce_sum3A_990 = arith.constant true
    %reduce_sum3A_991 = vector.broadcast %reduce_sum3A_990 : i1 to vector<16xi1>
    %reduce_sum3A_992 = tpu.scan <sum>, %get3A_976 masked %reduce_sum3A_991 : vector<16xi32>, vector<16xi1> -> vector<16xi32>
    %reduce_sum3A_993 = vector.extract %reduce_sum3A_992[15] : i32 from vector<16xi32>
    %add3A_994 = arith.addi %add3A_974, %reduce_sum3A_993 : i32
    %get3A_995 = arith.constant 528 : index
    %get3A_996 = tpu.vector_load %arg4[%get3A_995] {strides = array<i32>} : memref<1024xi32, #tpu.memory_space<vmem>>, vector<16xi32>,
    %cumsum3A_997 = arith.constant true
    %cumsum3A_998 = vector.broadcast %cumsum3A_997 : i1 to vector<16xi1>
    %cumsum3A_999 = tpu.scan <sum>, %get3A_996 masked %cumsum3A_998 : vector<16xi32>, vector<16xi1> -> vector<16xi32>
    %add3A_1000 = vector.broadcast %add3A_994 : i32 to vector<16xi32>
    %add3A_1001 = arith.addi %cumsum3A_999, %add3A_1000 : vector<16xi32>
    %jit3A_1002 = arith.constant 0 : i32
    %jit3A_1003 = arith.constant 16383 : i32
    %max3A_1004 = vector.broadcast %jit3A_1002 : i32 to vector<16xi32>
    %max3A_1005 = arith.maxsi %max3A_1004, %add3A_1001 : vector<16xi32>
    %min3A_1006 = vector.broadcast %jit3A_1003 : i32 to vector<16xi32>
    %min3A_1007 = arith.minsi %min3A_1006, %max3A_1005 : vector<16xi32>
    %swap3A_1008 = arith.constant 528 : index
    %swap3A_1009 = tpu.vector_load %arg7[%swap3A_1008] {strides = array<i32>} : memref<1024xi32, #tpu.memory_space<vmem>>, vector<16xi32>,
    tpu.vector_store %arg7[%swap3A_1008], %min3A_1007 {strides = array<i32>} : memref<1024xi32, #tpu.memory_space<vmem>>, vector<16xi32>,
    %reduce_sum3A_1010 = arith.constant true
    %reduce_sum3A_1011 = vector.broadcast %reduce_sum3A_1010 : i1 to vector<16xi1>
    %reduce_sum3A_1012 = tpu.scan <sum>, %get3A_996 masked %reduce_sum3A_1011 : vector<16xi32>, vector<16xi1> -> vector<16xi32>
    %reduce_sum3A_1013 = vector.extract %reduce_sum3A_1012[15] : i32 from vector<16xi32>
    %add3A_1014 = arith.addi %add3A_994, %reduce_sum3A_1013 : i32
    %get3A_1015 = arith.constant 544 : index
    %get3A_1016 = tpu.vector_load %arg4[%get3A_1015] {strides = array<i32>} : memref<1024xi32, #tpu.memory_space<vmem>>, vector<16xi32>,
    %cumsum3A_1017 = arith.constant true
    %cumsum3A_1018 = vector.broadcast %cumsum3A_1017 : i1 to vector<16xi1>
    %cumsum3A_1019 = tpu.scan <sum>, %get3A_1016 masked %cumsum3A_1018 : vector<16xi32>, vector<16xi1> -> vector<16xi32>
    %add3A_1020 = vector.broadcast %add3A_1014 : i32 to vector<16xi32>
    %add3A_1021 = arith.addi %cumsum3A_1019, %add3A_1020 : vector<16xi32>
    %jit3A_1022 = arith.constant 0 : i32
    %jit3A_1023 = arith.constant 16383 : i32
    %max3A_1024 = vector.broadcast %jit3A_1022 : i32 to vector<16xi32>
    %max3A_1025 = arith.maxsi %max3A_1024, %add3A_1021 : vector<16xi32>
    %min3A_1026 = vector.broadcast %jit3A_1023 : i32 to vector<16xi32>
    %min3A_1027 = arith.minsi %min3A_1026, %max3A_1025 : vector<16xi32>
    %swap3A_1028 = arith.constant 544 : index
    %swap3A_1029 = tpu.vector_load %arg7[%swap3A_1028] {strides = array<i32>} : memref<1024xi32, #tpu.memory_space<vmem>>, vector<16xi32>,
    tpu.vector_store %arg7[%swap3A_1028], %min3A_1027 {strides = array<i32>} : memref<1024xi32, #tpu.memory_space<vmem>>, vector<16xi32>,
    %reduce_sum3A_1030 = arith.constant true
    %reduce_sum3A_1031 = vector.broadcast %reduce_sum3A_1030 : i1 to vector<16xi1>
    %reduce_sum3A_1032 = tpu.scan <sum>, %get3A_1016 masked %reduce_sum3A_1031 : vector<16xi32>, vector<16xi1> -> vector<16xi32>
    %reduce_sum3A_1033 = vector.extract %reduce_sum3A_1032[15] : i32 from vector<16xi32>
    %add3A_1034 = arith.addi %add3A_1014, %reduce_sum3A_1033 : i32
    %get3A_1035 = arith.constant 560 : index
    %get3A_1036 = tpu.vector_load %arg4[%get3A_1035] {strides = array<i32>} : memref<1024xi32, #tpu.memory_space<vmem>>, vector<16xi32>,
    %cumsum3A_1037 = arith.constant true
    %cumsum3A_1038 = vector.broadcast %cumsum3A_1037 : i1 to vector<16xi1>
    %cumsum3A_1039 = tpu.scan <sum>, %get3A_1036 masked %cumsum3A_1038 : vector<16xi32>, vector<16xi1> -> vector<16xi32>
    %add3A_1040 = vector.broadcast %add3A_1034 : i32 to vector<16xi32>
    %add3A_1041 = arith.addi %cumsum3A_1039, %add3A_1040 : vector<16xi32>
    %jit3A_1042 = arith.constant 0 : i32
    %jit3A_1043 = arith.constant 16383 : i32
    %max3A_1044 = vector.broadcast %jit3A_1042 : i32 to vector<16xi32>
    %max3A_1045 = arith.maxsi %max3A_1044, %add3A_1041 : vector<16xi32>
    %min3A_1046 = vector.broadcast %jit3A_1043 : i32 to vector<16xi32>
    %min3A_1047 = arith.minsi %min3A_1046, %max3A_1045 : vector<16xi32>
    %swap3A_1048 = arith.constant 560 : index
    %swap3A_1049 = tpu.vector_load %arg7[%swap3A_1048] {strides = array<i32>} : memref<1024xi32, #tpu.memory_space<vmem>>, vector<16xi32>,
    tpu.vector_store %arg7[%swap3A_1048], %min3A_1047 {strides = array<i32>} : memref<1024xi32, #tpu.memory_space<vmem>>, vector<16xi32>,
    %reduce_sum3A_1050 = arith.constant true
    %reduce_sum3A_1051 = vector.broadcast %reduce_sum3A_1050 : i1 to vector<16xi1>
    %reduce_sum3A_1052 = tpu.scan <sum>, %get3A_1036 masked %reduce_sum3A_1051 : vector<16xi32>, vector<16xi1> -> vector<16xi32>
    %reduce_sum3A_1053 = vector.extract %reduce_sum3A_1052[15] : i32 from vector<16xi32>
    %add3A_1054 = arith.addi %add3A_1034, %reduce_sum3A_1053 : i32
    %get3A_1055 = arith.constant 576 : index
    %get3A_1056 = tpu.vector_load %arg4[%get3A_1055] {strides = array<i32>} : memref<1024xi32, #tpu.memory_space<vmem>>, vector<16xi32>,
    %cumsum3A_1057 = arith.constant true
    %cumsum3A_1058 = vector.broadcast %cumsum3A_1057 : i1 to vector<16xi1>
    %cumsum3A_1059 = tpu.scan <sum>, %get3A_1056 masked %cumsum3A_1058 : vector<16xi32>, vector<16xi1> -> vector<16xi32>
    %add3A_1060 = vector.broadcast %add3A_1054 : i32 to vector<16xi32>
    %add3A_1061 = arith.addi %cumsum3A_1059, %add3A_1060 : vector<16xi32>
    %jit3A_1062 = arith.constant 0 : i32
    %jit3A_1063 = arith.constant 16383 : i32
    %max3A_1064 = vector.broadcast %jit3A_1062 : i32 to vector<16xi32>
    %max3A_1065 = arith.maxsi %max3A_1064, %add3A_1061 : vector<16xi32>
    %min3A_1066 = vector.broadcast %jit3A_1063 : i32 to vector<16xi32>
    %min3A_1067 = arith.minsi %min3A_1066, %max3A_1065 : vector<16xi32>
    %swap3A_1068 = arith.constant 576 : index
    %swap3A_1069 = tpu.vector_load %arg7[%swap3A_1068] {strides = array<i32>} : memref<1024xi32, #tpu.memory_space<vmem>>, vector<16xi32>,
    tpu.vector_store %arg7[%swap3A_1068], %min3A_1067 {strides = array<i32>} : memref<1024xi32, #tpu.memory_space<vmem>>, vector<16xi32>,
    %reduce_sum3A_1070 = arith.constant true
    %reduce_sum3A_1071 = vector.broadcast %reduce_sum3A_1070 : i1 to vector<16xi1>
    %reduce_sum3A_1072 = tpu.scan <sum>, %get3A_1056 masked %reduce_sum3A_1071 : vector<16xi32>, vector<16xi1> -> vector<16xi32>
    %reduce_sum3A_1073 = vector.extract %reduce_sum3A_1072[15] : i32 from vector<16xi32>
    %add3A_1074 = arith.addi %add3A_1054, %reduce_sum3A_1073 : i32
    %get3A_1075 = arith.constant 592 : index
    %get3A_1076 = tpu.vector_load %arg4[%get3A_1075] {strides = array<i32>} : memref<1024xi32, #tpu.memory_space<vmem>>, vector<16xi32>,
    %cumsum3A_1077 = arith.constant true
    %cumsum3A_1078 = vector.broadcast %cumsum3A_1077 : i1 to vector<16xi1>
    %cumsum3A_1079 = tpu.scan <sum>, %get3A_1076 masked %cumsum3A_1078 : vector<16xi32>, vector<16xi1> -> vector<16xi32>
    %add3A_1080 = vector.broadcast %add3A_1074 : i32 to vector<16xi32>
    %add3A_1081 = arith.addi %cumsum3A_1079, %add3A_1080 : vector<16xi32>
    %jit3A_1082 = arith.constant 0 : i32
    %jit3A_1083 = arith.constant 16383 : i32
    %max3A_1084 = vector.broadcast %jit3A_1082 : i32 to vector<16xi32>
    %max3A_1085 = arith.maxsi %max3A_1084, %add3A_1081 : vector<16xi32>
    %min3A_1086 = vector.broadcast %jit3A_1083 : i32 to vector<16xi32>
    %min3A_1087 = arith.minsi %min3A_1086, %max3A_1085 : vector<16xi32>
    %swap3A_1088 = arith.constant 592 : index
    %swap3A_1089 = tpu.vector_load %arg7[%swap3A_1088] {strides = array<i32>} : memref<1024xi32, #tpu.memory_space<vmem>>, vector<16xi32>,
    tpu.vector_store %arg7[%swap3A_1088], %min3A_1087 {strides = array<i32>} : memref<1024xi32, #tpu.memory_space<vmem>>, vector<16xi32>,
    %reduce_sum3A_1090 = arith.constant true
    %reduce_sum3A_1091 = vector.broadcast %reduce_sum3A_1090 : i1 to vector<16xi1>
    %reduce_sum3A_1092 = tpu.scan <sum>, %get3A_1076 masked %reduce_sum3A_1091 : vector<16xi32>, vector<16xi1> -> vector<16xi32>
    %reduce_sum3A_1093 = vector.extract %reduce_sum3A_1092[15] : i32 from vector<16xi32>
    %add3A_1094 = arith.addi %add3A_1074, %reduce_sum3A_1093 : i32
    %get3A_1095 = arith.constant 608 : index
    %get3A_1096 = tpu.vector_load %arg4[%get3A_1095] {strides = array<i32>} : memref<1024xi32, #tpu.memory_space<vmem>>, vector<16xi32>,
    %cumsum3A_1097 = arith.constant true
    %cumsum3A_1098 = vector.broadcast %cumsum3A_1097 : i1 to vector<16xi1>
    %cumsum3A_1099 = tpu.scan <sum>, %get3A_1096 masked %cumsum3A_1098 : vector<16xi32>, vector<16xi1> -> vector<16xi32>
    %add3A_1100 = vector.broadcast %add3A_1094 : i32 to vector<16xi32>
    %add3A_1101 = arith.addi %cumsum3A_1099, %add3A_1100 : vector<16xi32>
    %jit3A_1102 = arith.constant 0 : i32
    %jit3A_1103 = arith.constant 16383 : i32
    %max3A_1104 = vector.broadcast %jit3A_1102 : i32 to vector<16xi32>
    %max3A_1105 = arith.maxsi %max3A_1104, %add3A_1101 : vector<16xi32>
    %min3A_1106 = vector.broadcast %jit3A_1103 : i32 to vector<16xi32>
    %min3A_1107 = arith.minsi %min3A_1106, %max3A_1105 : vector<16xi32>
    %swap3A_1108 = arith.constant 608 : index
    %swap3A_1109 = tpu.vector_load %arg7[%swap3A_1108] {strides = array<i32>} : memref<1024xi32, #tpu.memory_space<vmem>>, vector<16xi32>,
    tpu.vector_store %arg7[%swap3A_1108], %min3A_1107 {strides = array<i32>} : memref<1024xi32, #tpu.memory_space<vmem>>, vector<16xi32>,
    %reduce_sum3A_1110 = arith.constant true
    %reduce_sum3A_1111 = vector.broadcast %reduce_sum3A_1110 : i1 to vector<16xi1>
    %reduce_sum3A_1112 = tpu.scan <sum>, %get3A_1096 masked %reduce_sum3A_1111 : vector<16xi32>, vector<16xi1> -> vector<16xi32>
    %reduce_sum3A_1113 = vector.extract %reduce_sum3A_1112[15] : i32 from vector<16xi32>
    %add3A_1114 = arith.addi %add3A_1094, %reduce_sum3A_1113 : i32
    %get3A_1115 = arith.constant 624 : index
    %get3A_1116 = tpu.vector_load %arg4[%get3A_1115] {strides = array<i32>} : memref<1024xi32, #tpu.memory_space<vmem>>, vector<16xi32>,
    %cumsum3A_1117 = arith.constant true
    %cumsum3A_1118 = vector.broadcast %cumsum3A_1117 : i1 to vector<16xi1>
    %cumsum3A_1119 = tpu.scan <sum>, %get3A_1116 masked %cumsum3A_1118 : vector<16xi32>, vector<16xi1> -> vector<16xi32>
    %add3A_1120 = vector.broadcast %add3A_1114 : i32 to vector<16xi32>
    %add3A_1121 = arith.addi %cumsum3A_1119, %add3A_1120 : vector<16xi32>
    %jit3A_1122 = arith.constant 0 : i32
    %jit3A_1123 = arith.constant 16383 : i32
    %max3A_1124 = vector.broadcast %jit3A_1122 : i32 to vector<16xi32>
    %max3A_1125 = arith.maxsi %max3A_1124, %add3A_1121 : vector<16xi32>
    %min3A_1126 = vector.broadcast %jit3A_1123 : i32 to vector<16xi32>
    %min3A_1127 = arith.minsi %min3A_1126, %max3A_1125 : vector<16xi32>
    %swap3A_1128 = arith.constant 624 : index
    %swap3A_1129 = tpu.vector_load %arg7[%swap3A_1128] {strides = array<i32>} : memref<1024xi32, #tpu.memory_space<vmem>>, vector<16xi32>,
    tpu.vector_store %arg7[%swap3A_1128], %min3A_1127 {strides = array<i32>} : memref<1024xi32, #tpu.memory_space<vmem>>, vector<16xi32>,
    %reduce_sum3A_1130 = arith.constant true
    %reduce_sum3A_1131 = vector.broadcast %reduce_sum3A_1130 : i1 to vector<16xi1>
    %reduce_sum3A_1132 = tpu.scan <sum>, %get3A_1116 masked %reduce_sum3A_1131 : vector<16xi32>, vector<16xi1> -> vector<16xi32>
    %reduce_sum3A_1133 = vector.extract %reduce_sum3A_1132[15] : i32 from vector<16xi32>
    %add3A_1134 = arith.addi %add3A_1114, %reduce_sum3A_1133 : i32
    %get3A_1135 = arith.constant 640 : index
    %get3A_1136 = tpu.vector_load %arg4[%get3A_1135] {strides = array<i32>} : memref<1024xi32, #tpu.memory_space<vmem>>, vector<16xi32>,
    %cumsum3A_1137 = arith.constant true
    %cumsum3A_1138 = vector.broadcast %cumsum3A_1137 : i1 to vector<16xi1>
    %cumsum3A_1139 = tpu.scan <sum>, %get3A_1136 masked %cumsum3A_1138 : vector<16xi32>, vector<16xi1> -> vector<16xi32>
    %add3A_1140 = vector.broadcast %add3A_1134 : i32 to vector<16xi32>
    %add3A_1141 = arith.addi %cumsum3A_1139, %add3A_1140 : vector<16xi32>
    %jit3A_1142 = arith.constant 0 : i32
    %jit3A_1143 = arith.constant 16383 : i32
    %max3A_1144 = vector.broadcast %jit3A_1142 : i32 to vector<16xi32>
    %max3A_1145 = arith.maxsi %max3A_1144, %add3A_1141 : vector<16xi32>
    %min3A_1146 = vector.broadcast %jit3A_1143 : i32 to vector<16xi32>
    %min3A_1147 = arith.minsi %min3A_1146, %max3A_1145 : vector<16xi32>
    %swap3A_1148 = arith.constant 640 : index
    %swap3A_1149 = tpu.vector_load %arg7[%swap3A_1148] {strides = array<i32>} : memref<1024xi32, #tpu.memory_space<vmem>>, vector<16xi32>,
    tpu.vector_store %arg7[%swap3A_1148], %min3A_1147 {strides = array<i32>} : memref<1024xi32, #tpu.memory_space<vmem>>, vector<16xi32>,
    %reduce_sum3A_1150 = arith.constant true
    %reduce_sum3A_1151 = vector.broadcast %reduce_sum3A_1150 : i1 to vector<16xi1>
    %reduce_sum3A_1152 = tpu.scan <sum>, %get3A_1136 masked %reduce_sum3A_1151 : vector<16xi32>, vector<16xi1> -> vector<16xi32>
    %reduce_sum3A_1153 = vector.extract %reduce_sum3A_1152[15] : i32 from vector<16xi32>
    %add3A_1154 = arith.addi %add3A_1134, %reduce_sum3A_1153 : i32
    %get3A_1155 = arith.constant 656 : index
    %get3A_1156 = tpu.vector_load %arg4[%get3A_1155] {strides = array<i32>} : memref<1024xi32, #tpu.memory_space<vmem>>, vector<16xi32>,
    %cumsum3A_1157 = arith.constant true
    %cumsum3A_1158 = vector.broadcast %cumsum3A_1157 : i1 to vector<16xi1>
    %cumsum3A_1159 = tpu.scan <sum>, %get3A_1156 masked %cumsum3A_1158 : vector<16xi32>, vector<16xi1> -> vector<16xi32>
    %add3A_1160 = vector.broadcast %add3A_1154 : i32 to vector<16xi32>
    %add3A_1161 = arith.addi %cumsum3A_1159, %add3A_1160 : vector<16xi32>
    %jit3A_1162 = arith.constant 0 : i32
    %jit3A_1163 = arith.constant 16383 : i32
    %max3A_1164 = vector.broadcast %jit3A_1162 : i32 to vector<16xi32>
    %max3A_1165 = arith.maxsi %max3A_1164, %add3A_1161 : vector<16xi32>
    %min3A_1166 = vector.broadcast %jit3A_1163 : i32 to vector<16xi32>
    %min3A_1167 = arith.minsi %min3A_1166, %max3A_1165 : vector<16xi32>
    %swap3A_1168 = arith.constant 656 : index
    %swap3A_1169 = tpu.vector_load %arg7[%swap3A_1168] {strides = array<i32>} : memref<1024xi32, #tpu.memory_space<vmem>>, vector<16xi32>,
    tpu.vector_store %arg7[%swap3A_1168], %min3A_1167 {strides = array<i32>} : memref<1024xi32, #tpu.memory_space<vmem>>, vector<16xi32>,
    %reduce_sum3A_1170 = arith.constant true
    %reduce_sum3A_1171 = vector.broadcast %reduce_sum3A_1170 : i1 to vector<16xi1>
    %reduce_sum3A_1172 = tpu.scan <sum>, %get3A_1156 masked %reduce_sum3A_1171 : vector<16xi32>, vector<16xi1> -> vector<16xi32>
    %reduce_sum3A_1173 = vector.extract %reduce_sum3A_1172[15] : i32 from vector<16xi32>
    %add3A_1174 = arith.addi %add3A_1154, %reduce_sum3A_1173 : i32
    %get3A_1175 = arith.constant 672 : index
    %get3A_1176 = tpu.vector_load %arg4[%get3A_1175] {strides = array<i32>} : memref<1024xi32, #tpu.memory_space<vmem>>, vector<16xi32>,
    %cumsum3A_1177 = arith.constant true
    %cumsum3A_1178 = vector.broadcast %cumsum3A_1177 : i1 to vector<16xi1>
    %cumsum3A_1179 = tpu.scan <sum>, %get3A_1176 masked %cumsum3A_1178 : vector<16xi32>, vector<16xi1> -> vector<16xi32>
    %add3A_1180 = vector.broadcast %add3A_1174 : i32 to vector<16xi32>
    %add3A_1181 = arith.addi %cumsum3A_1179, %add3A_1180 : vector<16xi32>
    %jit3A_1182 = arith.constant 0 : i32
    %jit3A_1183 = arith.constant 16383 : i32
    %max3A_1184 = vector.broadcast %jit3A_1182 : i32 to vector<16xi32>
    %max3A_1185 = arith.maxsi %max3A_1184, %add3A_1181 : vector<16xi32>
    %min3A_1186 = vector.broadcast %jit3A_1183 : i32 to vector<16xi32>
    %min3A_1187 = arith.minsi %min3A_1186, %max3A_1185 : vector<16xi32>
    %swap3A_1188 = arith.constant 672 : index
    %swap3A_1189 = tpu.vector_load %arg7[%swap3A_1188] {strides = array<i32>} : memref<1024xi32, #tpu.memory_space<vmem>>, vector<16xi32>,
    tpu.vector_store %arg7[%swap3A_1188], %min3A_1187 {strides = array<i32>} : memref<1024xi32, #tpu.memory_space<vmem>>, vector<16xi32>,
    %reduce_sum3A_1190 = arith.constant true
    %reduce_sum3A_1191 = vector.broadcast %reduce_sum3A_1190 : i1 to vector<16xi1>
    %reduce_sum3A_1192 = tpu.scan <sum>, %get3A_1176 masked %reduce_sum3A_1191 : vector<16xi32>, vector<16xi1> -> vector<16xi32>
    %reduce_sum3A_1193 = vector.extract %reduce_sum3A_1192[15] : i32 from vector<16xi32>
    %add3A_1194 = arith.addi %add3A_1174, %reduce_sum3A_1193 : i32
    %get3A_1195 = arith.constant 688 : index
    %get3A_1196 = tpu.vector_load %arg4[%get3A_1195] {strides = array<i32>} : memref<1024xi32, #tpu.memory_space<vmem>>, vector<16xi32>,
    %cumsum3A_1197 = arith.constant true
    %cumsum3A_1198 = vector.broadcast %cumsum3A_1197 : i1 to vector<16xi1>
    %cumsum3A_1199 = tpu.scan <sum>, %get3A_1196 masked %cumsum3A_1198 : vector<16xi32>, vector<16xi1> -> vector<16xi32>
    %add3A_1200 = vector.broadcast %add3A_1194 : i32 to vector<16xi32>
    %add3A_1201 = arith.addi %cumsum3A_1199, %add3A_1200 : vector<16xi32>
    %jit3A_1202 = arith.constant 0 : i32
    %jit3A_1203 = arith.constant 16383 : i32
    %max3A_1204 = vector.broadcast %jit3A_1202 : i32 to vector<16xi32>
    %max3A_1205 = arith.maxsi %max3A_1204, %add3A_1201 : vector<16xi32>
    %min3A_1206 = vector.broadcast %jit3A_1203 : i32 to vector<16xi32>
    %min3A_1207 = arith.minsi %min3A_1206, %max3A_1205 : vector<16xi32>
    %swap3A_1208 = arith.constant 688 : index
    %swap3A_1209 = tpu.vector_load %arg7[%swap3A_1208] {strides = array<i32>} : memref<1024xi32, #tpu.memory_space<vmem>>, vector<16xi32>,
    tpu.vector_store %arg7[%swap3A_1208], %min3A_1207 {strides = array<i32>} : memref<1024xi32, #tpu.memory_space<vmem>>, vector<16xi32>,
    %reduce_sum3A_1210 = arith.constant true
    %reduce_sum3A_1211 = vector.broadcast %reduce_sum3A_1210 : i1 to vector<16xi1>
    %reduce_sum3A_1212 = tpu.scan <sum>, %get3A_1196 masked %reduce_sum3A_1211 : vector<16xi32>, vector<16xi1> -> vector<16xi32>
    %reduce_sum3A_1213 = vector.extract %reduce_sum3A_1212[15] : i32 from vector<16xi32>
    %add3A_1214 = arith.addi %add3A_1194, %reduce_sum3A_1213 : i32
    %get3A_1215 = arith.constant 704 : index
    %get3A_1216 = tpu.vector_load %arg4[%get3A_1215] {strides = array<i32>} : memref<1024xi32, #tpu.memory_space<vmem>>, vector<16xi32>,
    %cumsum3A_1217 = arith.constant true
    %cumsum3A_1218 = vector.broadcast %cumsum3A_1217 : i1 to vector<16xi1>
    %cumsum3A_1219 = tpu.scan <sum>, %get3A_1216 masked %cumsum3A_1218 : vector<16xi32>, vector<16xi1> -> vector<16xi32>
    %add3A_1220 = vector.broadcast %add3A_1214 : i32 to vector<16xi32>
    %add3A_1221 = arith.addi %cumsum3A_1219, %add3A_1220 : vector<16xi32>
    %jit3A_1222 = arith.constant 0 : i32
    %jit3A_1223 = arith.constant 16383 : i32
    %max3A_1224 = vector.broadcast %jit3A_1222 : i32 to vector<16xi32>
    %max3A_1225 = arith.maxsi %max3A_1224, %add3A_1221 : vector<16xi32>
    %min3A_1226 = vector.broadcast %jit3A_1223 : i32 to vector<16xi32>
    %min3A_1227 = arith.minsi %min3A_1226, %max3A_1225 : vector<16xi32>
    %swap3A_1228 = arith.constant 704 : index
    %swap3A_1229 = tpu.vector_load %arg7[%swap3A_1228] {strides = array<i32>} : memref<1024xi32, #tpu.memory_space<vmem>>, vector<16xi32>,
    tpu.vector_store %arg7[%swap3A_1228], %min3A_1227 {strides = array<i32>} : memref<1024xi32, #tpu.memory_space<vmem>>, vector<16xi32>,
    %reduce_sum3A_1230 = arith.constant true
    %reduce_sum3A_1231 = vector.broadcast %reduce_sum3A_1230 : i1 to vector<16xi1>
    %reduce_sum3A_1232 = tpu.scan <sum>, %get3A_1216 masked %reduce_sum3A_1231 : vector<16xi32>, vector<16xi1> -> vector<16xi32>
    %reduce_sum3A_1233 = vector.extract %reduce_sum3A_1232[15] : i32 from vector<16xi32>
    %add3A_1234 = arith.addi %add3A_1214, %reduce_sum3A_1233 : i32
    %get3A_1235 = arith.constant 720 : index
    %get3A_1236 = tpu.vector_load %arg4[%get3A_1235] {strides = array<i32>} : memref<1024xi32, #tpu.memory_space<vmem>>, vector<16xi32>,
    %cumsum3A_1237 = arith.constant true
    %cumsum3A_1238 = vector.broadcast %cumsum3A_1237 : i1 to vector<16xi1>
    %cumsum3A_1239 = tpu.scan <sum>, %get3A_1236 masked %cumsum3A_1238 : vector<16xi32>, vector<16xi1> -> vector<16xi32>
    %add3A_1240 = vector.broadcast %add3A_1234 : i32 to vector<16xi32>
    %add3A_1241 = arith.addi %cumsum3A_1239, %add3A_1240 : vector<16xi32>
    %jit3A_1242 = arith.constant 0 : i32
    %jit3A_1243 = arith.constant 16383 : i32
    %max3A_1244 = vector.broadcast %jit3A_1242 : i32 to vector<16xi32>
    %max3A_1245 = arith.maxsi %max3A_1244, %add3A_1241 : vector<16xi32>
    %min3A_1246 = vector.broadcast %jit3A_1243 : i32 to vector<16xi32>
    %min3A_1247 = arith.minsi %min3A_1246, %max3A_1245 : vector<16xi32>
    %swap3A_1248 = arith.constant 720 : index
    %swap3A_1249 = tpu.vector_load %arg7[%swap3A_1248] {strides = array<i32>} : memref<1024xi32, #tpu.memory_space<vmem>>, vector<16xi32>,
    tpu.vector_store %arg7[%swap3A_1248], %min3A_1247 {strides = array<i32>} : memref<1024xi32, #tpu.memory_space<vmem>>, vector<16xi32>,
    %reduce_sum3A_1250 = arith.constant true
    %reduce_sum3A_1251 = vector.broadcast %reduce_sum3A_1250 : i1 to vector<16xi1>
    %reduce_sum3A_1252 = tpu.scan <sum>, %get3A_1236 masked %reduce_sum3A_1251 : vector<16xi32>, vector<16xi1> -> vector<16xi32>
    %reduce_sum3A_1253 = vector.extract %reduce_sum3A_1252[15] : i32 from vector<16xi32>
    %add3A_1254 = arith.addi %add3A_1234, %reduce_sum3A_1253 : i32
    %get3A_1255 = arith.constant 736 : index
    %get3A_1256 = tpu.vector_load %arg4[%get3A_1255] {strides = array<i32>} : memref<1024xi32, #tpu.memory_space<vmem>>, vector<16xi32>,
    %cumsum3A_1257 = arith.constant true
    %cumsum3A_1258 = vector.broadcast %cumsum3A_1257 : i1 to vector<16xi1>
    %cumsum3A_1259 = tpu.scan <sum>, %get3A_1256 masked %cumsum3A_1258 : vector<16xi32>, vector<16xi1> -> vector<16xi32>
    %add3A_1260 = vector.broadcast %add3A_1254 : i32 to vector<16xi32>
    %add3A_1261 = arith.addi %cumsum3A_1259, %add3A_1260 : vector<16xi32>
    %jit3A_1262 = arith.constant 0 : i32
    %jit3A_1263 = arith.constant 16383 : i32
    %max3A_1264 = vector.broadcast %jit3A_1262 : i32 to vector<16xi32>
    %max3A_1265 = arith.maxsi %max3A_1264, %add3A_1261 : vector<16xi32>
    %min3A_1266 = vector.broadcast %jit3A_1263 : i32 to vector<16xi32>
    %min3A_1267 = arith.minsi %min3A_1266, %max3A_1265 : vector<16xi32>
    %swap3A_1268 = arith.constant 736 : index
    %swap3A_1269 = tpu.vector_load %arg7[%swap3A_1268] {strides = array<i32>} : memref<1024xi32, #tpu.memory_space<vmem>>, vector<16xi32>,
    tpu.vector_store %arg7[%swap3A_1268], %min3A_1267 {strides = array<i32>} : memref<1024xi32, #tpu.memory_space<vmem>>, vector<16xi32>,
    %reduce_sum3A_1270 = arith.constant true
    %reduce_sum3A_1271 = vector.broadcast %reduce_sum3A_1270 : i1 to vector<16xi1>
    %reduce_sum3A_1272 = tpu.scan <sum>, %get3A_1256 masked %reduce_sum3A_1271 : vector<16xi32>, vector<16xi1> -> vector<16xi32>
    %reduce_sum3A_1273 = vector.extract %reduce_sum3A_1272[15] : i32 from vector<16xi32>
    %add3A_1274 = arith.addi %add3A_1254, %reduce_sum3A_1273 : i32
    %get3A_1275 = arith.constant 752 : index
    %get3A_1276 = tpu.vector_load %arg4[%get3A_1275] {strides = array<i32>} : memref<1024xi32, #tpu.memory_space<vmem>>, vector<16xi32>,
    %cumsum3A_1277 = arith.constant true
    %cumsum3A_1278 = vector.broadcast %cumsum3A_1277 : i1 to vector<16xi1>
    %cumsum3A_1279 = tpu.scan <sum>, %get3A_1276 masked %cumsum3A_1278 : vector<16xi32>, vector<16xi1> -> vector<16xi32>
    %add3A_1280 = vector.broadcast %add3A_1274 : i32 to vector<16xi32>
    %add3A_1281 = arith.addi %cumsum3A_1279, %add3A_1280 : vector<16xi32>
    %jit3A_1282 = arith.constant 0 : i32
    %jit3A_1283 = arith.constant 16383 : i32
    %max3A_1284 = vector.broadcast %jit3A_1282 : i32 to vector<16xi32>
    %max3A_1285 = arith.maxsi %max3A_1284, %add3A_1281 : vector<16xi32>
    %min3A_1286 = vector.broadcast %jit3A_1283 : i32 to vector<16xi32>
    %min3A_1287 = arith.minsi %min3A_1286, %max3A_1285 : vector<16xi32>
    %swap3A_1288 = arith.constant 752 : index
    %swap3A_1289 = tpu.vector_load %arg7[%swap3A_1288] {strides = array<i32>} : memref<1024xi32, #tpu.memory_space<vmem>>, vector<16xi32>,
    tpu.vector_store %arg7[%swap3A_1288], %min3A_1287 {strides = array<i32>} : memref<1024xi32, #tpu.memory_space<vmem>>, vector<16xi32>,
    %reduce_sum3A_1290 = arith.constant true
    %reduce_sum3A_1291 = vector.broadcast %reduce_sum3A_1290 : i1 to vector<16xi1>
    %reduce_sum3A_1292 = tpu.scan <sum>, %get3A_1276 masked %reduce_sum3A_1291 : vector<16xi32>, vector<16xi1> -> vector<16xi32>
    %reduce_sum3A_1293 = vector.extract %reduce_sum3A_1292[15] : i32 from vector<16xi32>
    %add3A_1294 = arith.addi %add3A_1274, %reduce_sum3A_1293 : i32
    %get3A_1295 = arith.constant 768 : index
    %get3A_1296 = tpu.vector_load %arg4[%get3A_1295] {strides = array<i32>} : memref<1024xi32, #tpu.memory_space<vmem>>, vector<16xi32>,
    %cumsum3A_1297 = arith.constant true
    %cumsum3A_1298 = vector.broadcast %cumsum3A_1297 : i1 to vector<16xi1>
    %cumsum3A_1299 = tpu.scan <sum>, %get3A_1296 masked %cumsum3A_1298 : vector<16xi32>, vector<16xi1> -> vector<16xi32>
    %add3A_1300 = vector.broadcast %add3A_1294 : i32 to vector<16xi32>
    %add3A_1301 = arith.addi %cumsum3A_1299, %add3A_1300 : vector<16xi32>
    %jit3A_1302 = arith.constant 0 : i32
    %jit3A_1303 = arith.constant 16383 : i32
    %max3A_1304 = vector.broadcast %jit3A_1302 : i32 to vector<16xi32>
    %max3A_1305 = arith.maxsi %max3A_1304, %add3A_1301 : vector<16xi32>
    %min3A_1306 = vector.broadcast %jit3A_1303 : i32 to vector<16xi32>
    %min3A_1307 = arith.minsi %min3A_1306, %max3A_1305 : vector<16xi32>
    %swap3A_1308 = arith.constant 768 : index
    %swap3A_1309 = tpu.vector_load %arg7[%swap3A_1308] {strides = array<i32>} : memref<1024xi32, #tpu.memory_space<vmem>>, vector<16xi32>,
    tpu.vector_store %arg7[%swap3A_1308], %min3A_1307 {strides = array<i32>} : memref<1024xi32, #tpu.memory_space<vmem>>, vector<16xi32>,
    %reduce_sum3A_1310 = arith.constant true
    %reduce_sum3A_1311 = vector.broadcast %reduce_sum3A_1310 : i1 to vector<16xi1>
    %reduce_sum3A_1312 = tpu.scan <sum>, %get3A_1296 masked %reduce_sum3A_1311 : vector<16xi32>, vector<16xi1> -> vector<16xi32>
    %reduce_sum3A_1313 = vector.extract %reduce_sum3A_1312[15] : i32 from vector<16xi32>
    %add3A_1314 = arith.addi %add3A_1294, %reduce_sum3A_1313 : i32
    %get3A_1315 = arith.constant 784 : index
    %get3A_1316 = tpu.vector_load %arg4[%get3A_1315] {strides = array<i32>} : memref<1024xi32, #tpu.memory_space<vmem>>, vector<16xi32>,
    %cumsum3A_1317 = arith.constant true
    %cumsum3A_1318 = vector.broadcast %cumsum3A_1317 : i1 to vector<16xi1>
    %cumsum3A_1319 = tpu.scan <sum>, %get3A_1316 masked %cumsum3A_1318 : vector<16xi32>, vector<16xi1> -> vector<16xi32>
    %add3A_1320 = vector.broadcast %add3A_1314 : i32 to vector<16xi32>
    %add3A_1321 = arith.addi %cumsum3A_1319, %add3A_1320 : vector<16xi32>
    %jit3A_1322 = arith.constant 0 : i32
    %jit3A_1323 = arith.constant 16383 : i32
    %max3A_1324 = vector.broadcast %jit3A_1322 : i32 to vector<16xi32>
    %max3A_1325 = arith.maxsi %max3A_1324, %add3A_1321 : vector<16xi32>
    %min3A_1326 = vector.broadcast %jit3A_1323 : i32 to vector<16xi32>
    %min3A_1327 = arith.minsi %min3A_1326, %max3A_1325 : vector<16xi32>
    %swap3A_1328 = arith.constant 784 : index
    %swap3A_1329 = tpu.vector_load %arg7[%swap3A_1328] {strides = array<i32>} : memref<1024xi32, #tpu.memory_space<vmem>>, vector<16xi32>,
    tpu.vector_store %arg7[%swap3A_1328], %min3A_1327 {strides = array<i32>} : memref<1024xi32, #tpu.memory_space<vmem>>, vector<16xi32>,
    %reduce_sum3A_1330 = arith.constant true
    %reduce_sum3A_1331 = vector.broadcast %reduce_sum3A_1330 : i1 to vector<16xi1>
    %reduce_sum3A_1332 = tpu.scan <sum>, %get3A_1316 masked %reduce_sum3A_1331 : vector<16xi32>, vector<16xi1> -> vector<16xi32>
    %reduce_sum3A_1333 = vector.extract %reduce_sum3A_1332[15] : i32 from vector<16xi32>
    %add3A_1334 = arith.addi %add3A_1314, %reduce_sum3A_1333 : i32
    %get3A_1335 = arith.constant 800 : index
    %get3A_1336 = tpu.vector_load %arg4[%get3A_1335] {strides = array<i32>} : memref<1024xi32, #tpu.memory_space<vmem>>, vector<16xi32>,
    %cumsum3A_1337 = arith.constant true
    %cumsum3A_1338 = vector.broadcast %cumsum3A_1337 : i1 to vector<16xi1>
    %cumsum3A_1339 = tpu.scan <sum>, %get3A_1336 masked %cumsum3A_1338 : vector<16xi32>, vector<16xi1> -> vector<16xi32>
    %add3A_1340 = vector.broadcast %add3A_1334 : i32 to vector<16xi32>
    %add3A_1341 = arith.addi %cumsum3A_1339, %add3A_1340 : vector<16xi32>
    %jit3A_1342 = arith.constant 0 : i32
    %jit3A_1343 = arith.constant 16383 : i32
    %max3A_1344 = vector.broadcast %jit3A_1342 : i32 to vector<16xi32>
    %max3A_1345 = arith.maxsi %max3A_1344, %add3A_1341 : vector<16xi32>
    %min3A_1346 = vector.broadcast %jit3A_1343 : i32 to vector<16xi32>
    %min3A_1347 = arith.minsi %min3A_1346, %max3A_1345 : vector<16xi32>
    %swap3A_1348 = arith.constant 800 : index
    %swap3A_1349 = tpu.vector_load %arg7[%swap3A_1348] {strides = array<i32>} : memref<1024xi32, #tpu.memory_space<vmem>>, vector<16xi32>,
    tpu.vector_store %arg7[%swap3A_1348], %min3A_1347 {strides = array<i32>} : memref<1024xi32, #tpu.memory_space<vmem>>, vector<16xi32>,
    %reduce_sum3A_1350 = arith.constant true
    %reduce_sum3A_1351 = vector.broadcast %reduce_sum3A_1350 : i1 to vector<16xi1>
    %reduce_sum3A_1352 = tpu.scan <sum>, %get3A_1336 masked %reduce_sum3A_1351 : vector<16xi32>, vector<16xi1> -> vector<16xi32>
    %reduce_sum3A_1353 = vector.extract %reduce_sum3A_1352[15] : i32 from vector<16xi32>
    %add3A_1354 = arith.addi %add3A_1334, %reduce_sum3A_1353 : i32
    %get3A_1355 = arith.constant 816 : index
    %get3A_1356 = tpu.vector_load %arg4[%get3A_1355] {strides = array<i32>} : memref<1024xi32, #tpu.memory_space<vmem>>, vector<16xi32>,
    %cumsum3A_1357 = arith.constant true
    %cumsum3A_1358 = vector.broadcast %cumsum3A_1357 : i1 to vector<16xi1>
    %cumsum3A_1359 = tpu.scan <sum>, %get3A_1356 masked %cumsum3A_1358 : vector<16xi32>, vector<16xi1> -> vector<16xi32>
    %add3A_1360 = vector.broadcast %add3A_1354 : i32 to vector<16xi32>
    %add3A_1361 = arith.addi %cumsum3A_1359, %add3A_1360 : vector<16xi32>
    %jit3A_1362 = arith.constant 0 : i32
    %jit3A_1363 = arith.constant 16383 : i32
    %max3A_1364 = vector.broadcast %jit3A_1362 : i32 to vector<16xi32>
    %max3A_1365 = arith.maxsi %max3A_1364, %add3A_1361 : vector<16xi32>
    %min3A_1366 = vector.broadcast %jit3A_1363 : i32 to vector<16xi32>
    %min3A_1367 = arith.minsi %min3A_1366, %max3A_1365 : vector<16xi32>
    %swap3A_1368 = arith.constant 816 : index
    %swap3A_1369 = tpu.vector_load %arg7[%swap3A_1368] {strides = array<i32>} : memref<1024xi32, #tpu.memory_space<vmem>>, vector<16xi32>,
    tpu.vector_store %arg7[%swap3A_1368], %min3A_1367 {strides = array<i32>} : memref<1024xi32, #tpu.memory_space<vmem>>, vector<16xi32>,
    %reduce_sum3A_1370 = arith.constant true
    %reduce_sum3A_1371 = vector.broadcast %reduce_sum3A_1370 : i1 to vector<16xi1>
    %reduce_sum3A_1372 = tpu.scan <sum>, %get3A_1356 masked %reduce_sum3A_1371 : vector<16xi32>, vector<16xi1> -> vector<16xi32>
    %reduce_sum3A_1373 = vector.extract %reduce_sum3A_1372[15] : i32 from vector<16xi32>
    %add3A_1374 = arith.addi %add3A_1354, %reduce_sum3A_1373 : i32
    %get3A_1375 = arith.constant 832 : index
    %get3A_1376 = tpu.vector_load %arg4[%get3A_1375] {strides = array<i32>} : memref<1024xi32, #tpu.memory_space<vmem>>, vector<16xi32>,
    %cumsum3A_1377 = arith.constant true
    %cumsum3A_1378 = vector.broadcast %cumsum3A_1377 : i1 to vector<16xi1>
    %cumsum3A_1379 = tpu.scan <sum>, %get3A_1376 masked %cumsum3A_1378 : vector<16xi32>, vector<16xi1> -> vector<16xi32>
    %add3A_1380 = vector.broadcast %add3A_1374 : i32 to vector<16xi32>
    %add3A_1381 = arith.addi %cumsum3A_1379, %add3A_1380 : vector<16xi32>
    %jit3A_1382 = arith.constant 0 : i32
    %jit3A_1383 = arith.constant 16383 : i32
    %max3A_1384 = vector.broadcast %jit3A_1382 : i32 to vector<16xi32>
    %max3A_1385 = arith.maxsi %max3A_1384, %add3A_1381 : vector<16xi32>
    %min3A_1386 = vector.broadcast %jit3A_1383 : i32 to vector<16xi32>
    %min3A_1387 = arith.minsi %min3A_1386, %max3A_1385 : vector<16xi32>
    %swap3A_1388 = arith.constant 832 : index
    %swap3A_1389 = tpu.vector_load %arg7[%swap3A_1388] {strides = array<i32>} : memref<1024xi32, #tpu.memory_space<vmem>>, vector<16xi32>,
    tpu.vector_store %arg7[%swap3A_1388], %min3A_1387 {strides = array<i32>} : memref<1024xi32, #tpu.memory_space<vmem>>, vector<16xi32>,
    %reduce_sum3A_1390 = arith.constant true
    %reduce_sum3A_1391 = vector.broadcast %reduce_sum3A_1390 : i1 to vector<16xi1>
    %reduce_sum3A_1392 = tpu.scan <sum>, %get3A_1376 masked %reduce_sum3A_1391 : vector<16xi32>, vector<16xi1> -> vector<16xi32>
    %reduce_sum3A_1393 = vector.extract %reduce_sum3A_1392[15] : i32 from vector<16xi32>
    %add3A_1394 = arith.addi %add3A_1374, %reduce_sum3A_1393 : i32
    %get3A_1395 = arith.constant 848 : index
    %get3A_1396 = tpu.vector_load %arg4[%get3A_1395] {strides = array<i32>} : memref<1024xi32, #tpu.memory_space<vmem>>, vector<16xi32>,
    %cumsum3A_1397 = arith.constant true
    %cumsum3A_1398 = vector.broadcast %cumsum3A_1397 : i1 to vector<16xi1>
    %cumsum3A_1399 = tpu.scan <sum>, %get3A_1396 masked %cumsum3A_1398 : vector<16xi32>, vector<16xi1> -> vector<16xi32>
    %add3A_1400 = vector.broadcast %add3A_1394 : i32 to vector<16xi32>
    %add3A_1401 = arith.addi %cumsum3A_1399, %add3A_1400 : vector<16xi32>
    %jit3A_1402 = arith.constant 0 : i32
    %jit3A_1403 = arith.constant 16383 : i32
    %max3A_1404 = vector.broadcast %jit3A_1402 : i32 to vector<16xi32>
    %max3A_1405 = arith.maxsi %max3A_1404, %add3A_1401 : vector<16xi32>
    %min3A_1406 = vector.broadcast %jit3A_1403 : i32 to vector<16xi32>
    %min3A_1407 = arith.minsi %min3A_1406, %max3A_1405 : vector<16xi32>
    %swap3A_1408 = arith.constant 848 : index
    %swap3A_1409 = tpu.vector_load %arg7[%swap3A_1408] {strides = array<i32>} : memref<1024xi32, #tpu.memory_space<vmem>>, vector<16xi32>,
    tpu.vector_store %arg7[%swap3A_1408], %min3A_1407 {strides = array<i32>} : memref<1024xi32, #tpu.memory_space<vmem>>, vector<16xi32>,
    %reduce_sum3A_1410 = arith.constant true
    %reduce_sum3A_1411 = vector.broadcast %reduce_sum3A_1410 : i1 to vector<16xi1>
    %reduce_sum3A_1412 = tpu.scan <sum>, %get3A_1396 masked %reduce_sum3A_1411 : vector<16xi32>, vector<16xi1> -> vector<16xi32>
    %reduce_sum3A_1413 = vector.extract %reduce_sum3A_1412[15] : i32 from vector<16xi32>
    %add3A_1414 = arith.addi %add3A_1394, %reduce_sum3A_1413 : i32
    %get3A_1415 = arith.constant 864 : index
    %get3A_1416 = tpu.vector_load %arg4[%get3A_1415] {strides = array<i32>} : memref<1024xi32, #tpu.memory_space<vmem>>, vector<16xi32>,
    %cumsum3A_1417 = arith.constant true
    %cumsum3A_1418 = vector.broadcast %cumsum3A_1417 : i1 to vector<16xi1>
    %cumsum3A_1419 = tpu.scan <sum>, %get3A_1416 masked %cumsum3A_1418 : vector<16xi32>, vector<16xi1> -> vector<16xi32>
    %add3A_1420 = vector.broadcast %add3A_1414 : i32 to vector<16xi32>
    %add3A_1421 = arith.addi %cumsum3A_1419, %add3A_1420 : vector<16xi32>
    %jit3A_1422 = arith.constant 0 : i32
    %jit3A_1423 = arith.constant 16383 : i32
    %max3A_1424 = vector.broadcast %jit3A_1422 : i32 to vector<16xi32>
    %max3A_1425 = arith.maxsi %max3A_1424, %add3A_1421 : vector<16xi32>
    %min3A_1426 = vector.broadcast %jit3A_1423 : i32 to vector<16xi32>
    %min3A_1427 = arith.minsi %min3A_1426, %max3A_1425 : vector<16xi32>
    %swap3A_1428 = arith.constant 864 : index
    %swap3A_1429 = tpu.vector_load %arg7[%swap3A_1428] {strides = array<i32>} : memref<1024xi32, #tpu.memory_space<vmem>>, vector<16xi32>,
    tpu.vector_store %arg7[%swap3A_1428], %min3A_1427 {strides = array<i32>} : memref<1024xi32, #tpu.memory_space<vmem>>, vector<16xi32>,
    %reduce_sum3A_1430 = arith.constant true
    %reduce_sum3A_1431 = vector.broadcast %reduce_sum3A_1430 : i1 to vector<16xi1>
    %reduce_sum3A_1432 = tpu.scan <sum>, %get3A_1416 masked %reduce_sum3A_1431 : vector<16xi32>, vector<16xi1> -> vector<16xi32>
    %reduce_sum3A_1433 = vector.extract %reduce_sum3A_1432[15] : i32 from vector<16xi32>
    %add3A_1434 = arith.addi %add3A_1414, %reduce_sum3A_1433 : i32
    %get3A_1435 = arith.constant 880 : index
    %get3A_1436 = tpu.vector_load %arg4[%get3A_1435] {strides = array<i32>} : memref<1024xi32, #tpu.memory_space<vmem>>, vector<16xi32>,
    %cumsum3A_1437 = arith.constant true
    %cumsum3A_1438 = vector.broadcast %cumsum3A_1437 : i1 to vector<16xi1>
    %cumsum3A_1439 = tpu.scan <sum>, %get3A_1436 masked %cumsum3A_1438 : vector<16xi32>, vector<16xi1> -> vector<16xi32>
    %add3A_1440 = vector.broadcast %add3A_1434 : i32 to vector<16xi32>
    %add3A_1441 = arith.addi %cumsum3A_1439, %add3A_1440 : vector<16xi32>
    %jit3A_1442 = arith.constant 0 : i32
    %jit3A_1443 = arith.constant 16383 : i32
    %max3A_1444 = vector.broadcast %jit3A_1442 : i32 to vector<16xi32>
    %max3A_1445 = arith.maxsi %max3A_1444, %add3A_1441 : vector<16xi32>
    %min3A_1446 = vector.broadcast %jit3A_1443 : i32 to vector<16xi32>
    %min3A_1447 = arith.minsi %min3A_1446, %max3A_1445 : vector<16xi32>
    %swap3A_1448 = arith.constant 880 : index
    %swap3A_1449 = tpu.vector_load %arg7[%swap3A_1448] {strides = array<i32>} : memref<1024xi32, #tpu.memory_space<vmem>>, vector<16xi32>,
    tpu.vector_store %arg7[%swap3A_1448], %min3A_1447 {strides = array<i32>} : memref<1024xi32, #tpu.memory_space<vmem>>, vector<16xi32>,
    %reduce_sum3A_1450 = arith.constant true
    %reduce_sum3A_1451 = vector.broadcast %reduce_sum3A_1450 : i1 to vector<16xi1>
    %reduce_sum3A_1452 = tpu.scan <sum>, %get3A_1436 masked %reduce_sum3A_1451 : vector<16xi32>, vector<16xi1> -> vector<16xi32>
    %reduce_sum3A_1453 = vector.extract %reduce_sum3A_1452[15] : i32 from vector<16xi32>
    %add3A_1454 = arith.addi %add3A_1434, %reduce_sum3A_1453 : i32
    %get3A_1455 = arith.constant 896 : index
    %get3A_1456 = tpu.vector_load %arg4[%get3A_1455] {strides = array<i32>} : memref<1024xi32, #tpu.memory_space<vmem>>, vector<16xi32>,
    %cumsum3A_1457 = arith.constant true
    %cumsum3A_1458 = vector.broadcast %cumsum3A_1457 : i1 to vector<16xi1>
    %cumsum3A_1459 = tpu.scan <sum>, %get3A_1456 masked %cumsum3A_1458 : vector<16xi32>, vector<16xi1> -> vector<16xi32>
    %add3A_1460 = vector.broadcast %add3A_1454 : i32 to vector<16xi32>
    %add3A_1461 = arith.addi %cumsum3A_1459, %add3A_1460 : vector<16xi32>
    %jit3A_1462 = arith.constant 0 : i32
    %jit3A_1463 = arith.constant 16383 : i32
    %max3A_1464 = vector.broadcast %jit3A_1462 : i32 to vector<16xi32>
    %max3A_1465 = arith.maxsi %max3A_1464, %add3A_1461 : vector<16xi32>
    %min3A_1466 = vector.broadcast %jit3A_1463 : i32 to vector<16xi32>
    %min3A_1467 = arith.minsi %min3A_1466, %max3A_1465 : vector<16xi32>
    %swap3A_1468 = arith.constant 896 : index
    %swap3A_1469 = tpu.vector_load %arg7[%swap3A_1468] {strides = array<i32>} : memref<1024xi32, #tpu.memory_space<vmem>>, vector<16xi32>,
    tpu.vector_store %arg7[%swap3A_1468], %min3A_1467 {strides = array<i32>} : memref<1024xi32, #tpu.memory_space<vmem>>, vector<16xi32>,
    %reduce_sum3A_1470 = arith.constant true
    %reduce_sum3A_1471 = vector.broadcast %reduce_sum3A_1470 : i1 to vector<16xi1>
    %reduce_sum3A_1472 = tpu.scan <sum>, %get3A_1456 masked %reduce_sum3A_1471 : vector<16xi32>, vector<16xi1> -> vector<16xi32>
    %reduce_sum3A_1473 = vector.extract %reduce_sum3A_1472[15] : i32 from vector<16xi32>
    %add3A_1474 = arith.addi %add3A_1454, %reduce_sum3A_1473 : i32
    %get3A_1475 = arith.constant 912 : index
    %get3A_1476 = tpu.vector_load %arg4[%get3A_1475] {strides = array<i32>} : memref<1024xi32, #tpu.memory_space<vmem>>, vector<16xi32>,
    %cumsum3A_1477 = arith.constant true
    %cumsum3A_1478 = vector.broadcast %cumsum3A_1477 : i1 to vector<16xi1>
    %cumsum3A_1479 = tpu.scan <sum>, %get3A_1476 masked %cumsum3A_1478 : vector<16xi32>, vector<16xi1> -> vector<16xi32>
    %add3A_1480 = vector.broadcast %add3A_1474 : i32 to vector<16xi32>
    %add3A_1481 = arith.addi %cumsum3A_1479, %add3A_1480 : vector<16xi32>
    %jit3A_1482 = arith.constant 0 : i32
    %jit3A_1483 = arith.constant 16383 : i32
    %max3A_1484 = vector.broadcast %jit3A_1482 : i32 to vector<16xi32>
    %max3A_1485 = arith.maxsi %max3A_1484, %add3A_1481 : vector<16xi32>
    %min3A_1486 = vector.broadcast %jit3A_1483 : i32 to vector<16xi32>
    %min3A_1487 = arith.minsi %min3A_1486, %max3A_1485 : vector<16xi32>
    %swap3A_1488 = arith.constant 912 : index
    %swap3A_1489 = tpu.vector_load %arg7[%swap3A_1488] {strides = array<i32>} : memref<1024xi32, #tpu.memory_space<vmem>>, vector<16xi32>,
    tpu.vector_store %arg7[%swap3A_1488], %min3A_1487 {strides = array<i32>} : memref<1024xi32, #tpu.memory_space<vmem>>, vector<16xi32>,
    %reduce_sum3A_1490 = arith.constant true
    %reduce_sum3A_1491 = vector.broadcast %reduce_sum3A_1490 : i1 to vector<16xi1>
    %reduce_sum3A_1492 = tpu.scan <sum>, %get3A_1476 masked %reduce_sum3A_1491 : vector<16xi32>, vector<16xi1> -> vector<16xi32>
    %reduce_sum3A_1493 = vector.extract %reduce_sum3A_1492[15] : i32 from vector<16xi32>
    %add3A_1494 = arith.addi %add3A_1474, %reduce_sum3A_1493 : i32
    %get3A_1495 = arith.constant 928 : index
    %get3A_1496 = tpu.vector_load %arg4[%get3A_1495] {strides = array<i32>} : memref<1024xi32, #tpu.memory_space<vmem>>, vector<16xi32>,
    %cumsum3A_1497 = arith.constant true
    %cumsum3A_1498 = vector.broadcast %cumsum3A_1497 : i1 to vector<16xi1>
    %cumsum3A_1499 = tpu.scan <sum>, %get3A_1496 masked %cumsum3A_1498 : vector<16xi32>, vector<16xi1> -> vector<16xi32>
    %add3A_1500 = vector.broadcast %add3A_1494 : i32 to vector<16xi32>
    %add3A_1501 = arith.addi %cumsum3A_1499, %add3A_1500 : vector<16xi32>
    %jit3A_1502 = arith.constant 0 : i32
    %jit3A_1503 = arith.constant 16383 : i32
    %max3A_1504 = vector.broadcast %jit3A_1502 : i32 to vector<16xi32>
    %max3A_1505 = arith.maxsi %max3A_1504, %add3A_1501 : vector<16xi32>
    %min3A_1506 = vector.broadcast %jit3A_1503 : i32 to vector<16xi32>
    %min3A_1507 = arith.minsi %min3A_1506, %max3A_1505 : vector<16xi32>
    %swap3A_1508 = arith.constant 928 : index
    %swap3A_1509 = tpu.vector_load %arg7[%swap3A_1508] {strides = array<i32>} : memref<1024xi32, #tpu.memory_space<vmem>>, vector<16xi32>,
    tpu.vector_store %arg7[%swap3A_1508], %min3A_1507 {strides = array<i32>} : memref<1024xi32, #tpu.memory_space<vmem>>, vector<16xi32>,
    %reduce_sum3A_1510 = arith.constant true
    %reduce_sum3A_1511 = vector.broadcast %reduce_sum3A_1510 : i1 to vector<16xi1>
    %reduce_sum3A_1512 = tpu.scan <sum>, %get3A_1496 masked %reduce_sum3A_1511 : vector<16xi32>, vector<16xi1> -> vector<16xi32>
    %reduce_sum3A_1513 = vector.extract %reduce_sum3A_1512[15] : i32 from vector<16xi32>
    %add3A_1514 = arith.addi %add3A_1494, %reduce_sum3A_1513 : i32
    %get3A_1515 = arith.constant 944 : index
    %get3A_1516 = tpu.vector_load %arg4[%get3A_1515] {strides = array<i32>} : memref<1024xi32, #tpu.memory_space<vmem>>, vector<16xi32>,
    %cumsum3A_1517 = arith.constant true
    %cumsum3A_1518 = vector.broadcast %cumsum3A_1517 : i1 to vector<16xi1>
    %cumsum3A_1519 = tpu.scan <sum>, %get3A_1516 masked %cumsum3A_1518 : vector<16xi32>, vector<16xi1> -> vector<16xi32>
    %add3A_1520 = vector.broadcast %add3A_1514 : i32 to vector<16xi32>
    %add3A_1521 = arith.addi %cumsum3A_1519, %add3A_1520 : vector<16xi32>
    %jit3A_1522 = arith.constant 0 : i32
    %jit3A_1523 = arith.constant 16383 : i32
    %max3A_1524 = vector.broadcast %jit3A_1522 : i32 to vector<16xi32>
    %max3A_1525 = arith.maxsi %max3A_1524, %add3A_1521 : vector<16xi32>
    %min3A_1526 = vector.broadcast %jit3A_1523 : i32 to vector<16xi32>
    %min3A_1527 = arith.minsi %min3A_1526, %max3A_1525 : vector<16xi32>
    %swap3A_1528 = arith.constant 944 : index
    %swap3A_1529 = tpu.vector_load %arg7[%swap3A_1528] {strides = array<i32>} : memref<1024xi32, #tpu.memory_space<vmem>>, vector<16xi32>,
    tpu.vector_store %arg7[%swap3A_1528], %min3A_1527 {strides = array<i32>} : memref<1024xi32, #tpu.memory_space<vmem>>, vector<16xi32>,
    %reduce_sum3A_1530 = arith.constant true
    %reduce_sum3A_1531 = vector.broadcast %reduce_sum3A_1530 : i1 to vector<16xi1>
    %reduce_sum3A_1532 = tpu.scan <sum>, %get3A_1516 masked %reduce_sum3A_1531 : vector<16xi32>, vector<16xi1> -> vector<16xi32>
    %reduce_sum3A_1533 = vector.extract %reduce_sum3A_1532[15] : i32 from vector<16xi32>
    %add3A_1534 = arith.addi %add3A_1514, %reduce_sum3A_1533 : i32
    %get3A_1535 = arith.constant 960 : index
    %get3A_1536 = tpu.vector_load %arg4[%get3A_1535] {strides = array<i32>} : memref<1024xi32, #tpu.memory_space<vmem>>, vector<16xi32>,
    %cumsum3A_1537 = arith.constant true
    %cumsum3A_1538 = vector.broadcast %cumsum3A_1537 : i1 to vector<16xi1>
    %cumsum3A_1539 = tpu.scan <sum>, %get3A_1536 masked %cumsum3A_1538 : vector<16xi32>, vector<16xi1> -> vector<16xi32>
    %add3A_1540 = vector.broadcast %add3A_1534 : i32 to vector<16xi32>
    %add3A_1541 = arith.addi %cumsum3A_1539, %add3A_1540 : vector<16xi32>
    %jit3A_1542 = arith.constant 0 : i32
    %jit3A_1543 = arith.constant 16383 : i32
    %max3A_1544 = vector.broadcast %jit3A_1542 : i32 to vector<16xi32>
    %max3A_1545 = arith.maxsi %max3A_1544, %add3A_1541 : vector<16xi32>
    %min3A_1546 = vector.broadcast %jit3A_1543 : i32 to vector<16xi32>
    %min3A_1547 = arith.minsi %min3A_1546, %max3A_1545 : vector<16xi32>
    %swap3A_1548 = arith.constant 960 : index
    %swap3A_1549 = tpu.vector_load %arg7[%swap3A_1548] {strides = array<i32>} : memref<1024xi32, #tpu.memory_space<vmem>>, vector<16xi32>,
    tpu.vector_store %arg7[%swap3A_1548], %min3A_1547 {strides = array<i32>} : memref<1024xi32, #tpu.memory_space<vmem>>, vector<16xi32>,
    %reduce_sum3A_1550 = arith.constant true
    %reduce_sum3A_1551 = vector.broadcast %reduce_sum3A_1550 : i1 to vector<16xi1>
    %reduce_sum3A_1552 = tpu.scan <sum>, %get3A_1536 masked %reduce_sum3A_1551 : vector<16xi32>, vector<16xi1> -> vector<16xi32>
    %reduce_sum3A_1553 = vector.extract %reduce_sum3A_1552[15] : i32 from vector<16xi32>
    %add3A_1554 = arith.addi %add3A_1534, %reduce_sum3A_1553 : i32
    %get3A_1555 = arith.constant 976 : index
    %get3A_1556 = tpu.vector_load %arg4[%get3A_1555] {strides = array<i32>} : memref<1024xi32, #tpu.memory_space<vmem>>, vector<16xi32>,
    %cumsum3A_1557 = arith.constant true
    %cumsum3A_1558 = vector.broadcast %cumsum3A_1557 : i1 to vector<16xi1>
    %cumsum3A_1559 = tpu.scan <sum>, %get3A_1556 masked %cumsum3A_1558 : vector<16xi32>, vector<16xi1> -> vector<16xi32>
    %add3A_1560 = vector.broadcast %add3A_1554 : i32 to vector<16xi32>
    %add3A_1561 = arith.addi %cumsum3A_1559, %add3A_1560 : vector<16xi32>
    %jit3A_1562 = arith.constant 0 : i32
    %jit3A_1563 = arith.constant 16383 : i32
    %max3A_1564 = vector.broadcast %jit3A_1562 : i32 to vector<16xi32>
    %max3A_1565 = arith.maxsi %max3A_1564, %add3A_1561 : vector<16xi32>
    %min3A_1566 = vector.broadcast %jit3A_1563 : i32 to vector<16xi32>
    %min3A_1567 = arith.minsi %min3A_1566, %max3A_1565 : vector<16xi32>
    %swap3A_1568 = arith.constant 976 : index
    %swap3A_1569 = tpu.vector_load %arg7[%swap3A_1568] {strides = array<i32>} : memref<1024xi32, #tpu.memory_space<vmem>>, vector<16xi32>,
    tpu.vector_store %arg7[%swap3A_1568], %min3A_1567 {strides = array<i32>} : memref<1024xi32, #tpu.memory_space<vmem>>, vector<16xi32>,
    %reduce_sum3A_1570 = arith.constant true
    %reduce_sum3A_1571 = vector.broadcast %reduce_sum3A_1570 : i1 to vector<16xi1>
    %reduce_sum3A_1572 = tpu.scan <sum>, %get3A_1556 masked %reduce_sum3A_1571 : vector<16xi32>, vector<16xi1> -> vector<16xi32>
    %reduce_sum3A_1573 = vector.extract %reduce_sum3A_1572[15] : i32 from vector<16xi32>
    %add3A_1574 = arith.addi %add3A_1554, %reduce_sum3A_1573 : i32
    %get3A_1575 = arith.constant 992 : index
    %get3A_1576 = tpu.vector_load %arg4[%get3A_1575] {strides = array<i32>} : memref<1024xi32, #tpu.memory_space<vmem>>, vector<16xi32>,
    %cumsum3A_1577 = arith.constant true
    %cumsum3A_1578 = vector.broadcast %cumsum3A_1577 : i1 to vector<16xi1>
    %cumsum3A_1579 = tpu.scan <sum>, %get3A_1576 masked %cumsum3A_1578 : vector<16xi32>, vector<16xi1> -> vector<16xi32>
    %add3A_1580 = vector.broadcast %add3A_1574 : i32 to vector<16xi32>
    %add3A_1581 = arith.addi %cumsum3A_1579, %add3A_1580 : vector<16xi32>
    %jit3A_1582 = arith.constant 0 : i32
    %jit3A_1583 = arith.constant 16383 : i32
    %max3A_1584 = vector.broadcast %jit3A_1582 : i32 to vector<16xi32>
    %max3A_1585 = arith.maxsi %max3A_1584, %add3A_1581 : vector<16xi32>
    %min3A_1586 = vector.broadcast %jit3A_1583 : i32 to vector<16xi32>
    %min3A_1587 = arith.minsi %min3A_1586, %max3A_1585 : vector<16xi32>
    %swap3A_1588 = arith.constant 992 : index
    %swap3A_1589 = tpu.vector_load %arg7[%swap3A_1588] {strides = array<i32>} : memref<1024xi32, #tpu.memory_space<vmem>>, vector<16xi32>,
    tpu.vector_store %arg7[%swap3A_1588], %min3A_1587 {strides = array<i32>} : memref<1024xi32, #tpu.memory_space<vmem>>, vector<16xi32>,
    %reduce_sum3A_1590 = arith.constant true
    %reduce_sum3A_1591 = vector.broadcast %reduce_sum3A_1590 : i1 to vector<16xi1>
    %reduce_sum3A_1592 = tpu.scan <sum>, %get3A_1576 masked %reduce_sum3A_1591 : vector<16xi32>, vector<16xi1> -> vector<16xi32>
    %reduce_sum3A_1593 = vector.extract %reduce_sum3A_1592[15] : i32 from vector<16xi32>
    %add3A_1594 = arith.addi %add3A_1574, %reduce_sum3A_1593 : i32
    %get3A_1595 = arith.constant 1008 : index
    %get3A_1596 = tpu.vector_load %arg4[%get3A_1595] {strides = array<i32>} : memref<1024xi32, #tpu.memory_space<vmem>>, vector<16xi32>,
    %cumsum3A_1597 = arith.constant true
    %cumsum3A_1598 = vector.broadcast %cumsum3A_1597 : i1 to vector<16xi1>
    %cumsum3A_1599 = tpu.scan <sum>, %get3A_1596 masked %cumsum3A_1598 : vector<16xi32>, vector<16xi1> -> vector<16xi32>
    %add3A_1600 = vector.broadcast %add3A_1594 : i32 to vector<16xi32>
    %add3A_1601 = arith.addi %cumsum3A_1599, %add3A_1600 : vector<16xi32>
    %jit3A_1602 = arith.constant 0 : i32
    %jit3A_1603 = arith.constant 16383 : i32
    %max3A_1604 = vector.broadcast %jit3A_1602 : i32 to vector<16xi32>
    %max3A_1605 = arith.maxsi %max3A_1604, %add3A_1601 : vector<16xi32>
    %min3A_1606 = vector.broadcast %jit3A_1603 : i32 to vector<16xi32>
    %min3A_1607 = arith.minsi %min3A_1606, %max3A_1605 : vector<16xi32>
    %swap3A_1608 = arith.constant 1008 : index
    %swap3A_1609 = tpu.vector_load %arg7[%swap3A_1608] {strides = array<i32>} : memref<1024xi32, #tpu.memory_space<vmem>>, vector<16xi32>,
    tpu.vector_store %arg7[%swap3A_1608], %min3A_1607 {strides = array<i32>} : memref<1024xi32, #tpu.memory_space<vmem>>, vector<16xi32>,
    %reduce_sum3A_1610 = arith.constant true
    %reduce_sum3A_1611 = vector.broadcast %reduce_sum3A_1610 : i1 to vector<16xi1>
    %reduce_sum3A_1612 = tpu.scan <sum>, %get3A_1596 masked %reduce_sum3A_1611 : vector<16xi32>, vector<16xi1> -> vector<16xi32>
    %reduce_sum3A_1613 = vector.extract %reduce_sum3A_1612[15] : i32 from vector<16xi32>
    %add3A_1614 = arith.addi %add3A_1594, %reduce_sum3A_1613 : i32
    %mul3A_1615 = arith.constant 8 : i32
    %mul3A_1616 = arith.muli %mul3A_1615, %arg1 : i32
    %add3A_1617 = arith.constant 0 : i32
    %add3A_1618 = arith.addi %mul3A_1616, %add3A_1617 : i32
    "tpu.region"() ({
      %run_scoped3A = tpu.sem_alloc : memref<!tpu.dma_semaphore, #tpu.memory_space<semaphore_mem>>
      %dma_start3A = arith.constant 0 : i32
      %dma_start3A_1647 = tpu.memref_slice %arg7[%dma_start3A] : memref<1024xi32, #tpu.memory_space<vmem>> -> memref<128xi32, #tpu.memory_space<vmem>>
      %dma_start3A_1648 = arith.constant 0 : i32
      %dma_start3A_1649 = tpu.memref_slice %arg3[%add3A_1618, %dma_start3A_1648] : memref<128x128xi32, #tpu.memory_space<hbm>> -> memref<1x128xi32, #tpu.memory_space<hbm>>
      %dma_start3A_1650 = tpu.memref_squeeze %dma_start3A_1649 : memref<1x128xi32, #tpu.memory_space<hbm>> -> memref<128xi32, #tpu.memory_space<hbm>>
      %dma_start3A_1651 = arith.constant 0 : i32
      %dma_start3A_1652 = tpu.memref_slice %arg3[%add3A_1618, %dma_start3A_1651] : memref<128x128xi32, #tpu.memory_space<hbm>> -> memref<1x128xi32, #tpu.memory_space<hbm>>
      %dma_start3A_1653 = tpu.memref_squeeze %dma_start3A_1652 : memref<1x128xi32, #tpu.memory_space<hbm>> -> memref<128xi32, #tpu.memory_space<hbm>>
      %dma_start3A_1654 = arith.constant 0 : i32
      %dma_start3A_1655 = tpu.memref_slice %arg7[%dma_start3A_1654] : memref<1024xi32, #tpu.memory_space<vmem>> -> memref<128xi32, #tpu.memory_space<vmem>>
      tpu.enqueue_dma source(%dma_start3A_1655 : memref<128xi32, #tpu.memory_space<vmem>>) target(%dma_start3A_1653 : memref<128xi32, #tpu.memory_space<hbm>>) target_semaphore(%run_scoped3A : memref<!tpu.dma_semaphore, #tpu.memory_space<semaphore_mem>>)
      %dma_wait3A = arith.constant 0 : i32
      %dma_wait3A_1656 = tpu.memref_slice %arg7[%dma_wait3A] : memref<1024xi32, #tpu.memory_space<vmem>> -> memref<128xi32, #tpu.memory_space<vmem>>
      %dma_wait3A_1657 = arith.constant 0 : i32
      %dma_wait3A_1658 = tpu.memref_slice %arg3[%add3A_1618, %dma_wait3A_1657] : memref<128x128xi32, #tpu.memory_space<hbm>> -> memref<1x128xi32, #tpu.memory_space<hbm>>
      %dma_wait3A_1659 = tpu.memref_squeeze %dma_wait3A_1658 : memref<1x128xi32, #tpu.memory_space<hbm>> -> memref<128xi32, #tpu.memory_space<hbm>>
      %dma_wait3A_1660 = arith.constant 0 : i32
      %dma_wait3A_1661 = tpu.memref_slice %arg3[%add3A_1618, %dma_wait3A_1660] : memref<128x128xi32, #tpu.memory_space<hbm>> -> memref<1x128xi32, #tpu.memory_space<hbm>>
      %dma_wait3A_1662 = tpu.memref_squeeze %dma_wait3A_1661 : memref<1x128xi32, #tpu.memory_space<hbm>> -> memref<128xi32, #tpu.memory_space<hbm>>
      %dma_wait3A_1663 = arith.constant 0 : i32
      %dma_wait3A_1664 = tpu.memref_slice %arg7[%dma_wait3A_1663] : memref<1024xi32, #tpu.memory_space<vmem>> -> memref<128xi32, #tpu.memory_space<vmem>>
      tpu.wait_dma2 semaphore(%run_scoped3A : memref<!tpu.dma_semaphore, #tpu.memory_space<semaphore_mem>>) src(%dma_wait3A_1664 : memref<128xi32, #tpu.memory_space<vmem>>) dst(%dma_wait3A_1662 : memref<128xi32, #tpu.memory_space<hbm>>)
      tpu.yield
    }) : () -> ()
    %mul3A_1619 = arith.constant 8 : i32
    %mul3A_1620 = arith.muli %mul3A_1619, %arg1 : i32
    %add3A_1621 = arith.constant 1 : i32
    %add3A_1622 = arith.addi %mul3A_1620, %add3A_1621 : i32
    "tpu.region"() ({
      %run_scoped3A = tpu.sem_alloc : memref<!tpu.dma_semaphore, #tpu.memory_space<semaphore_mem>>
      %dma_start3A = arith.constant 128 : i32
      %dma_start3A_1647 = tpu.memref_slice %arg7[%dma_start3A] : memref<1024xi32, #tpu.memory_space<vmem>> -> memref<128xi32, #tpu.memory_space<vmem>>
      %dma_start3A_1648 = arith.constant 0 : i32
      %dma_start3A_1649 = tpu.memref_slice %arg3[%add3A_1622, %dma_start3A_1648] : memref<128x128xi32, #tpu.memory_space<hbm>> -> memref<1x128xi32, #tpu.memory_space<hbm>>
      %dma_start3A_1650 = tpu.memref_squeeze %dma_start3A_1649 : memref<1x128xi32, #tpu.memory_space<hbm>> -> memref<128xi32, #tpu.memory_space<hbm>>
      %dma_start3A_1651 = arith.constant 0 : i32
      %dma_start3A_1652 = tpu.memref_slice %arg3[%add3A_1622, %dma_start3A_1651] : memref<128x128xi32, #tpu.memory_space<hbm>> -> memref<1x128xi32, #tpu.memory_space<hbm>>
      %dma_start3A_1653 = tpu.memref_squeeze %dma_start3A_1652 : memref<1x128xi32, #tpu.memory_space<hbm>> -> memref<128xi32, #tpu.memory_space<hbm>>
      %dma_start3A_1654 = arith.constant 128 : i32
      %dma_start3A_1655 = tpu.memref_slice %arg7[%dma_start3A_1654] : memref<1024xi32, #tpu.memory_space<vmem>> -> memref<128xi32, #tpu.memory_space<vmem>>
      tpu.enqueue_dma source(%dma_start3A_1655 : memref<128xi32, #tpu.memory_space<vmem>>) target(%dma_start3A_1653 : memref<128xi32, #tpu.memory_space<hbm>>) target_semaphore(%run_scoped3A : memref<!tpu.dma_semaphore, #tpu.memory_space<semaphore_mem>>)
      %dma_wait3A = arith.constant 128 : i32
      %dma_wait3A_1656 = tpu.memref_slice %arg7[%dma_wait3A] : memref<1024xi32, #tpu.memory_space<vmem>> -> memref<128xi32, #tpu.memory_space<vmem>>
      %dma_wait3A_1657 = arith.constant 0 : i32
      %dma_wait3A_1658 = tpu.memref_slice %arg3[%add3A_1622, %dma_wait3A_1657] : memref<128x128xi32, #tpu.memory_space<hbm>> -> memref<1x128xi32, #tpu.memory_space<hbm>>
      %dma_wait3A_1659 = tpu.memref_squeeze %dma_wait3A_1658 : memref<1x128xi32, #tpu.memory_space<hbm>> -> memref<128xi32, #tpu.memory_space<hbm>>
      %dma_wait3A_1660 = arith.constant 0 : i32
      %dma_wait3A_1661 = tpu.memref_slice %arg3[%add3A_1622, %dma_wait3A_1660] : memref<128x128xi32, #tpu.memory_space<hbm>> -> memref<1x128xi32, #tpu.memory_space<hbm>>
      %dma_wait3A_1662 = tpu.memref_squeeze %dma_wait3A_1661 : memref<1x128xi32, #tpu.memory_space<hbm>> -> memref<128xi32, #tpu.memory_space<hbm>>
      %dma_wait3A_1663 = arith.constant 128 : i32
      %dma_wait3A_1664 = tpu.memref_slice %arg7[%dma_wait3A_1663] : memref<1024xi32, #tpu.memory_space<vmem>> -> memref<128xi32, #tpu.memory_space<vmem>>
      tpu.wait_dma2 semaphore(%run_scoped3A : memref<!tpu.dma_semaphore, #tpu.memory_space<semaphore_mem>>) src(%dma_wait3A_1664 : memref<128xi32, #tpu.memory_space<vmem>>) dst(%dma_wait3A_1662 : memref<128xi32, #tpu.memory_space<hbm>>)
      tpu.yield
    }) : () -> ()
    %mul3A_1623 = arith.constant 8 : i32
    %mul3A_1624 = arith.muli %mul3A_1623, %arg1 : i32
    %add3A_1625 = arith.constant 2 : i32
    %add3A_1626 = arith.addi %mul3A_1624, %add3A_1625 : i32
    "tpu.region"() ({
      %run_scoped3A = tpu.sem_alloc : memref<!tpu.dma_semaphore, #tpu.memory_space<semaphore_mem>>
      %dma_start3A = arith.constant 256 : i32
      %dma_start3A_1647 = tpu.memref_slice %arg7[%dma_start3A] : memref<1024xi32, #tpu.memory_space<vmem>> -> memref<128xi32, #tpu.memory_space<vmem>>
      %dma_start3A_1648 = arith.constant 0 : i32
      %dma_start3A_1649 = tpu.memref_slice %arg3[%add3A_1626, %dma_start3A_1648] : memref<128x128xi32, #tpu.memory_space<hbm>> -> memref<1x128xi32, #tpu.memory_space<hbm>>
      %dma_start3A_1650 = tpu.memref_squeeze %dma_start3A_1649 : memref<1x128xi32, #tpu.memory_space<hbm>> -> memref<128xi32, #tpu.memory_space<hbm>>
      %dma_start3A_1651 = arith.constant 0 : i32
      %dma_start3A_1652 = tpu.memref_slice %arg3[%add3A_1626, %dma_start3A_1651] : memref<128x128xi32, #tpu.memory_space<hbm>> -> memref<1x128xi32, #tpu.memory_space<hbm>>
      %dma_start3A_1653 = tpu.memref_squeeze %dma_start3A_1652 : memref<1x128xi32, #tpu.memory_space<hbm>> -> memref<128xi32, #tpu.memory_space<hbm>>
      %dma_start3A_1654 = arith.constant 256 : i32
      %dma_start3A_1655 = tpu.memref_slice %arg7[%dma_start3A_1654] : memref<1024xi32, #tpu.memory_space<vmem>> -> memref<128xi32, #tpu.memory_space<vmem>>
      tpu.enqueue_dma source(%dma_start3A_1655 : memref<128xi32, #tpu.memory_space<vmem>>) target(%dma_start3A_1653 : memref<128xi32, #tpu.memory_space<hbm>>) target_semaphore(%run_scoped3A : memref<!tpu.dma_semaphore, #tpu.memory_space<semaphore_mem>>)
      %dma_wait3A = arith.constant 256 : i32
      %dma_wait3A_1656 = tpu.memref_slice %arg7[%dma_wait3A] : memref<1024xi32, #tpu.memory_space<vmem>> -> memref<128xi32, #tpu.memory_space<vmem>>
      %dma_wait3A_1657 = arith.constant 0 : i32
      %dma_wait3A_1658 = tpu.memref_slice %arg3[%add3A_1626, %dma_wait3A_1657] : memref<128x128xi32, #tpu.memory_space<hbm>> -> memref<1x128xi32, #tpu.memory_space<hbm>>
      %dma_wait3A_1659 = tpu.memref_squeeze %dma_wait3A_1658 : memref<1x128xi32, #tpu.memory_space<hbm>> -> memref<128xi32, #tpu.memory_space<hbm>>
      %dma_wait3A_1660 = arith.constant 0 : i32
      %dma_wait3A_1661 = tpu.memref_slice %arg3[%add3A_1626, %dma_wait3A_1660] : memref<128x128xi32, #tpu.memory_space<hbm>> -> memref<1x128xi32, #tpu.memory_space<hbm>>
      %dma_wait3A_1662 = tpu.memref_squeeze %dma_wait3A_1661 : memref<1x128xi32, #tpu.memory_space<hbm>> -> memref<128xi32, #tpu.memory_space<hbm>>
      %dma_wait3A_1663 = arith.constant 256 : i32
      %dma_wait3A_1664 = tpu.memref_slice %arg7[%dma_wait3A_1663] : memref<1024xi32, #tpu.memory_space<vmem>> -> memref<128xi32, #tpu.memory_space<vmem>>
      tpu.wait_dma2 semaphore(%run_scoped3A : memref<!tpu.dma_semaphore, #tpu.memory_space<semaphore_mem>>) src(%dma_wait3A_1664 : memref<128xi32, #tpu.memory_space<vmem>>) dst(%dma_wait3A_1662 : memref<128xi32, #tpu.memory_space<hbm>>)
      tpu.yield
    }) : () -> ()
    %mul3A_1627 = arith.constant 8 : i32
    %mul3A_1628 = arith.muli %mul3A_1627, %arg1 : i32
    %add3A_1629 = arith.constant 3 : i32
    %add3A_1630 = arith.addi %mul3A_1628, %add3A_1629 : i32
    "tpu.region"() ({
      %run_scoped3A = tpu.sem_alloc : memref<!tpu.dma_semaphore, #tpu.memory_space<semaphore_mem>>
      %dma_start3A = arith.constant 384 : i32
      %dma_start3A_1647 = tpu.memref_slice %arg7[%dma_start3A] : memref<1024xi32, #tpu.memory_space<vmem>> -> memref<128xi32, #tpu.memory_space<vmem>>
      %dma_start3A_1648 = arith.constant 0 : i32
      %dma_start3A_1649 = tpu.memref_slice %arg3[%add3A_1630, %dma_start3A_1648] : memref<128x128xi32, #tpu.memory_space<hbm>> -> memref<1x128xi32, #tpu.memory_space<hbm>>
      %dma_start3A_1650 = tpu.memref_squeeze %dma_start3A_1649 : memref<1x128xi32, #tpu.memory_space<hbm>> -> memref<128xi32, #tpu.memory_space<hbm>>
      %dma_start3A_1651 = arith.constant 0 : i32
      %dma_start3A_1652 = tpu.memref_slice %arg3[%add3A_1630, %dma_start3A_1651] : memref<128x128xi32, #tpu.memory_space<hbm>> -> memref<1x128xi32, #tpu.memory_space<hbm>>
      %dma_start3A_1653 = tpu.memref_squeeze %dma_start3A_1652 : memref<1x128xi32, #tpu.memory_space<hbm>> -> memref<128xi32, #tpu.memory_space<hbm>>
      %dma_start3A_1654 = arith.constant 384 : i32
      %dma_start3A_1655 = tpu.memref_slice %arg7[%dma_start3A_1654] : memref<1024xi32, #tpu.memory_space<vmem>> -> memref<128xi32, #tpu.memory_space<vmem>>
      tpu.enqueue_dma source(%dma_start3A_1655 : memref<128xi32, #tpu.memory_space<vmem>>) target(%dma_start3A_1653 : memref<128xi32, #tpu.memory_space<hbm>>) target_semaphore(%run_scoped3A : memref<!tpu.dma_semaphore, #tpu.memory_space<semaphore_mem>>)
      %dma_wait3A = arith.constant 384 : i32
      %dma_wait3A_1656 = tpu.memref_slice %arg7[%dma_wait3A] : memref<1024xi32, #tpu.memory_space<vmem>> -> memref<128xi32, #tpu.memory_space<vmem>>
      %dma_wait3A_1657 = arith.constant 0 : i32
      %dma_wait3A_1658 = tpu.memref_slice %arg3[%add3A_1630, %dma_wait3A_1657] : memref<128x128xi32, #tpu.memory_space<hbm>> -> memref<1x128xi32, #tpu.memory_space<hbm>>
      %dma_wait3A_1659 = tpu.memref_squeeze %dma_wait3A_1658 : memref<1x128xi32, #tpu.memory_space<hbm>> -> memref<128xi32, #tpu.memory_space<hbm>>
      %dma_wait3A_1660 = arith.constant 0 : i32
      %dma_wait3A_1661 = tpu.memref_slice %arg3[%add3A_1630, %dma_wait3A_1660] : memref<128x128xi32, #tpu.memory_space<hbm>> -> memref<1x128xi32, #tpu.memory_space<hbm>>
      %dma_wait3A_1662 = tpu.memref_squeeze %dma_wait3A_1661 : memref<1x128xi32, #tpu.memory_space<hbm>> -> memref<128xi32, #tpu.memory_space<hbm>>
      %dma_wait3A_1663 = arith.constant 384 : i32
      %dma_wait3A_1664 = tpu.memref_slice %arg7[%dma_wait3A_1663] : memref<1024xi32, #tpu.memory_space<vmem>> -> memref<128xi32, #tpu.memory_space<vmem>>
      tpu.wait_dma2 semaphore(%run_scoped3A : memref<!tpu.dma_semaphore, #tpu.memory_space<semaphore_mem>>) src(%dma_wait3A_1664 : memref<128xi32, #tpu.memory_space<vmem>>) dst(%dma_wait3A_1662 : memref<128xi32, #tpu.memory_space<hbm>>)
      tpu.yield
    }) : () -> ()
    %mul3A_1631 = arith.constant 8 : i32
    %mul3A_1632 = arith.muli %mul3A_1631, %arg1 : i32
    %add3A_1633 = arith.constant 4 : i32
    %add3A_1634 = arith.addi %mul3A_1632, %add3A_1633 : i32
    "tpu.region"() ({
      %run_scoped3A = tpu.sem_alloc : memref<!tpu.dma_semaphore, #tpu.memory_space<semaphore_mem>>
      %dma_start3A = arith.constant 512 : i32
      %dma_start3A_1647 = tpu.memref_slice %arg7[%dma_start3A] : memref<1024xi32, #tpu.memory_space<vmem>> -> memref<128xi32, #tpu.memory_space<vmem>>
      %dma_start3A_1648 = arith.constant 0 : i32
      %dma_start3A_1649 = tpu.memref_slice %arg3[%add3A_1634, %dma_start3A_1648] : memref<128x128xi32, #tpu.memory_space<hbm>> -> memref<1x128xi32, #tpu.memory_space<hbm>>
      %dma_start3A_1650 = tpu.memref_squeeze %dma_start3A_1649 : memref<1x128xi32, #tpu.memory_space<hbm>> -> memref<128xi32, #tpu.memory_space<hbm>>
      %dma_start3A_1651 = arith.constant 0 : i32
      %dma_start3A_1652 = tpu.memref_slice %arg3[%add3A_1634, %dma_start3A_1651] : memref<128x128xi32, #tpu.memory_space<hbm>> -> memref<1x128xi32, #tpu.memory_space<hbm>>
      %dma_start3A_1653 = tpu.memref_squeeze %dma_start3A_1652 : memref<1x128xi32, #tpu.memory_space<hbm>> -> memref<128xi32, #tpu.memory_space<hbm>>
      %dma_start3A_1654 = arith.constant 512 : i32
      %dma_start3A_1655 = tpu.memref_slice %arg7[%dma_start3A_1654] : memref<1024xi32, #tpu.memory_space<vmem>> -> memref<128xi32, #tpu.memory_space<vmem>>
      tpu.enqueue_dma source(%dma_start3A_1655 : memref<128xi32, #tpu.memory_space<vmem>>) target(%dma_start3A_1653 : memref<128xi32, #tpu.memory_space<hbm>>) target_semaphore(%run_scoped3A : memref<!tpu.dma_semaphore, #tpu.memory_space<semaphore_mem>>)
      %dma_wait3A = arith.constant 512 : i32
      %dma_wait3A_1656 = tpu.memref_slice %arg7[%dma_wait3A] : memref<1024xi32, #tpu.memory_space<vmem>> -> memref<128xi32, #tpu.memory_space<vmem>>
      %dma_wait3A_1657 = arith.constant 0 : i32
      %dma_wait3A_1658 = tpu.memref_slice %arg3[%add3A_1634, %dma_wait3A_1657] : memref<128x128xi32, #tpu.memory_space<hbm>> -> memref<1x128xi32, #tpu.memory_space<hbm>>
      %dma_wait3A_1659 = tpu.memref_squeeze %dma_wait3A_1658 : memref<1x128xi32, #tpu.memory_space<hbm>> -> memref<128xi32, #tpu.memory_space<hbm>>
      %dma_wait3A_1660 = arith.constant 0 : i32
      %dma_wait3A_1661 = tpu.memref_slice %arg3[%add3A_1634, %dma_wait3A_1660] : memref<128x128xi32, #tpu.memory_space<hbm>> -> memref<1x128xi32, #tpu.memory_space<hbm>>
      %dma_wait3A_1662 = tpu.memref_squeeze %dma_wait3A_1661 : memref<1x128xi32, #tpu.memory_space<hbm>> -> memref<128xi32, #tpu.memory_space<hbm>>
      %dma_wait3A_1663 = arith.constant 512 : i32
      %dma_wait3A_1664 = tpu.memref_slice %arg7[%dma_wait3A_1663] : memref<1024xi32, #tpu.memory_space<vmem>> -> memref<128xi32, #tpu.memory_space<vmem>>
      tpu.wait_dma2 semaphore(%run_scoped3A : memref<!tpu.dma_semaphore, #tpu.memory_space<semaphore_mem>>) src(%dma_wait3A_1664 : memref<128xi32, #tpu.memory_space<vmem>>) dst(%dma_wait3A_1662 : memref<128xi32, #tpu.memory_space<hbm>>)
      tpu.yield
    }) : () -> ()
    %mul3A_1635 = arith.constant 8 : i32
    %mul3A_1636 = arith.muli %mul3A_1635, %arg1 : i32
    %add3A_1637 = arith.constant 5 : i32
    %add3A_1638 = arith.addi %mul3A_1636, %add3A_1637 : i32
    "tpu.region"() ({
      %run_scoped3A = tpu.sem_alloc : memref<!tpu.dma_semaphore, #tpu.memory_space<semaphore_mem>>
      %dma_start3A = arith.constant 640 : i32
      %dma_start3A_1647 = tpu.memref_slice %arg7[%dma_start3A] : memref<1024xi32, #tpu.memory_space<vmem>> -> memref<128xi32, #tpu.memory_space<vmem>>
      %dma_start3A_1648 = arith.constant 0 : i32
      %dma_start3A_1649 = tpu.memref_slice %arg3[%add3A_1638, %dma_start3A_1648] : memref<128x128xi32, #tpu.memory_space<hbm>> -> memref<1x128xi32, #tpu.memory_space<hbm>>
      %dma_start3A_1650 = tpu.memref_squeeze %dma_start3A_1649 : memref<1x128xi32, #tpu.memory_space<hbm>> -> memref<128xi32, #tpu.memory_space<hbm>>
      %dma_start3A_1651 = arith.constant 0 : i32
      %dma_start3A_1652 = tpu.memref_slice %arg3[%add3A_1638, %dma_start3A_1651] : memref<128x128xi32, #tpu.memory_space<hbm>> -> memref<1x128xi32, #tpu.memory_space<hbm>>
      %dma_start3A_1653 = tpu.memref_squeeze %dma_start3A_1652 : memref<1x128xi32, #tpu.memory_space<hbm>> -> memref<128xi32, #tpu.memory_space<hbm>>
      %dma_start3A_1654 = arith.constant 640 : i32
      %dma_start3A_1655 = tpu.memref_slice %arg7[%dma_start3A_1654] : memref<1024xi32, #tpu.memory_space<vmem>> -> memref<128xi32, #tpu.memory_space<vmem>>
      tpu.enqueue_dma source(%dma_start3A_1655 : memref<128xi32, #tpu.memory_space<vmem>>) target(%dma_start3A_1653 : memref<128xi32, #tpu.memory_space<hbm>>) target_semaphore(%run_scoped3A : memref<!tpu.dma_semaphore, #tpu.memory_space<semaphore_mem>>)
      %dma_wait3A = arith.constant 640 : i32
      %dma_wait3A_1656 = tpu.memref_slice %arg7[%dma_wait3A] : memref<1024xi32, #tpu.memory_space<vmem>> -> memref<128xi32, #tpu.memory_space<vmem>>
      %dma_wait3A_1657 = arith.constant 0 : i32
      %dma_wait3A_1658 = tpu.memref_slice %arg3[%add3A_1638, %dma_wait3A_1657] : memref<128x128xi32, #tpu.memory_space<hbm>> -> memref<1x128xi32, #tpu.memory_space<hbm>>
      %dma_wait3A_1659 = tpu.memref_squeeze %dma_wait3A_1658 : memref<1x128xi32, #tpu.memory_space<hbm>> -> memref<128xi32, #tpu.memory_space<hbm>>
      %dma_wait3A_1660 = arith.constant 0 : i32
      %dma_wait3A_1661 = tpu.memref_slice %arg3[%add3A_1638, %dma_wait3A_1660] : memref<128x128xi32, #tpu.memory_space<hbm>> -> memref<1x128xi32, #tpu.memory_space<hbm>>
      %dma_wait3A_1662 = tpu.memref_squeeze %dma_wait3A_1661 : memref<1x128xi32, #tpu.memory_space<hbm>> -> memref<128xi32, #tpu.memory_space<hbm>>
      %dma_wait3A_1663 = arith.constant 640 : i32
      %dma_wait3A_1664 = tpu.memref_slice %arg7[%dma_wait3A_1663] : memref<1024xi32, #tpu.memory_space<vmem>> -> memref<128xi32, #tpu.memory_space<vmem>>
      tpu.wait_dma2 semaphore(%run_scoped3A : memref<!tpu.dma_semaphore, #tpu.memory_space<semaphore_mem>>) src(%dma_wait3A_1664 : memref<128xi32, #tpu.memory_space<vmem>>) dst(%dma_wait3A_1662 : memref<128xi32, #tpu.memory_space<hbm>>)
      tpu.yield
    }) : () -> ()
    %mul3A_1639 = arith.constant 8 : i32
    %mul3A_1640 = arith.muli %mul3A_1639, %arg1 : i32
    %add3A_1641 = arith.constant 6 : i32
    %add3A_1642 = arith.addi %mul3A_1640, %add3A_1641 : i32
    "tpu.region"() ({
      %run_scoped3A = tpu.sem_alloc : memref<!tpu.dma_semaphore, #tpu.memory_space<semaphore_mem>>
      %dma_start3A = arith.constant 768 : i32
      %dma_start3A_1647 = tpu.memref_slice %arg7[%dma_start3A] : memref<1024xi32, #tpu.memory_space<vmem>> -> memref<128xi32, #tpu.memory_space<vmem>>
      %dma_start3A_1648 = arith.constant 0 : i32
      %dma_start3A_1649 = tpu.memref_slice %arg3[%add3A_1642, %dma_start3A_1648] : memref<128x128xi32, #tpu.memory_space<hbm>> -> memref<1x128xi32, #tpu.memory_space<hbm>>
      %dma_start3A_1650 = tpu.memref_squeeze %dma_start3A_1649 : memref<1x128xi32, #tpu.memory_space<hbm>> -> memref<128xi32, #tpu.memory_space<hbm>>
      %dma_start3A_1651 = arith.constant 0 : i32
      %dma_start3A_1652 = tpu.memref_slice %arg3[%add3A_1642, %dma_start3A_1651] : memref<128x128xi32, #tpu.memory_space<hbm>> -> memref<1x128xi32, #tpu.memory_space<hbm>>
      %dma_start3A_1653 = tpu.memref_squeeze %dma_start3A_1652 : memref<1x128xi32, #tpu.memory_space<hbm>> -> memref<128xi32, #tpu.memory_space<hbm>>
      %dma_start3A_1654 = arith.constant 768 : i32
      %dma_start3A_1655 = tpu.memref_slice %arg7[%dma_start3A_1654] : memref<1024xi32, #tpu.memory_space<vmem>> -> memref<128xi32, #tpu.memory_space<vmem>>
      tpu.enqueue_dma source(%dma_start3A_1655 : memref<128xi32, #tpu.memory_space<vmem>>) target(%dma_start3A_1653 : memref<128xi32, #tpu.memory_space<hbm>>) target_semaphore(%run_scoped3A : memref<!tpu.dma_semaphore, #tpu.memory_space<semaphore_mem>>)
      %dma_wait3A = arith.constant 768 : i32
      %dma_wait3A_1656 = tpu.memref_slice %arg7[%dma_wait3A] : memref<1024xi32, #tpu.memory_space<vmem>> -> memref<128xi32, #tpu.memory_space<vmem>>
      %dma_wait3A_1657 = arith.constant 0 : i32
      %dma_wait3A_1658 = tpu.memref_slice %arg3[%add3A_1642, %dma_wait3A_1657] : memref<128x128xi32, #tpu.memory_space<hbm>> -> memref<1x128xi32, #tpu.memory_space<hbm>>
      %dma_wait3A_1659 = tpu.memref_squeeze %dma_wait3A_1658 : memref<1x128xi32, #tpu.memory_space<hbm>> -> memref<128xi32, #tpu.memory_space<hbm>>
      %dma_wait3A_1660 = arith.constant 0 : i32
      %dma_wait3A_1661 = tpu.memref_slice %arg3[%add3A_1642, %dma_wait3A_1660] : memref<128x128xi32, #tpu.memory_space<hbm>> -> memref<1x128xi32, #tpu.memory_space<hbm>>
      %dma_wait3A_1662 = tpu.memref_squeeze %dma_wait3A_1661 : memref<1x128xi32, #tpu.memory_space<hbm>> -> memref<128xi32, #tpu.memory_space<hbm>>
      %dma_wait3A_1663 = arith.constant 768 : i32
      %dma_wait3A_1664 = tpu.memref_slice %arg7[%dma_wait3A_1663] : memref<1024xi32, #tpu.memory_space<vmem>> -> memref<128xi32, #tpu.memory_space<vmem>>
      tpu.wait_dma2 semaphore(%run_scoped3A : memref<!tpu.dma_semaphore, #tpu.memory_space<semaphore_mem>>) src(%dma_wait3A_1664 : memref<128xi32, #tpu.memory_space<vmem>>) dst(%dma_wait3A_1662 : memref<128xi32, #tpu.memory_space<hbm>>)
      tpu.yield
    }) : () -> ()
    %mul3A_1643 = arith.constant 8 : i32
    %mul3A_1644 = arith.muli %mul3A_1643, %arg1 : i32
    %add3A_1645 = arith.constant 7 : i32
    %add3A_1646 = arith.addi %mul3A_1644, %add3A_1645 : i32
    "tpu.region"() ({
      %run_scoped3A = tpu.sem_alloc : memref<!tpu.dma_semaphore, #tpu.memory_space<semaphore_mem>>
      %dma_start3A = arith.constant 896 : i32
      %dma_start3A_1647 = tpu.memref_slice %arg7[%dma_start3A] : memref<1024xi32, #tpu.memory_space<vmem>> -> memref<128xi32, #tpu.memory_space<vmem>>
      %dma_start3A_1648 = arith.constant 0 : i32
      %dma_start3A_1649 = tpu.memref_slice %arg3[%add3A_1646, %dma_start3A_1648] : memref<128x128xi32, #tpu.memory_space<hbm>> -> memref<1x128xi32, #tpu.memory_space<hbm>>
      %dma_start3A_1650 = tpu.memref_squeeze %dma_start3A_1649 : memref<1x128xi32, #tpu.memory_space<hbm>> -> memref<128xi32, #tpu.memory_space<hbm>>
      %dma_start3A_1651 = arith.constant 0 : i32
      %dma_start3A_1652 = tpu.memref_slice %arg3[%add3A_1646, %dma_start3A_1651] : memref<128x128xi32, #tpu.memory_space<hbm>> -> memref<1x128xi32, #tpu.memory_space<hbm>>
      %dma_start3A_1653 = tpu.memref_squeeze %dma_start3A_1652 : memref<1x128xi32, #tpu.memory_space<hbm>> -> memref<128xi32, #tpu.memory_space<hbm>>
      %dma_start3A_1654 = arith.constant 896 : i32
      %dma_start3A_1655 = tpu.memref_slice %arg7[%dma_start3A_1654] : memref<1024xi32, #tpu.memory_space<vmem>> -> memref<128xi32, #tpu.memory_space<vmem>>
      tpu.enqueue_dma source(%dma_start3A_1655 : memref<128xi32, #tpu.memory_space<vmem>>) target(%dma_start3A_1653 : memref<128xi32, #tpu.memory_space<hbm>>) target_semaphore(%run_scoped3A : memref<!tpu.dma_semaphore, #tpu.memory_space<semaphore_mem>>)
      %dma_wait3A = arith.constant 896 : i32
      %dma_wait3A_1656 = tpu.memref_slice %arg7[%dma_wait3A] : memref<1024xi32, #tpu.memory_space<vmem>> -> memref<128xi32, #tpu.memory_space<vmem>>
      %dma_wait3A_1657 = arith.constant 0 : i32
      %dma_wait3A_1658 = tpu.memref_slice %arg3[%add3A_1646, %dma_wait3A_1657] : memref<128x128xi32, #tpu.memory_space<hbm>> -> memref<1x128xi32, #tpu.memory_space<hbm>>
      %dma_wait3A_1659 = tpu.memref_squeeze %dma_wait3A_1658 : memref<1x128xi32, #tpu.memory_space<hbm>> -> memref<128xi32, #tpu.memory_space<hbm>>
      %dma_wait3A_1660 = arith.constant 0 : i32
      %dma_wait3A_1661 = tpu.memref_slice %arg3[%add3A_1646, %dma_wait3A_1660] : memref<128x128xi32, #tpu.memory_space<hbm>> -> memref<1x128xi32, #tpu.memory_space<hbm>>
      %dma_wait3A_1662 = tpu.memref_squeeze %dma_wait3A_1661 : memref<1x128xi32, #tpu.memory_space<hbm>> -> memref<128xi32, #tpu.memory_space<hbm>>
      %dma_wait3A_1663 = arith.constant 896 : i32
      %dma_wait3A_1664 = tpu.memref_slice %arg7[%dma_wait3A_1663] : memref<1024xi32, #tpu.memory_space<vmem>> -> memref<128xi32, #tpu.memory_space<vmem>>
      tpu.wait_dma2 semaphore(%run_scoped3A : memref<!tpu.dma_semaphore, #tpu.memory_space<semaphore_mem>>) src(%dma_wait3A_1664 : memref<128xi32, #tpu.memory_space<vmem>>) dst(%dma_wait3A_1662 : memref<128xi32, #tpu.memory_space<hbm>>)
      tpu.yield
    }) : () -> ()
    return
  }
}

module attributes {stable_mosaic.version = 14 : i64} {
  func.func @_bcast_kernel(%arg0: i32, %arg1: memref<128x128xi32, #tpu.memory_space<vmem>>, %arg2: memref<256x4096xi32, #tpu.memory_space<vmem>>, %arg3: memref<128x128xf32, #tpu.memory_space<vmem>>, %arg4: memref<128x128xf32, #tpu.memory_space<vmem>>) attributes {dimension_semantics = [#tpu.dimension_semantics<arbitrary>], iteration_bounds = array<i64: 64>, scalar_prefetch = 0 : i64, scratch_operands = 2 : i64, tpu.core_type = #tpu.core_type<tc>, window_params = [{pipeline_mode = #tpu.pipeline_mode<synchronous>, transform_indices = @transform_0, window_bounds = array<i64: 128, 128>}, {transform_indices = @transform_1, window_bounds = array<i64: 256, 4096>}]} {
    %eq3A = arith.constant 0 : i32
    %eq3A_0 = arith.cmpi eq, %arg0, %eq3A : i32
    %convert_element_type3A = arith.extui %eq3A_0 : i1 to i32
    %cond3A = arith.constant 0 : i32
    %cond3A_1 = arith.cmpi ne, %convert_element_type3A, %cond3A : i32
    scf.if %cond3A_1 {
      %get3A_52 = arith.constant 0 : index
      %get3A_53 = arith.constant 0 : index
      %get3A_54 = vector.load %arg1[%get3A_52, %get3A_53] : memref<128x128xi32, #tpu.memory_space<vmem>>, vector<128x128xi32>
      %convert_element_type3A_55 = arith.sitofp %get3A_54 : vector<128x128xi32> to vector<128x128xf32>
      %mul3A_56 = arith.constant 7.812500e-03 : f32
      %mul3A_57 = vector.broadcast %mul3A_56 : f32 to vector<128x128xf32>
      %mul3A_58 = arith.mulf %convert_element_type3A_55, %mul3A_57 : vector<128x128xf32>
      %floor3A = math.floor %mul3A_58 : vector<128x128xf32>
      %mul3A_59 = arith.constant 1.280000e+02 : f32
      %mul3A_60 = vector.broadcast %mul3A_59 : f32 to vector<128x128xf32>
      %mul3A_61 = arith.mulf %floor3A, %mul3A_60 : vector<128x128xf32>
      %sub3A = arith.subf %convert_element_type3A_55, %mul3A_61 : vector<128x128xf32>
      %transpose3A = tpu.transpose %floor3A, [1, 0] : vector<128x128xf32> -> vector<128x128xf32>
      %swap3A_62 = arith.constant 0 : index
      %swap3A_63 = arith.constant 0 : index
      %swap3A_64 = vector.load %arg3[%swap3A_62, %swap3A_63] : memref<128x128xf32, #tpu.memory_space<vmem>>, vector<128x128xf32>
      tpu.vector_store %arg3[%swap3A_62, %swap3A_63], %transpose3A {strides = array<i32>} : memref<128x128xf32, #tpu.memory_space<vmem>>, vector<128x128xf32>,
      %transpose3A_65 = tpu.transpose %sub3A, [1, 0] : vector<128x128xf32> -> vector<128x128xf32>
      %swap3A_66 = arith.constant 0 : index
      %swap3A_67 = arith.constant 0 : index
      %swap3A_68 = vector.load %arg4[%swap3A_66, %swap3A_67] : memref<128x128xf32, #tpu.memory_space<vmem>>, vector<128x128xf32>
      tpu.vector_store %arg4[%swap3A_66, %swap3A_67], %transpose3A_65 {strides = array<i32>} : memref<128x128xf32, #tpu.memory_space<vmem>>, vector<128x128xf32>,
    } else {
    }
    %iota3A = tpu.iota {dimensions = array<i32: 0>} : vector<128x1xi32>
    %mul3A = arith.constant 2 : i32
    %mul3A_2 = arith.muli %arg0, %mul3A : i32
    %add3A = arith.constant 0 : i32
    %add3A_3 = arith.addi %mul3A_2, %add3A : i32
    %eq3A_4 = vector.broadcast %add3A_3 : i32 to vector<128x1xi32>
    %eq3A_5 = arith.cmpi eq, %iota3A, %eq3A_4 : vector<128x1xi32>
    %convert_element_type3A_6 = arith.extui %eq3A_5 : vector<128x1xi1> to vector<128x1xi32>
    %convert_element_type3A_7 = arith.sitofp %convert_element_type3A_6 : vector<128x1xi32> to vector<128x1xf32>
    %get3A = arith.constant 0 : index
    %get3A_8 = arith.constant 0 : index
    %get3A_9 = vector.load %arg3[%get3A, %get3A_8] : memref<128x128xf32, #tpu.memory_space<vmem>>, vector<128x128xf32>
    %dot_general3A = arith.constant dense<0.000000e+00> : vector<128x1xf32>
    %dot_general3A_10 = tpu.matmul %get3A_9, %convert_element_type3A_7, %dot_general3A {dimension_numbers = #tpu.dot_dimension_numbers<[1], [0], [0], [1], [0, 0, 1, 1], [], []>, transpose_lhs_hint = false} : vector<128x128xf32>, vector<128x1xf32>, vector<128x1xf32> -> vector<128x1xf32>
    %get3A_11 = arith.constant 0 : index
    %get3A_12 = arith.constant 0 : index
    %get3A_13 = vector.load %arg4[%get3A_11, %get3A_12] : memref<128x128xf32, #tpu.memory_space<vmem>>, vector<128x128xf32>
    %dot_general3A_14 = arith.constant dense<0.000000e+00> : vector<128x1xf32>
    %dot_general3A_15 = tpu.matmul %get3A_13, %convert_element_type3A_7, %dot_general3A_14 {dimension_numbers = #tpu.dot_dimension_numbers<[1], [0], [0], [1], [0, 0, 1, 1], [], []>, transpose_lhs_hint = false} : vector<128x128xf32>, vector<128x1xf32>, vector<128x1xf32> -> vector<128x1xf32>
    %mul3A_16 = arith.constant 1.280000e+02 : f32
    %mul3A_17 = vector.broadcast %mul3A_16 : f32 to vector<128x1xf32>
    %mul3A_18 = arith.mulf %dot_general3A_10, %mul3A_17 : vector<128x1xf32>
    %add3A_19 = arith.addf %mul3A_18, %dot_general3A_15 : vector<128x1xf32>
    %convert_element_type3A_20 = arith.fptosi %add3A_19 : vector<128x1xf32> to vector<128x1xi32>
    %broadcast_in_dim3A = vector.shape_cast %convert_element_type3A_20 : vector<128x1xi32> to vector<128x1xi32>
    %broadcast_in_dim3A_21 = vector.broadcast %broadcast_in_dim3A : vector<128x1xi32> to vector<128x4096xi32>
    %swap3A = arith.constant 0 : index
    %swap3A_22 = arith.constant 0 : index
    %swap3A_23 = vector.load %arg2[%swap3A, %swap3A_22] : memref<256x4096xi32, #tpu.memory_space<vmem>>, vector<128x4096xi32>
    tpu.vector_store %arg2[%swap3A, %swap3A_22], %broadcast_in_dim3A_21 {strides = array<i32>} : memref<256x4096xi32, #tpu.memory_space<vmem>>, vector<128x4096xi32>,
    %mul3A_24 = arith.constant 2 : i32
    %mul3A_25 = arith.muli %arg0, %mul3A_24 : i32
    %add3A_26 = arith.constant 1 : i32
    %add3A_27 = arith.addi %mul3A_25, %add3A_26 : i32
    %eq3A_28 = vector.broadcast %add3A_27 : i32 to vector<128x1xi32>
    %eq3A_29 = arith.cmpi eq, %iota3A, %eq3A_28 : vector<128x1xi32>
    %convert_element_type3A_30 = arith.extui %eq3A_29 : vector<128x1xi1> to vector<128x1xi32>
    %convert_element_type3A_31 = arith.sitofp %convert_element_type3A_30 : vector<128x1xi32> to vector<128x1xf32>
    %get3A_32 = arith.constant 0 : index
    %get3A_33 = arith.constant 0 : index
    %get3A_34 = vector.load %arg3[%get3A_32, %get3A_33] : memref<128x128xf32, #tpu.memory_space<vmem>>, vector<128x128xf32>
    %dot_general3A_35 = arith.constant dense<0.000000e+00> : vector<128x1xf32>
    %dot_general3A_36 = tpu.matmul %get3A_34, %convert_element_type3A_31, %dot_general3A_35 {dimension_numbers = #tpu.dot_dimension_numbers<[1], [0], [0], [1], [0, 0, 1, 1], [], []>, transpose_lhs_hint = false} : vector<128x128xf32>, vector<128x1xf32>, vector<128x1xf32> -> vector<128x1xf32>
    %get3A_37 = arith.constant 0 : index
    %get3A_38 = arith.constant 0 : index
    %get3A_39 = vector.load %arg4[%get3A_37, %get3A_38] : memref<128x128xf32, #tpu.memory_space<vmem>>, vector<128x128xf32>
    %dot_general3A_40 = arith.constant dense<0.000000e+00> : vector<128x1xf32>
    %dot_general3A_41 = tpu.matmul %get3A_39, %convert_element_type3A_31, %dot_general3A_40 {dimension_numbers = #tpu.dot_dimension_numbers<[1], [0], [0], [1], [0, 0, 1, 1], [], []>, transpose_lhs_hint = false} : vector<128x128xf32>, vector<128x1xf32>, vector<128x1xf32> -> vector<128x1xf32>
    %mul3A_42 = arith.constant 1.280000e+02 : f32
    %mul3A_43 = vector.broadcast %mul3A_42 : f32 to vector<128x1xf32>
    %mul3A_44 = arith.mulf %dot_general3A_36, %mul3A_43 : vector<128x1xf32>
    %add3A_45 = arith.addf %mul3A_44, %dot_general3A_41 : vector<128x1xf32>
    %convert_element_type3A_46 = arith.fptosi %add3A_45 : vector<128x1xf32> to vector<128x1xi32>
    %broadcast_in_dim3A_47 = vector.shape_cast %convert_element_type3A_46 : vector<128x1xi32> to vector<128x1xi32>
    %broadcast_in_dim3A_48 = vector.broadcast %broadcast_in_dim3A_47 : vector<128x1xi32> to vector<128x4096xi32>
    %swap3A_49 = arith.constant 128 : index
    %swap3A_50 = arith.constant 0 : index
    %swap3A_51 = vector.load %arg2[%swap3A_49, %swap3A_50] : memref<256x4096xi32, #tpu.memory_space<vmem>>, vector<128x4096xi32>
    tpu.vector_store %arg2[%swap3A_49, %swap3A_50], %broadcast_in_dim3A_48 {strides = array<i32>} : memref<256x4096xi32, #tpu.memory_space<vmem>>, vector<128x4096xi32>,
    return
  }
  func.func @transform_0(%arg0: i32) -> (i32, i32) {
    %c0_i32 = arith.constant 0 : i32
    %c0_i32_0 = arith.constant 0 : i32
    %c0_i32_1 = arith.constant 0 : i32
    return %c0_i32, %c0_i32_0 : i32, i32
  }
  func.func @transform_1(%arg0: i32) -> (i32, i32) {
    %c0_i32 = arith.constant 0 : i32
    %c0_i32_0 = arith.constant 0 : i32
    return %arg0, %c0_i32 : i32, i32
  }
}

</mosaic_0001>

<sc_bundles>
// kernel: kernel.4.cloned.1.call-start
scs
__scs_entry_jumppad:
0x0: {  	(pc) =	sbr.rel $0x88, $3  }
0x1: {  	(tag) =	ssettag $0x0;
	lr =	simm.s32 $0x1  }
0x2: {  	[smem:$0x3FA0] =	sst lr;
	_ =	strace $0xD0000000  }
0x3: {  	_ = 	snop  }
0x4: {  	_ = 	snop  }
0x5: {  	_ = 	snop  }
0x6: {  	_ = 	snop  }
0x7: {  	_ = 	snop  }
__scs_overlays_trampoline_lowered:
0x8: {  	[smem:$0x3FAF] =	sst s0  }
0x9: {  	[smem:$0x3FB0] =	sst s1  }
0xa: {  	[smem:$0x3FB1] =	sst s2  }
0xb: {  	[smem:$0x3FB2] =	sst s3  }
0xc: {  	[smem:$0x3FB3] =	sst s4  }
0xd: {  	[smem:$0x3FB4] =	sst s5  }
0xe: {  	[smem:$0x3FB5] =	sst s6  }
0xf: {  	[smem:$0x3FB6] =	sst s7  }
0x10: {  	[smem:$0x3FB7] =	sst s8  }
0x11: {  	[smem:$0x3FB8] =	sst s9;
	s0 =	simm.s32 @!p0 $0x0  }
0x12: {  	s1 =	sld [smem:$0x3F9E];
	s0 =	simm.s32 @p0 $0x1  }
0x13: {  	[smem:$0x3FB9] =	sst s0;
	s0 =	simm.s32 @!p1 $0x0  }
0x14: {  	s2 =	sld [smem:$0x3F9D];
	s0 =	simm.s32 @p1 $0x1  }
0x15: {  	[smem:$0x3FBA] =	sst s0;
	s0 =	simm.s32 @!p2 $0x0  }
0x16: {  	s3 =	sld [smem:$0x3FDB];
	s0 =	simm.s32 @p2 $0x1  }
0x17: {  	s4 =	simm.s32 $0x1BF5;
	[smem:$0x3FBC] =	sst s0  }
0x18: {  	s0 =	sld [smem:$0x3F9F];
	_ =	swait.ge [sflag:s4], $0x0  }
0x19: {  	s7 =	sld [smem:$0x3FA0]  }
0x1a: {  	s8 =	sadd.s32 $0xFFFFE003, lr  }
0x1b: {  	s9 =	sadd.s32 $0xFFFFFEF7, lr;
	s5 =	simm.s32 $0xFFFFFFFF;
	p2 =	slt.u32 s8, $0xFFFFF086  }
0x1c: {  	p1 =	slt.u32 s9, $0xF7A;
	s5 =	simm.s32 @!p2 $0x0  }
0x1d: {  	s5 =	simm.s32 @p1 $0x1;
	p0 =	seq.s32 s7, s2  }
0x1e: {  	s7 =	smul.u32 @!p0 $0xF7A, s2;
	p2 =	seq.s32 @!p0 s5, $0x0  }
0x1f: {  	s9 =	smul.u32 $0xF7A, s1;
	s8 =	simm.s32 @!p0 $0x1BF5;
	p2 =	por !p2, p0  }
0x20: {  	[sflag:s8] =	ssyncset.s32 @!p0 $0xFFFFF086;
	s6 =	sadd.s32 @!p0 s3, s7;
	s7 =	simm.s32 @!p0 $0x108  }
0x21: {  	s3 =	sadd.s32 s3, s9;
	s6 =	sadd.s32 @!p0 $0x88, s6;
	s7 =	simm.s32 @p2 $0x1082  }
0x22: {  	[simem:s7], [sflag:s8] =	dma.local @!p0 [hbm:s6], $0xF7A  }
0x23: {  	s9 =	sor.u32 $0xD0000000, s2;
	s6 =	simm.s32 $0x108;
	_ =	swait.ge @!p0 [sflag:s8], $0x0  }
0x24: {  	s3 =	sadd.s32 $0x88, s3;
	s6 =	simm.s32 @!p1 $0x1082;
	[sflag:s4] =	ssyncset.s32 $0xFFFFF086  }
0x25: {  	[simem:s6], [sflag:s4] =	dma.local [hbm:s3], $0xF7A  }
0x26: {  	[smem:$0x3FA0] =	sst s1;
	(tag) =	ssettag s2;
	_ =	strace s9  }
0x27: {  	s1 =	sld [smem:$0x3FB0]  }
0x28: {  	s2 =	sld [smem:$0x3FB1]  }
0x29: {  	s4 =	sld [smem:$0x3FB3]  }
0x2a: {  	p0 =	seq.s32 s5, $0x0;
	s5 =	sld [smem:$0x3FB4]  }
0x2b: {  	s6 =	sld [smem:$0x3FB5]  }
0x2c: {  	s7 =	sld [smem:$0x3FB6]  }
0x2d: {  	s3 =	simm.s32 $0x108;
	s8 =	sld [smem:$0x3FB7]  }
0x2e: {  	s3 =	simm.s32 @!p0 $0x1082;
	s9 =	sld [smem:$0x3FB8]  }
0x2f: {  	lr =	sadd.s32 s0, s3;
	s0 =	sld [smem:$0x3FAF]  }
0x30: {  	s3 =	sld [smem:$0x3FB2]  }
0x31: {  	[smem:$0x3FBB] =	sst s10  }
0x32: {  	s10 =	sld [smem:$0x3FB9];
	_ =	sdelay $0x3  }
0x33: {  	p0 =	seq.s32 s10, $0x1;
	s10 =	sld [smem:$0x3FBB];
	_ =	sdelay $0x3  }
0x34: {  	[smem:$0x3FBB] =	sst s10  }
0x35: {  	s10 =	sld [smem:$0x3FBA];
	_ =	sdelay $0x3  }
0x36: {  	p1 =	seq.s32 s10, $0x1;
	s10 =	sld [smem:$0x3FBB];
	_ =	sdelay $0x3  }
0x37: {  	[smem:$0x3FBB] =	sst s10  }
0x38: {  	s10 =	sld [smem:$0x3FBC]  }
0x39: {  	_ = 	snop;
	(pc) =	sbr.ind lr, $3  }
0x3a: {  	_ = 	snop  }
0x3b: {  	_ = 	snop  }
0x3c: {  	p2 =	seq.s32 s10, $0x1;
	s10 =	sld [smem:$0x3FBB]  }
0x3d: {  	_ =	shalt  }
0x3e: {  	_ =	shalt  }
0x3f: {  	_ =	shalt  }
0x40: {  	_ =	shalt  }
0x41: {  	_ =	shalt  }
0x42: {  	_ =	shalt  }
0x43: {  	_ =	shalt  }
0x44: {  	_ =	shalt  }
0x45: {  	_ =	shalt  }
0x46: {  	_ =	shalt  }
0x47: {  	_ =	shalt  }
0x48: {  	_ =	shalt  }
0x49: {  	_ =	shalt  }
0x4a: {  	_ =	shalt  }
0x4b: {  	_ =	shalt  }
0x4c: {  	_ =	shalt  }
0x4d: {  	_ =	shalt  }
0x4e: {  	_ =	shalt  }
0x4f: {  	_ =	shalt  }
0x50: {  	_ =	shalt  }
0x51: {  	_ =	shalt  }
0x52: {  	_ =	shalt  }
0x53: {  	_ =	shalt  }
0x54: {  	_ =	shalt  }
0x55: {  	_ =	shalt  }
0x56: {  	_ =	shalt  }
0x57: {  	_ =	shalt  }
0x58: {  	_ =	shalt  }
0x59: {  	_ =	shalt  }
0x5a: {  	_ =	shalt  }
0x5b: {  	_ =	shalt  }
0x5c: {  	_ =	shalt  }
0x5d: {  	_ =	shalt  }
0x5e: {  	_ =	shalt  }
0x5f: {  	_ =	shalt  }
0x60: {  	_ =	shalt  }
0x61: {  	_ =	shalt  }
0x62: {  	_ =	shalt  }
0x63: {  	_ =	shalt  }
0x64: {  	_ =	shalt  }
0x65: {  	_ =	shalt  }
0x66: {  	_ =	shalt  }
0x67: {  	_ =	shalt  }
0x68: {  	_ =	shalt  }
0x69: {  	_ =	shalt  }
0x6a: {  	_ =	shalt  }
0x6b: {  	_ =	shalt  }
0x6c: {  	_ =	shalt  }
0x6d: {  	_ =	shalt  }
0x6e: {  	_ =	shalt  }
0x6f: {  	_ =	shalt  }
0x70: {  	_ =	shalt  }
0x71: {  	_ =	shalt  }
0x72: {  	_ =	shalt  }
0x73: {  	_ =	shalt  }
0x74: {  	_ =	shalt  }
0x75: {  	_ =	shalt  }
0x76: {  	_ =	shalt  }
0x77: {  	_ =	shalt  }
0x78: {  	_ =	shalt  }
0x79: {  	_ =	shalt  }
0x7a: {  	_ =	shalt  }
0x7b: {  	_ =	shalt  }
0x7c: {  	_ =	shalt  }
0x7d: {  	_ =	shalt  }
0x7e: {  	_ =	shalt  }
0x7f: {  	_ =	shalt  }
0x80: {  	_ =	shalt  }
0x81: {  	_ =	shalt  }
0x82: {  	_ =	shalt  }
0x83: {  	_ =	shalt  }
0x84: {  	_ =	shalt  }
0x85: {  	_ =	shalt  }
0x86: {  	_ =	shalt  }
0x87: {  	_ =	shalt  }
.Lfunc_end0:
.L_simem_size_0:
called_computation_lowered:
.L_overlay_start_0:
0x88: {  	s0 =	sld [smem:$0x3FD9]  }
0x89: {  	s1 =	sld [smem:$0x3FFE];
	_ =	sdelay $0x3  }
0x8a: {  	s0 =	sadd.s32 s1, s0  }
0x8b: {  	[smem:$0x3FC7] =	sst s0  }
0x8c: {  	_ = 	snop  }
0x8d: {  	s0 =	sld [smem:$0x3FC9]  }
0x8e: {  	s17 =	sld [smem:$0x3FD0];
	(tm) =	ssettm $0x1  }
0x8f: {  	s2 =	sld [smem:$0x3FFB];
	_ =	sdelay $0x3  }
0x90: {  	_ =	strace s2  }
0x91: {  	s2 =	sld [smem:$0x3FFC];
	_ =	sdelay $0x3  }
0x92: {  	_ =	strace s2  }
0x93: {  	s2 =	sld [smem:$0x3FFD];
	_ =	sdelay $0x3  }
0x94: {  	_ =	strace s2  }
0x95: {  	_ =	strace $0x8FFFFFFF  }
0x96: {  	s18 =	sld [smem:$0x3FDB];
	_ =	sdelay $0x1  }
0x97: {  	s3 =	simm.s32 $_scs_section_size  }
0x98: {  	s4 =	simm.s32 $_size__tile_overlayer_lowered;
	s5 =	simm.s32 $_tile_overlayer_lowered  }
0x99: {  	s21 =	simm.s32 $0x1BFF;
	s20 =	sshll.u32 s5, $0x1;
	s2 =	sadd.s32 s3, s18  }
0x9a: {  	s6 =	simm.s32 $0x0;
	s19 =	sshll.u32 s4, $0x1;
	s4 =	sadd.s32 s20, s2  }
0x9b: {  	[timem:s6], [sflag:s21] =	dma.local [hbm:s4], s19  }
0x9c: {  	_ =	swait.ge [sflag:s21], s19  }
0x9d: {  	s3 =	ssub.s32 $0x0, s19;
	[sflag:s21] =	ssyncset.done $0x0  }
0x9e: {  	[sflag:s21] =	ssyncadd.s32 s3;
	_ =	sdelay $0x1  }
0x9f: {  	s22 =	simm.s32 $0x1B8B  }
0xa0: {  	_ =	swait.ge [sflag:s22], $0x1  }
0xa1: {  	[sflag:s22] =	ssyncset.done $0x0  }
0xa2: {  	s23 =	simm.s32 $0x1B8E;
	[sflag:s22] =	ssyncadd.s32 $0xFFFFFFFF  }
0xa3: {  	s24 =	simm.s32 $execute0_lowered;
	[smem:$0x3FD2] =	sst s23  }
0xa4: {  	s3 =	sshll.u32 s24, $0x1;
	_ =	strace $0x80000046;
	[dreg:$0x1] =	wrdreg $0xFFFFFFFF  }
0xa5: {  	s25 =	simm.s32 $_size_execute0_lowered;
	s2 =	sadd.s32 s2, s3;
	[dreg:$0x0] =	wrdreg $0x0  }
0xa6: {  	s3 =	sshll.u32 s25, $0x1;
	[dreg:$0x2] =	wrdreg s2  }
0xa7: {  	[dreg:$0x3] =	wrdreg s3  }
0xa8: {  	[dreg:$0x4] =	wrdreg $0xC0  }
0xa9: {  	_ =	task [dreg:s6], $0x5FFFF  }
0xaa: {  	[dreg:$0x1] =	wrdreg $0xFFFFFFFF  }
0xab: {  	[dreg:$0x0] =	wrdreg $0x60  }
0xac: {  	[dreg:$0x2] =	wrdreg s0  }
0xad: {  	[dreg:$0x3] =	wrdreg s17  }
0xae: {  	[dreg:$0x4] =	wrdreg $0x5000  }
0xaf: {  	[dreg:$0x5] =	wrdreg $0x9  }
0xb0: {  	_ =	task.clear_ibuf [dreg:s6], $0x6FFFF;
	_ =	strace $0x90000046  }
0xb1: {  	s26 =	simm.s32 $0x9;
	_ =	strace $0x80000048  }
0xb2: {  	_ =	swait.ge [sflag:s26], $0x1  }
0xb3: {  	[sflag:s26] =	ssyncadd.s32 $0xFFFFFFFF  }
0xb4: {  	_ =	strace $0x90000048  }
0xb5: {  	_ =	sfence  }
0xb6: {  	s28 =	sld [smem:$0x0];
	_ =	sdelay $0x1  }
0xb7: {  	s29 =	srdreg.scid  }
0xb8: {  	s30 =	sshll.u32 s29, $0xD;
	s31 =	sshrl.u32 s29, $0x2  }
0xb9: {  	s1 =	sand.u32 $0x1, s29;
	s2 =	sand.u32 $0x4000, s30;
	s0 =	sadd.s32 s31, s28  }
0xba: {  	s1 =	sor.u32 s2, s1;
	s0 =	sshll.u32 s0, $0x11  }
0xbb: {  	s0 =	sor.u32 s0, s1  }
0xbc: {  	s0 =	sadd.s32 $0x8F2B, s0  }
0xbd: {  	[sflag:s0] =	ssyncadd.remote.s32 $0x1  }
0xbe: {  	_ =	sfence.sel $0xFFFF  }
0xbf: {  	[dreg:$0x0] =	wrdreg $0xFFFFFFFF;
	(pc) =	sbr.abs _section_cstart, $3  }
0xc0: {  	[dreg:$0x1] =	wrdreg $0xFFFFFFFF  }
0xc1: {  	_ =	task.clear_ibuf [dreg:s6], $0x2FFFF;
	_ =	strace $0x9FFFFFFF  }
0xc2: {  	(tm) =	ssettm $0x7FFFFFFF  }
0xc3: {  	_ =	shalt  }
tec
execute0_lowered:
.L_overlay_start_1:
0x0: {  	(tag) =	ssettag $0x1  }
0x1: {  	s3 =	rddreg [dreg:$0x0]  }
0x2: {  	s4 =	rddreg [dreg:$0x1]  }
0x3: {  	s6 =	rddreg [dreg:$0x2];
	s2 =	simm.s32 $0x0;
	s1 =	stileid.u32  }
0x4: {  	[smem:$0x7FF] =	sst s2;
	s5 =	sshll.u32 s1, $0x7  }
0x5: {  	s0 =	rddreg [dreg:$0x3];
	_ =	strace $0x80000047;
	s3 =	sadd.s32 s3, s5  }
0x6: {  	[tilespmem:s2], [sflag:$0x1] =	stream.linear.gather [hbm4b:s3+s2], $0x400, $0x38;
	[tilespmem:$0x910] =	vst v63  }
0x7: {  	s3 =	simm.s32 $0x1  }
0x8: {  	_ =	swait.ge [sflag:s3], $0x400  }
0x9: {  	[sflag:s3] =	ssyncset.done $0x0  }
0xa: {  	[sflag:s3] =	ssyncadd.s32 $0xFFFFFC00  }
0xb: {  	v0 =	vld [tilespmem:$0x0]  }
0xc: {  	v1 =	vld [tilespmem:$0x10]  }
0xd: {  	v2 =	vld [tilespmem:$0x20]  }
0xe: {  	v3 =	vld [tilespmem:$0x30]  }
0xf: {  	v4 =	vld [tilespmem:$0x40]  }
0x10: {  	v5 =	vld [tilespmem:$0x50]  }
0x11: {  	v19 =	vld [tilespmem:$0x60];
	v0 =	vadd.s32 v0, v1  }
0x12: {  	v20 =	vld [tilespmem:$0x70];
	v0 =	vadd.s32 v2, v0  }
0x13: {  	v21 =	vld [tilespmem:$0x80];
	v0 =	vadd.s32 v3, v0  }
0x14: {  	v22 =	vld [tilespmem:$0x90];
	v0 =	vadd.s32 v4, v0  }
0x15: {  	v23 =	vld [tilespmem:$0xA0];
	v0 =	vadd.s32 v5, v0  }
0x16: {  	v24 =	vld [tilespmem:$0xB0];
	v0 =	vadd.s32 v19, v0  }
0x17: {  	v25 =	vld [tilespmem:$0xC0];
	v0 =	vadd.s32 v20, v0  }
0x18: {  	v26 =	vld [tilespmem:$0xD0];
	v0 =	vadd.s32 v21, v0  }
0x19: {  	v27 =	vld [tilespmem:$0xE0];
	v0 =	vadd.s32 v22, v0  }
0x1a: {  	v28 =	vld [tilespmem:$0xF0];
	v0 =	vadd.s32 v23, v0  }
0x1b: {  	v29 =	vld [tilespmem:$0x100];
	v0 =	vadd.s32 v24, v0  }
0x1c: {  	v30 =	vld [tilespmem:$0x110];
	v0 =	vadd.s32 v25, v0  }
0x1d: {  	v31 =	vld [tilespmem:$0x120];
	v0 =	vadd.s32 v26, v0  }
0x1e: {  	v32 =	vld [tilespmem:$0x130];
	v0 =	vadd.s32 v27, v0  }
0x1f: {  	v33 =	vld [tilespmem:$0x140];
	v0 =	vadd.s32 v28, v0  }
0x20: {  	v34 =	vld [tilespmem:$0x150];
	v0 =	vadd.s32 v29, v0  }
0x21: {  	v35 =	vld [tilespmem:$0x160];
	v0 =	vadd.s32 v30, v0  }
0x22: {  	v36 =	vld [tilespmem:$0x170];
	v0 =	vadd.s32 v31, v0  }
0x23: {  	v37 =	vld [tilespmem:$0x180];
	v0 =	vadd.s32 v32, v0  }
0x24: {  	v38 =	vld [tilespmem:$0x190];
	v0 =	vadd.s32 v33, v0  }
0x25: {  	v39 =	vld [tilespmem:$0x1A0];
	v0 =	vadd.s32 v34, v0  }
0x26: {  	v40 =	vld [tilespmem:$0x1B0];
	v0 =	vadd.s32 v35, v0  }
0x27: {  	v41 =	vld [tilespmem:$0x1C0];
	v0 =	vadd.s32 v36, v0  }
0x28: {  	v42 =	vld [tilespmem:$0x1D0];
	v0 =	vadd.s32 v37, v0  }
0x29: {  	v43 =	vld [tilespmem:$0x1E0];
	v0 =	vadd.s32 v38, v0  }
0x2a: {  	v44 =	vld [tilespmem:$0x1F0];
	v0 =	vadd.s32 v39, v0  }
0x2b: {  	v45 =	vld [tilespmem:$0x200];
	v0 =	vadd.s32 v40, v0  }
0x2c: {  	v46 =	vld [tilespmem:$0x210];
	v0 =	vadd.s32 v41, v0  }
0x2d: {  	v47 =	vld [tilespmem:$0x220];
	v0 =	vadd.s32 v42, v0  }
0x2e: {  	v48 =	vld [tilespmem:$0x230];
	v0 =	vadd.s32 v43, v0  }
0x2f: {  	v49 =	vld [tilespmem:$0x240];
	v0 =	vadd.s32 v44, v0  }
0x30: {  	v50 =	vld [tilespmem:$0x250];
	v0 =	vadd.s32 v45, v0  }
0x31: {  	v51 =	vld [tilespmem:$0x260];
	v0 =	vadd.s32 v46, v0  }
0x32: {  	v52 =	vld [tilespmem:$0x270];
	v0 =	vadd.s32 v47, v0  }
0x33: {  	v53 =	vld [tilespmem:$0x280];
	v0 =	vadd.s32 v48, v0  }
0x34: {  	v54 =	vld [tilespmem:$0x290];
	v0 =	vadd.s32 v49, v0  }
0x35: {  	v55 =	vld [tilespmem:$0x2A0];
	v0 =	vadd.s32 v50, v0  }
0x36: {  	v56 =	vld [tilespmem:$0x2B0];
	v0 =	vadd.s32 v51, v0  }
0x37: {  	v57 =	vld [tilespmem:$0x2C0];
	v0 =	vadd.s32 v52, v0  }
0x38: {  	v58 =	vld [tilespmem:$0x2D0];
	v0 =	vadd.s32 v53, v0  }
0x39: {  	v59 =	vld [tilespmem:$0x2E0];
	v0 =	vadd.s32 v54, v0  }
0x3a: {  	v60 =	vld [tilespmem:$0x2F0];
	v0 =	vadd.s32 v55, v0  }
0x3b: {  	v61 =	vld [tilespmem:$0x300];
	v0 =	vadd.s32 v56, v0  }
0x3c: {  	v62 =	vld [tilespmem:$0x310];
	v0 =	vadd.s32 v57, v0  }
0x3d: {  	v63 =	vld [tilespmem:$0x320];
	v0 =	vadd.s32 v58, v0  }
0x3e: {  	v8 =	vld [tilespmem:$0x330];
	v0 =	vadd.s32 v59, v0  }
0x3f: {  	v9 =	vld [tilespmem:$0x340];
	v0 =	vadd.s32 v60, v0  }
0x40: {  	v10 =	vld [tilespmem:$0x350];
	v0 =	vadd.s32 v61, v0  }
0x41: {  	v11 =	vld [tilespmem:$0x360];
	v0 =	vadd.s32 v62, v0  }
0x42: {  	v12 =	vld [tilespmem:$0x370];
	v0 =	vadd.s32 v63, v0  }
0x43: {  	v13 =	vld [tilespmem:$0x380];
	v0 =	vadd.s32 v8, v0  }
0x44: {  	v14 =	vld [tilespmem:$0x390];
	v0 =	vadd.s32 v9, v0  }
0x45: {  	v15 =	vld [tilespmem:$0x3A0];
	v0 =	vadd.s32 v10, v0  }
0x46: {  	v16 =	vld [tilespmem:$0x3B0];
	v0 =	vadd.s32 v11, v0  }
0x47: {  	v17 =	vld [tilespmem:$0x3C0];
	v0 =	vadd.s32 v12, v0  }
0x48: {  	v18 =	vld [tilespmem:$0x3D0];
	v0 =	vadd.s32 v13, v0  }
0x49: {  	v19 =	vld [tilespmem:$0x3E0];
	v0 =	vadd.s32 v14, v0  }
0x4a: {  	v20 =	vld [tilespmem:$0x3F0];
	v0 =	vadd.s32 v15, v0  }
0x4b: {  	v0 =	vadd.s32 v16, v0  }
0x4c: {  	v0 =	vadd.s32 v17, v0  }
0x4d: {  	v0 =	vadd.s32 v18, v0  }
0x4e: {  	v0 =	vadd.s32 v19, v0  }
0x4f: {  	v0 =	vadd.s32 v20, v0  }
0x50: {  	(xrf0) =	vadd.scan.msk.s32 $0xffff, v0;
	_ =	sdelay $0x5  }
0x51: {  	v0, _, _ =	vpop (xrf0)  }
0x52: {  	v0 =	vbroadcast v0, $0xF  }
0x53: {  	s7 =	sshll.u32 s1, $0x4  }
0x54: {  	s8 =	sor.u32 $0x400, s7;
	s9 =	sadd.s32 s7, s6;
	[tilespmem:s7+$0x400] =	vst v0  }
0x55: {  	[spmem:s9] =	stream.linear.scatter [tilespmem:s8], [sflag:$0x1], $0x10, $0x38;
	[tilespmem:$0x910] =	vst v63  }
0x56: {  	_ =	swait.ge [sflag:s3], $0x10  }
0x57: {  	[sflag:s3] =	ssyncset.done $0x0  }
0x58: {  	[sflag:s3] =	ssyncadd.s32 $0xFFFFFFF0  }
0x59: {  	s16 =	simm.s32 $0x400;
	[bflag:$0x0] =	sbarrier.arrive $0xFFFF  }
0x5a: {  	[tilespmem:s16], [sflag:$0x1] =	stream.linear.gather [spmem:s6], $0x100, $0x38;
	[tilespmem:$0x910] =	vst v63  }
0x5b: {  	_ =	swait.ge [sflag:s3], $0x100  }
0x5c: {  	[sflag:s3] =	ssyncset.done $0x0  }
0x5d: {  	[sflag:s3] =	ssyncadd.s32 $0xFFFFFF00  }
0x5e: {  	v21 =	vld [tilespmem:$0x400]  }
0x5f: {  	v22 =	vld [tilespmem:$0x410]  }
0x60: {  	v23 =	vld [tilespmem:$0x420]  }
0x61: {  	v24 =	vld [tilespmem:$0x430]  }
0x62: {  	v25 =	vld [tilespmem:$0x440]  }
0x63: {  	p0 =	seq.s32 s1, $0x0;
	p1 =	sgt.u32 s1, $0x1;
	v26 =	vld [tilespmem:$0x450]  }
0x64: {  	p6 =	sgt.u32 s1, $0x2;
	v6 =	vld [tilespmem:$0x460];
	v0 =	vpsel p0, $0x0, v21;
	v1 =	vpsel !p1, $0x0, v22  }
0x65: {  	v27 =	vld [tilespmem:$0x470];
	v2 =	vpsel !p6, $0x0, v23;
	p1 =	sgt.u32 s1, $0x3;
	v0 =	vadd.s32 v0, v1  }
0x66: {  	p2 =	sgt.u32 s1, $0x4;
	v28 =	vld [tilespmem:$0x480];
	v3 =	vpsel !p1, $0x0, v24;
	v0 =	vadd.s32 v2, v0  }
0x67: {  	p3 =	sgt.u32 s1, $0x5;
	v29 =	vld [tilespmem:$0x490];
	v4 =	vpsel !p2, $0x0, v25;
	v0 =	vadd.s32 v3, v0  }
0x68: {  	p4 =	sgt.u32 s1, $0x6;
	v30 =	vld [tilespmem:$0x4A0];
	v5 =	vpsel !p3, $0x0, v26;
	v0 =	vadd.s32 v4, v0  }
0x69: {  	p5 =	sgt.u32 s1, $0x7;
	v31 =	vld [tilespmem:$0x4B0];
	v6 =	vpsel !p4, $0x0, v6;
	v0 =	vadd.s32 v5, v0  }
0x6a: {  	v32 =	vld [tilespmem:$0x4C0];
	p6 =	sgt.u32 s1, $0x8;
	v1 =	vpsel !p5, $0x0, v27;
	v0 =	vadd.s32 v6, v0  }
0x6b: {  	v33 =	vld [tilespmem:$0x4D0];
	p1 =	sgt.u32 s1, $0x9;
	v2 =	vpsel !p6, $0x0, v28;
	v0 =	vadd.s32 v1, v0  }
0x6c: {  	v34 =	vld [tilespmem:$0x4E0];
	p2 =	sgt.u32 s1, $0xA;
	v3 =	vpsel !p1, $0x0, v29;
	v0 =	vadd.s32 v2, v0  }
0x6d: {  	p3 =	sgt.u32 s1, $0xB;
	v4 =	vpsel !p2, $0x0, v30;
	v0 =	vadd.s32 v3, v0  }
0x6e: {  	p4 =	sgt.u32 s1, $0xC;
	v35 =	vpsel !p3, $0x0, v31;
	v0 =	vadd.s32 v4, v0  }
0x6f: {  	v36 =	vpsel !p4, $0x0, v32;
	p5 =	sgt.u32 s1, $0xD;
	v0 =	vadd.s32 v35, v0  }
0x70: {  	v38 =	vld [tilespmem:$0x0];
	p6 =	seq.s32 s1, $0xF;
	v1 =	vpsel !p5, $0x0, v33;
	v0 =	vadd.s32 v36, v0  }
0x71: {  	v39 =	vld [tilespmem:$0x10];
	v37 =	vpsel !p6, $0x0, v34;
	v0 =	vadd.s32 v1, v0  }
0x72: {  	v0 =	vadd.s32 v37, v0  }
0x73: {  	v40 =	vld [tilespmem:$0x20];
	v0 =	vxor.u32 $0x80000000, v0  }
0x74: {  	(xrf0) =	vmax.scan.msk.u32 $0xffff, v0  }
0x75: {  	v41 =	vld [tilespmem:$0x30];
	(xrf0) =	vadd.scan.msk.s32 $0xffff, v38  }
0x76: {  	(xrf0) =	vadd.scan.msk.s32 $0xffff, v39  }
0x77: {  	v42 =	vld [tilespmem:$0x40]  }
0x78: {  	v43 =	vld [tilespmem:$0x50];
	(xrf0) =	vadd.scan.msk.s32 $0xffff, v40;
	_ =	sdelay $0x1  }
0x79: {  	v44, _, _ =	vpop (xrf0);
	(xrf0) =	vadd.scan.msk.s32 $0xffff, v41  }
0x7a: {  	v46 =	vld [tilespmem:$0x60];
	(v2sf) =	vpush v44, $0xF;
	v45, _, _ =	vpop (xrf0)  }
0x7b: {  	v48 =	vld [tilespmem:$0x70];
	(xrf0) =	vadd.scan.msk.s32 $0xffff, v42;
	(v2sf) =	vpush v45, $0xF;
	v47, _, _ =	vpop (xrf0)  }
0x7c: {  	(xrf0) =	vadd.scan.msk.s32 $0xffff, v43;
	(v2sf) =	vpush v47, $0xF  }
0x7d: {  	v49 =	vld [tilespmem:$0x80];
	v50, _, _ =	vpop (xrf0)  }
0x7e: {  	v52 =	vld [tilespmem:$0x90];
	(v2sf) =	vpush v50, $0xF  }
0x7f: {  	v51, _, _ =	vpop (xrf0);
	(xrf0) =	vadd.scan.msk.s32 $0xffff, v46  }
0x80: {  	v7 =	vld [tilespmem:$0xA0];
	(v2sf) =	vpush v51, $0xF;
	(xrf0) =	vadd.scan.msk.s32 $0xffff, v48  }
0x81: {  	v53, _, _ =	vpop (xrf0)  }
0x82: {  	(v2sf) =	vpush v53, $0xF;
	v8, _, _ =	vpop (xrf0);
	(xrf0) =	vadd.scan.msk.s32 $0xffff, v49  }
0x83: {  	v54 =	vld [tilespmem:$0xB0];
	(v2sf) =	vpush v8, $0xF;
	(xrf0) =	vadd.scan.msk.s32 $0xffff, v52  }
0x84: {  	v9 =	vld [tilespmem:$0xC0]  }
0x85: {  	v56 =	vld [tilespmem:$0xD0];
	v55, _, _ =	vpop (xrf0);
	(xrf0) =	vadd.scan.msk.s32 $0xffff, v7  }
0x86: {  	v12 =	vld [tilespmem:$0xE0];
	(v2sf) =	vpush v55, $0xF;
	v10, _, _ =	vpop (xrf0)  }
0x87: {  	(v2sf) =	vpush v10, $0xF  }
0x88: {  	v57 =	vld [tilespmem:$0xF0];
	v11, _, _ =	vpop (xrf0);
	(xrf0) =	vadd.scan.msk.s32 $0xffff, v54  }
0x89: {  	v59 =	vld [tilespmem:$0x100];
	(v2sf) =	vpush v11, $0xF;
	v13, _, _ =	vpop (xrf0);
	(xrf0) =	vadd.scan.msk.s32 $0xffff, v9;
	s17 =	spop (v2sf)  }
0x8a: {  	(v2sf) =	vpush v13, $0xF;
	(xrf0) =	vadd.scan.msk.s32 $0xffff, v56;
	s6 =	sadd.s32 $0x7FFFFFFF, s17;
	s18 =	spop (v2sf)  }
0x8b: {  	v60 =	vld [tilespmem:$0x110];
	(xrf0) =	vadd.scan.msk.s32 $0xffff, v12;
	v0 =	vadd.s32 s6, v45;
	s6 =	sadd.s32 s18, s6;
	s19 =	spop (v2sf);
	v58, _, _ =	vpop (xrf0)  }
0x8c: {  	v19 =	vld [tilespmem:$0x120];
	vm0 =	vgt.s32 v0, $0x0;
	v4 =	vadd.s32 s6, v47;
	s6 =	sadd.s32 s19, s6;
	(v2sf) =	vpush v58, $0xF  }
0x8d: {  	(xrf0) =	vadd.scan.msk.s32 $0xffff, v57;
	s20 =	spop (v2sf);
	v0 =	vnsel vm0, $0x0, v0;
	vm14 =	vgt.s32 v4, $0x0;
	v5 =	vadd.s32 s6, v50  }
0x8e: {  	v20 =	vld [tilespmem:$0x130];
	s6 =	sadd.s32 s20, s6;
	v63, _, _ =	vpop (xrf0);
	(xrf0) =	vadd.scan.msk.s32 $0xffff, v59;
	v0 =	vmin.u32 v0, $0x3FFF;
	v4 =	vnsel vm14, $0x0, v4;
	vm15 =	vgt.s32 v5, $0x0  }
0x8f: {  	v21 =	vld [tilespmem:$0x140];
	v17 =	vadd.s32 s6, v51;
	v18, _, _ =	vpop (xrf0);
	[tilespmem:$0x510] =	vst v0;
	v61 =	vmin.u32 v4, $0x3FFF;
	s21 =	spop (v2sf);
	(v2sf) =	vpush v63, $0xF  }
0x90: {  	v26 =	vld [tilespmem:$0x150];
	(xrf0) =	vadd.scan.msk.s32 $0xffff, v60;
	v62 =	vnsel vm15, $0x0, v5;
	vm4 =	vgt.s32 v17, $0x0;
	v14, _, _ =	vpop (xrf0);
	[tilespmem:$0x520] =	vst v61  }
0x91: {  	v27 =	vld [tilespmem:$0x160];
	v16 =	vmin.u32 v62, $0x3FFF;
	s6 =	sadd.s32 s21, s6;
	s22 =	spop (v2sf);
	(v2sf) =	vpush v18, $0xF;
	v2 =	vnsel vm4, $0x0, v17;
	v23, _, _ =	vpop (xrf0);
	(xrf0) =	vadd.scan.msk.s32 $0xffff, v19  }
0x92: {  	v1 =	vadd.s32 s6, v53;
	s6 =	sadd.s32 s6, s22;
	s23 =	spop (v2sf);
	(v2sf) =	vpush v14, $0xF;
	[tilespmem:$0x530] =	vst v16;
	v22 =	vmin.u32 v2, $0x3FFF  }
0x93: {  	v33 =	vld [tilespmem:$0x170];
	v25, _, _ =	vpop (xrf0);
	(xrf0) =	vadd.scan.msk.s32 $0xffff, v20;
	vm5 =	vgt.s32 v1, $0x0;
	s7 =	sadd.s32 s6, s23;
	[tilespmem:$0x540] =	vst v22;
	v24 =	vadd.s32 s6, v8  }
0x94: {  	(v2sf) =	vpush v23, $0xF;
	(xrf0) =	vadd.scan.msk.s32 $0xffff, v21;
	v1 =	vnsel vm5, $0x0, v1;
	v3 =	vadd.s32 s7, v55  }
0x95: {  	vm6 =	vgt.s32 v24, $0x0;
	(v2sf) =	vpush v25, $0xF;
	v29, _, _ =	vpop (xrf0);
	(xrf0) =	vadd.scan.msk.s32 $0xffff, v26;
	vm1 =	vgt.s32 v3, $0x0;
	s24 =	spop (v2sf)  }
0x96: {  	v37 =	vld [tilespmem:$0x180];
	v1 =	vmin.u32 v1, $0x3FFF;
	v0 =	vnsel vm6, $0x0, v24;
	v32, _, _ =	vpop (xrf0);
	(xrf0) =	vadd.scan.msk.s32 $0xffff, v27;
	v3 =	vnsel vm1, $0x0, v3;
	s6 =	sadd.s32 s7, s24;
	s25 =	spop (v2sf)  }
0x97: {  	v40 =	vld [tilespmem:$0x190];
	[tilespmem:$0x550] =	vst v1;
	v0 =	vmin.u32 v0, $0x3FFF;
	v28 =	vmin.u32 v3, $0x3FFF;
	s7 =	sadd.s32 s6, s25;
	v30 =	vadd.s32 s6, v10  }
0x98: {  	v42 =	vld [tilespmem:$0x1A0];
	(xrf0) =	vadd.scan.msk.s32 $0xffff, v33;
	v36, _, _ =	vpop (xrf0);
	s26 =	spop (v2sf);
	(v2sf) =	vpush v29, $0xF;
	v31 =	vadd.s32 s7, v11;
	vm7 =	vgt.s32 v30, $0x0  }
0x99: {  	[tilespmem:$0x560] =	vst v0;
	v39, _, _ =	vpop (xrf0);
	s6 =	sadd.s32 s7, s26;
	(v2sf) =	vpush v32, $0xF;
	s28 =	spop (v2sf);
	vm8 =	vgt.s32 v31, $0x0;
	v0 =	vnsel vm7, $0x0, v30  }
0x9a: {  	v44 =	vld [tilespmem:$0x1B0];
	[tilespmem:$0x570] =	vst v28;
	v41, _, _ =	vpop (xrf0);
	v34 =	vadd.s32 s6, v13;
	s6 =	sadd.s32 s6, s28;
	(v2sf) =	vpush v36, $0xF;
	v10 =	vnsel vm8, $0x0, v31  }
0x9b: {  	v46, _, _ =	vpop (xrf0);
	(xrf0) =	vadd.scan.msk.s32 $0xffff, v37;
	v0 =	vmin.u32 v0, $0x3FFF;
	vm9 =	vgt.s32 v34, $0x0;
	v7 =	vadd.s32 s6, v58  }
0x9c: {  	v49 =	vld [tilespmem:$0x1C0];
	(v2sf) =	vpush v39, $0xF;
	v47, _, _ =	vpop (xrf0);
	(xrf0) =	vadd.scan.msk.s32 $0xffff, v40;
	v35 =	vmin.u32 v10, $0x3FFF;
	[tilespmem:$0x580] =	vst v0;
	s29 =	spop (v2sf)  }
0x9d: {  	v50 =	vld [tilespmem:$0x1D0];
	v38 =	vnsel vm9, $0x0, v34;
	vm10 =	vgt.s32 v7, $0x0;
	(v2sf) =	vpush v41, $0xF;
	(xrf0) =	vadd.scan.msk.s32 $0xffff, v42;
	s6 =	sadd.s32 s6, s29  }
0x9e: {  	[tilespmem:$0x590] =	vst v35;
	v0 =	vmin.u32 v38, $0x3FFF;
	v7 =	vnsel vm10, $0x0, v7;
	v4 =	vadd.s32 s6, v63;
	s30 =	spop (v2sf)  }
0x9f: {  	v55 =	vld [tilespmem:$0x1E0];
	v51, _, _ =	vpop (xrf0);
	(xrf0) =	vadd.scan.msk.s32 $0xffff, v44;
	[tilespmem:$0x5A0] =	vst v0;
	v43 =	vmin.u32 v7, $0x3FFF;
	vm11 =	vgt.s32 v4, $0x0;
	s6 =	sadd.s32 s6, s30  }
0xa0: {  	v57 =	vld [tilespmem:$0x1F0];
	[tilespmem:$0x5B0] =	vst v43;
	(v2sf) =	vpush v46, $0xF;
	v45 =	vnsel vm11, $0x0, v4;
	s31 =	spop (v2sf);
	v5 =	vadd.s32 s6, v18  }
0xa1: {  	v58 =	vld [tilespmem:$0x200];
	v54, _, _ =	vpop (xrf0);
	(xrf0) =	vadd.scan.msk.s32 $0xffff, v49;
	v0 =	vmin.u32 v45, $0x3FFF;
	s6 =	sadd.s32 s6, s31;
	s8 =	spop (v2sf);
	(v2sf) =	vpush v47, $0xF;
	vm12 =	vgt.s32 v5, $0x0  }
0xa2: {  	v56, _, _ =	vpop (xrf0);
	(xrf0) =	vadd.scan.msk.s32 $0xffff, v50;
	v48 =	vadd.s32 s6, v14;
	s6 =	sadd.s32 s6, s8;
	(v2sf) =	vpush v51, $0xF;
	v5 =	vnsel vm12, $0x0, v5  }
0xa3: {  	[tilespmem:$0x5C0] =	vst v0;
	s9 =	spop (v2sf);
	vm13 =	vgt.s32 v48, $0x0;
	v2 =	vadd.s32 s6, v23;
	(v2sf) =	vpush v54, $0xF  }
0xa4: {  	v18 =	vld [tilespmem:$0x210];
	v61, _, _ =	vpop (xrf0);
	(xrf0) =	vadd.scan.msk.s32 $0xffff, v55;
	s6 =	sadd.s32 s6, s9;
	s10 =	spop (v2sf);
	v5 =	vmin.u32 v5, $0x3FFF;
	v0 =	vnsel vm13, $0x0, v48;
	vm14 =	vgt.s32 v2, $0x0  }
0xa5: {  	v20 =	vld [tilespmem:$0x220];
	v63, _, _ =	vpop (xrf0);
	(xrf0) =	vadd.scan.msk.s32 $0xffff, v57;
	s7 =	sadd.s32 s6, s10;
	v53 =	vadd.s32 s6, v25;
	(v2sf) =	vpush v56, $0xF;
	v0 =	vmin.u32 v0, $0x3FFF  }
0xa6: {  	(xrf0) =	vadd.scan.msk.s32 $0xffff, v58;
	v2 =	vnsel vm14, $0x0, v2;
	v3 =	vadd.s32 s7, v29;
	vm15 =	vgt.s32 v53, $0x0  }
0xa7: {  	v24 =	vld [tilespmem:$0x230];
	[tilespmem:$0x5D0] =	vst v5;
	(v2sf) =	vpush v61, $0xF;
	v52 =	vmin.u32 v2, $0x3FFF;
	vm4 =	vgt.s32 v3, $0x0  }
0xa8: {  	v27 =	vld [tilespmem:$0x240];
	[tilespmem:$0x5E0] =	vst v0;
	v2 =	vnsel vm15, $0x0, v53;
	(v2sf) =	vpush v63, $0xF;
	v21, _, _ =	vpop (xrf0);
	s11 =	spop (v2sf);
	v3 =	vnsel vm4, $0x0, v3  }
0xa9: {  	[tilespmem:$0x5F0] =	vst v52;
	v59 =	vmin.u32 v2, $0x3FFF;
	v23, _, _ =	vpop (xrf0);
	(xrf0) =	vadd.scan.msk.s32 $0xffff, v18;
	s6 =	sadd.s32 s7, s11;
	s12 =	spop (v2sf);
	v60 =	vmin.u32 v3, $0x3FFF  }
0xaa: {  	v29 =	vld [tilespmem:$0x250];
	[tilespmem:$0x600] =	vst v59;
	(xrf0) =	vadd.scan.msk.s32 $0xffff, v20;
	s7 =	sadd.s32 s6, s12;
	v62 =	vadd.s32 s6, v32;
	s13 =	spop (v2sf);
	(v2sf) =	vpush v21, $0xF  }
0xab: {  	v28, _, _ =	vpop (xrf0);
	[tilespmem:$0x610] =	vst v60;
	v10 =	vadd.s32 s7, v36;
	vm5 =	vgt.s32 v62, $0x0;
	s6 =	sadd.s32 s7, s13;
	s14 =	spop (v2sf);
	(v2sf) =	vpush v23, $0xF  }
0xac: {  	v31, _, _ =	vpop (xrf0);
	(xrf0) =	vadd.scan.msk.s32 $0xffff, v24;
	v32 =	vld [tilespmem:$0x260];
	vm6 =	vgt.s32 v10, $0x0;
	v0 =	vnsel vm5, $0x0, v62;
	v12 =	vadd.s32 s6, v39;
	s6 =	sadd.s32 s6, s14  }
0xad: {  	v34 =	vld [tilespmem:$0x270];
	(xrf0) =	vadd.scan.msk.s32 $0xffff, v27;
	s15 =	spop (v2sf);
	v19 =	vnsel vm6, $0x0, v10;
	v0 =	vmin.u32 v0, $0x3FFF;
	v22 =	vadd.s32 s6, v41  }
0xae: {  	v15, _, _ =	vpop (xrf0);
	vm7 =	vgt.s32 v12, $0x0;
	s6 =	sadd.s32 s6, s15;
	v2 =	vmin.u32 v19, $0x3FFF;
	[tilespmem:$0x620] =	vst v0;
	vm8 =	vgt.s32 v22, $0x0  }
0xaf: {  	v36 =	vld [tilespmem:$0x280];
	v25 =	vadd.s32 s6, v46;
	v26 =	vnsel vm7, $0x0, v12;
	v39, _, _ =	vpop (xrf0);
	(xrf0) =	vadd.scan.msk.s32 $0xffff, v29;
	v0 =	vnsel vm8, $0x0, v22;
	s16 =	spop (v2sf)  }
0xb0: {  	[tilespmem:$0x630] =	vst v2;
	vm9 =	vgt.s32 v25, $0x0;
	v4 =	vmin.u32 v26, $0x3FFF;
	s17 =	spop (v2sf);
	(v2sf) =	vpush v28, $0xF  }
0xb1: {  	v41 =	vld [tilespmem:$0x290];
	v40, _, _ =	vpop (xrf0);
	(xrf0) =	vadd.scan.msk.s32 $0xffff, v32;
	v0 =	vmin.u32 v0, $0x3FFF;
	v2 =	vnsel vm9, $0x0, v25;
	s6 =	sadd.s32 s6, s16;
	(v2sf) =	vpush v31, $0xF  }
0xb2: {  	v42 =	vld [tilespmem:$0x2A0];
	[tilespmem:$0x640] =	vst v4;
	v43, _, _ =	vpop (xrf0);
	(xrf0) =	vadd.scan.msk.s32 $0xffff, v34;
	v30 =	vadd.s32 s6, v47;
	s6 =	sadd.s32 s6, s17;
	s18 =	spop (v2sf);
	(v2sf) =	vpush v15, $0xF  }
0xb3: {  	v50 =	vld [tilespmem:$0x2B0];
	v2 =	vmin.u32 v2, $0x3FFF;
	[tilespmem:$0x650] =	vst v0;
	vm10 =	vgt.s32 v30, $0x0;
	v14 =	vadd.s32 s6, v51;
	s19 =	spop (v2sf)  }
0xb4: {  	(xrf0) =	vadd.scan.msk.s32 $0xffff, v36;
	v33 =	vnsel vm10, $0x0, v30;
	s6 =	sadd.s32 s6, s18;
	vm11 =	vgt.s32 v14, $0x0;
	s20 =	spop (v2sf);
	(v2sf) =	vpush v39, $0xF  }
0xb5: {  	[tilespmem:$0x660] =	vst v2;
	v0 =	vmin.u32 v33, $0x3FFF;
	v38 =	vadd.s32 s6, v54;
	s6 =	sadd.s32 s6, s19;
	v35 =	vnsel vm11, $0x0, v14  }
0xb6: {  	(xrf0) =	vadd.scan.msk.s32 $0xffff, v41;
	vm12 =	vgt.s32 v38, $0x0;
	v8 =	vadd.s32 s6, v56;
	(v2sf) =	vpush v40, $0xF  }
0xb7: {  	v46, _, _ =	vpop (xrf0);
	(xrf0) =	vadd.scan.msk.s32 $0xffff, v42;
	v51 =	vld [tilespmem:$0x2C0];
	s6 =	sadd.s32 s6, s20;
	v37 =	vmin.u32 v35, $0x3FFF;
	v2 =	vnsel vm12, $0x0, v38;
	vm13 =	vgt.s32 v8, $0x0  }
0xb8: {  	v49, _, _ =	vpop (xrf0);
	(xrf0) =	vadd.scan.msk.s32 $0xffff, v50;
	s21 =	spop (v2sf);
	v3 =	vadd.s32 s6, v61;
	(v2sf) =	vpush v43, $0xF;
	v2 =	vmin.u32 v2, $0x3FFF  }
0xb9: {  	[tilespmem:$0x670] =	vst v0;
	v55, _, _ =	vpop (xrf0);
	s6 =	sadd.s32 s6, s21;
	s22 =	spop (v2sf);
	v44 =	vnsel vm13, $0x0, v8;
	vm14 =	vgt.s32 v3, $0x0;
	(v2sf) =	vpush v46, $0xF  }
0xba: {  	v56 =	vld [tilespmem:$0x2D0];
	v59, _, _ =	vpop (xrf0);
	[tilespmem:$0x680] =	vst v37;
	s7 =	sadd.s32 s6, s22;
	v47 =	vadd.s32 s6, v63;
	v45 =	vmin.u32 v44, $0x3FFF;
	v3 =	vnsel vm14, $0x0, v3  }
0xbb: {  	v61, _, _ =	vpop (xrf0);
	[tilespmem:$0x690] =	vst v2;
	v48 =	vadd.s32 s7, v21;
	vm15 =	vgt.s32 v47, $0x0;
	s23 =	spop (v2sf);
	(v2sf) =	vpush v49, $0xF  }
0xbc: {  	v16 =	vld [tilespmem:$0x2E0];
	v63, _, _ =	vpop (xrf0);
	(xrf0) =	vadd.scan.msk.s32 $0xffff, v51;
	vm4 =	vgt.s32 v48, $0x0;
	v52 =	vmin.u32 v3, $0x3FFF;
	v53 =	vnsel vm15, $0x0, v47;
	s6 =	sadd.s32 s7, s23;
	s24 =	spop (v2sf)  }
0xbd: {  	[tilespmem:$0x6A0] =	vst v45;
	v54 =	vnsel vm4, $0x0, v48;
	v57 =	vmin.u32 v53, $0x3FFF;
	(v2sf) =	vpush v55, $0xF;
	s7 =	sadd.s32 s6, s24  }
0xbe: {  	v62 =	vld [tilespmem:$0x2F0];
	[tilespmem:$0x6B0] =	vst v52;
	v1 =	vadd.s32 s6, v23;
	(v2sf) =	vpush v59, $0xF;
	v60 =	vadd.s32 s7, v28  }
0xbf: {  	(xrf0) =	vadd.scan.msk.s32 $0xffff, v56;
	v58 =	vmin.u32 v54, $0x3FFF;
	vm5 =	vgt.s32 v1, $0x0;
	vm6 =	vgt.s32 v60, $0x0;
	s25 =	spop (v2sf)  }
0xc0: {  	v22 =	vld [tilespmem:$0x300];
	[tilespmem:$0x6C0] =	vst v57;
	v1 =	vnsel vm5, $0x0, v1;
	v2 =	vnsel vm6, $0x0, v60;
	(v2sf) =	vpush v61, $0xF;
	s6 =	sadd.s32 s7, s25;
	s26 =	spop (v2sf)  }
0xc1: {  	v25 =	vld [tilespmem:$0x310];
	v17, _, _ =	vpop (xrf0);
	(xrf0) =	vadd.scan.msk.s32 $0xffff, v16;
	v1 =	vmin.u32 v1, $0x3FFF;
	v2 =	vmin.u32 v2, $0x3FFF;
	s7 =	sadd.s32 s6, s26;
	s28 =	spop (v2sf);
	(v2sf) =	vpush v63, $0xF  }
0xc2: {  	v26 =	vld [tilespmem:$0x320];
	[tilespmem:$0x6D0] =	vst v58;
	v23 =	vadd.s32 s6, v31;
	v24 =	vadd.s32 s7, v15;
	s29 =	sadd.s32 s7, s28;
	(v2sf) =	vpush v17, $0xF  }
0xc3: {  	v27, _, _ =	vpop (xrf0);
	(xrf0) =	vadd.scan.msk.s32 $0xffff, v62;
	vm7 =	vgt.s32 v23, $0x0;
	s30 =	spop (v2sf);
	vm8 =	vgt.s32 v24, $0x0;
	v5 =	vadd.s32 s29, v39  }
0xc4: {  	v32 =	vld [tilespmem:$0x330];
	[tilespmem:$0x6E0] =	vst v1;
	v1 =	vnsel vm7, $0x0, v23;
	s6 =	sadd.s32 s29, s30;
	(v2sf) =	vpush v27, $0xF;
	v9 =	vnsel vm8, $0x0, v24  }
0xc5: {  	v33 =	vld [tilespmem:$0x340];
	(xrf0) =	vadd.scan.msk.s32 $0xffff, v22;
	v29, _, _ =	vpop (xrf0);
	s31 =	spop (v2sf);
	vm9 =	vgt.s32 v5, $0x0;
	v1 =	vmin.u32 v1, $0x3FFF;
	v0 =	vadd.s32 s6, v40  }
0xc6: {  	(xrf0) =	vadd.scan.msk.s32 $0xffff, v25;
	v31, _, _ =	vpop (xrf0);
	s6 =	sadd.s32 s6, s31;
	(v2sf) =	vpush v29, $0xF;
	v9 =	vmin.u32 v9, $0x3FFF;
	v5 =	vnsel vm9, $0x0, v5  }
0xc7: {  	(xrf0) =	vadd.scan.msk.s32 $0xffff, v26;
	s8 =	spop (v2sf);
	vm10 =	vgt.s32 v0, $0x0;
	v30 =	vadd.s32 s6, v43;
	(v2sf) =	vpush v31, $0xF  }
0xc8: {  	v36 =	vld [tilespmem:$0x350];
	[tilespmem:$0x6F0] =	vst v2;
	v35, _, _ =	vpop (xrf0);
	s6 =	sadd.s32 s6, s8;
	s9 =	spop (v2sf);
	v28 =	vmin.u32 v5, $0x3FFF;
	v0 =	vnsel vm10, $0x0, v0;
	vm11 =	vgt.s32 v30, $0x0  }
0xc9: {  	v18 =	vld [tilespmem:$0x360];
	(xrf0) =	vadd.scan.msk.s32 $0xffff, v32;
	v4 =	vadd.s32 s6, v46;
	s6 =	sadd.s32 s6, s9;
	(v2sf) =	vpush v35, $0xF;
	v0 =	vmin.u32 v0, $0x3FFF  }
0xca: {  	v19 =	vld [tilespmem:$0x370];
	v37, _, _ =	vpop (xrf0);
	(xrf0) =	vadd.scan.msk.s32 $0xffff, v33;
	v34 =	vnsel vm11, $0x0, v30;
	vm12 =	vgt.s32 v4, $0x0;
	s10 =	spop (v2sf);
	v39 =	vadd.s32 s6, v49  }
0xcb: {  	v40, _, _ =	vpop (xrf0);
	[tilespmem:$0x700] =	vst v1;
	(v2sf) =	vpush v37, $0xF;
	v1 =	vmin.u32 v34, $0x3FFF;
	v38 =	vnsel vm12, $0x0, v4;
	s6 =	sadd.s32 s6, s10  }
0xcc: {  	v41 =	vld [tilespmem:$0x380];
	v20, _, _ =	vpop (xrf0);
	[tilespmem:$0x710] =	vst v9;
	vm13 =	vgt.s32 v39, $0x0;
	s11 =	spop (v2sf);
	(v2sf) =	vpush v40, $0xF;
	v8 =	vadd.s32 s6, v55  }
0xcd: {  	v42, _, _ =	vpop (xrf0);
	(xrf0) =	vadd.scan.msk.s32 $0xffff, v36;
	v2 =	vmin.u32 v38, $0x3FFF;
	v4 =	vnsel vm13, $0x0, v39;
	s6 =	sadd.s32 s6, s11;
	s12 =	spop (v2sf);
	(v2sf) =	vpush v20, $0xF  }
0xce: {  	v43 =	vld [tilespmem:$0x390];
	(xrf0) =	vadd.scan.msk.s32 $0xffff, v18;
	vm14 =	vgt.s32 v8, $0x0;
	v4 =	vmin.u32 v4, $0x3FFF;
	s7 =	sadd.s32 s6, s12;
	v7 =	vadd.s32 s6, v59  }
0xcf: {  	v44 =	vld [tilespmem:$0x3A0];
	(xrf0) =	vadd.scan.msk.s32 $0xffff, v19;
	v8 =	vnsel vm14, $0x0, v8;
	vm15 =	vgt.s32 v7, $0x0;
	v12 =	vadd.s32 s7, v61  }
0xd0: {  	[tilespmem:$0x720] =	vst v28;
	v8 =	vmin.u32 v8, $0x3FFF;
	v7 =	vnsel vm15, $0x0, v7;
	vm4 =	vgt.s32 v12, $0x0;
	s13 =	spop (v2sf)  }
0xd1: {  	v45 =	vld [tilespmem:$0x3B0];
	v46, _, _ =	vpop (xrf0);
	(xrf0) =	vadd.scan.msk.s32 $0xffff, v41;
	v47 =	vnsel vm4, $0x0, v12;
	v7 =	vmin.u32 v7, $0x3FFF;
	(v2sf) =	vpush v42, $0xF;
	s14 =	sadd.s32 s7, s13;
	s15 =	spop (v2sf)  }
0xd2: {  	[tilespmem:$0x730] =	vst v0;
	v50, _, _ =	vpop (xrf0);
	v0 =	vmin.u32 v47, $0x3FFF;
	v3 =	vadd.s32 s14, v63;
	(v2sf) =	vpush v46, $0xF;
	s6 =	sadd.s32 s14, s15  }
0xd3: {  	v51 =	vld [tilespmem:$0x3C0];
	(xrf0) =	vadd.scan.msk.s32 $0xffff, v43;
	v21, _, _ =	vpop (xrf0);
	vm5 =	vgt.s32 v3, $0x0;
	s16 =	spop (v2sf);
	(v2sf) =	vpush v50, $0xF;
	v48 =	vadd.s32 s6, v17  }
0xd4: {  	v52 =	vld [tilespmem:$0x3D0];
	(xrf0) =	vadd.scan.msk.s32 $0xffff, v44;
	v22, _, _ =	vpop (xrf0);
	v3 =	vnsel vm5, $0x0, v3;
	s6 =	sadd.s32 s6, s16;
	s17 =	spop (v2sf);
	(v2sf) =	vpush v21, $0xF;
	vm6 =	vgt.s32 v48, $0x0  }
0xd5: {  	v53 =	vld [tilespmem:$0x3E0];
	[tilespmem:$0x740] =	vst v1;
	v54, _, _ =	vpop (xrf0);
	v49 =	vadd.s32 s6, v27;
	v3 =	vmin.u32 v3, $0x3FFF;
	s18 =	spop (v2sf);
	(v2sf) =	vpush v22, $0xF  }
0xd6: {  	(xrf0) =	vadd.scan.msk.s32 $0xffff, v45;
	s6 =	sadd.s32 s6, s17;
	v12 =	vnsel vm6, $0x0, v48;
	vm7 =	vgt.s32 v49, $0x0;
	(v2sf) =	vpush v54, $0xF  }
0xd7: {  	[tilespmem:$0x750] =	vst v2;
	v56, _, _ =	vpop (xrf0);
	s7 =	sadd.s32 s6, s18;
	s19 =	spop (v2sf);
	v5 =	vadd.s32 s6, v29;
	v1 =	vnsel vm7, $0x0, v49;
	v55 =	vmin.u32 v12, $0x3FFF  }
0xd8: {  	(xrf0) =	vadd.scan.msk.s32 $0xffff, v51;
	v14 =	vadd.s32 s7, v31;
	s20 =	sadd.s32 s7, s19;
	(v2sf) =	vpush v56, $0xF;
	vm8 =	vgt.s32 v5, $0x0  }
0xd9: {  	(xrf0) =	vadd.scan.msk.s32 $0xffff, v52;
	v57, _, _ =	vpop (xrf0);
	s21 =	spop (v2sf);
	v1 =	vmin.u32 v1, $0x3FFF;
	vm9 =	vgt.s32 v14, $0x0;
	v6 =	vadd.s32 s20, v35  }
0xda: {  	(xrf0) =	vadd.scan.msk.s32 $0xffff, v53;
	v58, _, _ =	vpop (xrf0);
	v5 =	vnsel vm8, $0x0, v5;
	s6 =	sadd.s32 s20, s21;
	s22 =	spop (v2sf);
	(v2sf) =	vpush v57, $0xF;
	v14 =	vnsel vm9, $0x0, v14  }
0xdb: {  	v41 =	vld [tilespmem:$0x3F0];
	[tilespmem:$0x760] =	vst v4;
	vm10 =	vgt.s32 v6, $0x0;
	v60 =	vadd.s32 s6, v37;
	s23 =	spop (v2sf);
	(v2sf) =	vpush v58, $0xF  }
0xdc: {  	[tilespmem:$0x770] =	vst v8;
	v61, _, _ =	vpop (xrf0);
	s6 =	sadd.s32 s6, s22;
	v25 =	vmin.u32 v5, $0x3FFF;
	v59 =	vnsel vm10, $0x0, v6;
	vm11 =	vgt.s32 v60, $0x0  }
0xdd: {  	[tilespmem:$0x780] =	vst v7;
	v62 =	vadd.s32 s6, v40;
	s6 =	sadd.s32 s6, s23;
	(v2sf) =	vpush v61, $0xF;
	v32 =	vmin.u32 v14, $0x3FFF  }
0xde: {  	[tilespmem:$0x790] =	vst v0;
	v18, _, _ =	vpop (xrf0);
	s24 =	spop (v2sf);
	vm12 =	vgt.s32 v62, $0x0;
	v63 =	vadd.s32 s6, v20;
	v20 =	vnsel vm11, $0x0, v60  }
0xdf: {  	[tilespmem:$0x7A0] =	vst v3;
	v24, _, _ =	vpop (xrf0);
	s6 =	sadd.s32 s6, s24;
	(v2sf) =	vpush v18, $0xF;
	v33 =	vmin.u32 v59, $0x3FFF;
	v23 =	vnsel vm12, $0x0, v62  }
0xe0: {  	(xrf0) =	vadd.scan.msk.s32 $0xffff, v41;
	v29, _, _ =	vpop (xrf0);
	vm13 =	vgt.s32 v63, $0x0;
	v27 =	vadd.s32 s6, v42;
	s25 =	spop (v2sf);
	(v2sf) =	vpush v24, $0xF  }
0xe1: {  	[tilespmem:$0x7B0] =	vst v55;
	v0 =	vmin.u32 v20, $0x3FFF;
	v26 =	vnsel vm13, $0x0, v63;
	s7 =	sadd.s32 s6, s25;
	(v2sf) =	vpush v29, $0xF  }
0xe2: {  	[tilespmem:$0x7C0] =	vst v1;
	vm14 =	vgt.s32 v27, $0x0;
	v34 =	vmin.u32 v23, $0x3FFF;
	v28 =	vadd.s32 s7, v46;
	s26 =	spop (v2sf)  }
0xe3: {  	[tilespmem:$0x7D0] =	vst v25;
	v30 =	vnsel vm14, $0x0, v27;
	v35 =	vmin.u32 v26, $0x3FFF;
	vm15 =	vgt.s32 v28, $0x0;
	s28 =	spop (v2sf);
	s6 =	sadd.s32 s7, s26  }
0xe4: {  	[tilespmem:$0x7E0] =	vst v32;
	v1 =	vmin.u32 v30, $0x3FFF;
	v31 =	vnsel vm15, $0x0, v28;
	s29 =	spop (v2sf);
	v36 =	vadd.s32 s6, v50;
	s6 =	sadd.s32 s6, s28  }
0xe5: {  	[tilespmem:$0x7F0] =	vst v33;
	s30 =	spop (v2sf);
	v37 =	vmin.u32 v31, $0x3FFF;
	vm4 =	vgt.s32 v36, $0x0;
	v38 =	vadd.s32 s6, v21;
	s6 =	sadd.s32 s6, s29  }
0xe6: {  	[tilespmem:$0x800] =	vst v0;
	s31 =	spop (v2sf);
	v39 =	vnsel vm4, $0x0, v36;
	vm5 =	vgt.s32 v38, $0x0;
	v40 =	vadd.s32 s6, v22;
	s6 =	sadd.s32 s6, s30  }
0xe7: {  	[tilespmem:$0x810] =	vst v34;
	v42 =	vmin.u32 v39, $0x3FFF;
	v2 =	vnsel vm5, $0x0, v38;
	vm6 =	vgt.s32 v40, $0x0;
	s7 =	sadd.s32 s6, s31  }
0xe8: {  	[tilespmem:$0x820] =	vst v35;
	s9 =	spop (v2sf);
	v44 =	vadd.s32 s6, v54;
	v43 =	vnsel vm6, $0x0, v40;
	v45 =	vadd.s32 s7, v56  }
0xe9: {  	[tilespmem:$0x830] =	vst v1;
	s10 =	sadd.s32 s7, s9;
	vm7 =	vgt.s32 v44, $0x0;
	v2 =	vmin.u32 v2, $0x3FFF;
	vm8 =	vgt.s32 v45, $0x0  }
0xea: {  	[tilespmem:$0x840] =	vst v37;
	s11 =	spop (v2sf);
	v46 =	vadd.s32 s10, v57;
	v4 =	vnsel vm7, $0x0, v44;
	v1 =	vmin.u32 v43, $0x3FFF  }
0xeb: {  	[tilespmem:$0x850] =	vst v42;
	s12 =	spop (v2sf);
	s6 =	sadd.s32 s10, s11;
	v47 =	vnsel vm8, $0x0, v45;
	vm9 =	vgt.s32 v46, $0x0;
	v48 =	vmin.u32 v4, $0x3FFF  }
0xec: {  	[tilespmem:$0x860] =	vst v2;
	s13 =	spop (v2sf);
	v49 =	vadd.s32 s6, v58;
	s6 =	sadd.s32 s6, s12;
	v0 =	vnsel vm9, $0x0, v46;
	v3 =	vmin.u32 v47, $0x3FFF  }
0xed: {  	[tilespmem:$0x870] =	vst v1;
	vm10 =	vgt.s32 v49, $0x0;
	v50 =	vadd.s32 s6, v61;
	s6 =	sadd.s32 s6, s13;
	v0 =	vmin.u32 v0, $0x3FFF  }
0xee: {  	[tilespmem:$0x880] =	vst v48;
	s14 =	spop (v2sf);
	v51 =	vnsel vm10, $0x0, v49;
	vm11 =	vgt.s32 v50, $0x0;
	v52 =	vadd.s32 s6, v18  }
0xef: {  	[tilespmem:$0x890] =	vst v3;
	s6 =	sadd.s32 s6, s14;
	v2 =	vmin.u32 v51, $0x3FFF;
	v1 =	vnsel vm11, $0x0, v50;
	vm12 =	vgt.s32 v52, $0x0;
	s15 =	spop (v2sf)  }
0xf0: {  	[tilespmem:$0x8A0] =	vst v0;
	v55 =	vadd.s32 s6, v24;
	v53 =	vmin.u32 v1, $0x3FFF;
	v54 =	vnsel vm12, $0x0, v52;
	s6 =	sadd.s32 s6, s15;
	s16 =	spop (v2sf)  }
0xf1: {  	v57, _, _ =	vpop (xrf0);
	[tilespmem:$0x8B0] =	vst v2;
	vm13 =	vgt.s32 v55, $0x0;
	v1 =	vmin.u32 v54, $0x3FFF;
	v56 =	vadd.s32 s6, v29;
	s6 =	sadd.s32 s6, s16  }
0xf2: {  	[tilespmem:$0x8C0] =	vst v53;
	v58 =	vnsel vm13, $0x0, v55;
	vm14 =	vgt.s32 v56, $0x0;
	v59 =	vadd.s32 s6, v57  }
0xf3: {  	[tilespmem:$0x8D0] =	vst v1;
	v0 =	vmin.u32 v58, $0x3FFF;
	v60 =	vnsel vm14, $0x0, v56;
	vm15 =	vgt.s32 v59, $0x0  }
0xf4: {  	[tilespmem:$0x8E0] =	vst v0;
	v61 =	vmin.u32 v60, $0x3FFF;
	v62 =	vnsel vm15, $0x0, v59  }
0xf5: {  	[tilespmem:$0x8F0] =	vst v61;
	v63 =	vmin.u32 v62, $0x3FFF  }
0xf6: {  	s4 =	sadd.s32 s4, s5;
	s17 =	simm.s32 $0x510;
	[tilespmem:$0x900] =	vst v63  }
0xf7: {  	[hbm4b:s4+s2] =	stream.linear.scatter [tilespmem:s17], [sflag:$0x1], $0x80, $0x38;
	[tilespmem:$0x910] =	vst v63  }
0xf8: {  	_ =	swait.ge [sflag:s3], $0x80  }
0xf9: {  	[sflag:s3] =	ssyncset.done $0x0  }
0xfa: {  	s18 =	sadd.s32 $0x10, s4;
	s19 =	simm.s32 $0x590;
	[sflag:s3] =	ssyncadd.s32 $0xFFFFFF80  }
0xfb: {  	[hbm4b:s18+s2] =	stream.linear.scatter [tilespmem:s19], [sflag:$0x1], $0x80, $0x38;
	[tilespmem:$0x910] =	vst v63  }
0xfc: {  	_ =	swait.ge [sflag:s3], $0x80  }
0xfd: {  	[sflag:s3] =	ssyncset.done $0x0  }
0xfe: {  	s20 =	sadd.s32 $0x20, s4;
	s21 =	simm.s32 $0x610;
	[sflag:s3] =	ssyncadd.s32 $0xFFFFFF80  }
0xff: {  	[hbm4b:s20+s2] =	stream.linear.scatter [tilespmem:s21], [sflag:$0x1], $0x80, $0x38;
	[tilespmem:$0x910] =	vst v63  }
0x100: {  	_ =	swait.ge [sflag:s3], $0x80  }
0x101: {  	[sflag:s3] =	ssyncset.done $0x0  }
0x102: {  	s22 =	sadd.s32 $0x30, s4;
	s23 =	simm.s32 $0x690;
	[sflag:s3] =	ssyncadd.s32 $0xFFFFFF80  }
0x103: {  	[hbm4b:s22+s2] =	stream.linear.scatter [tilespmem:s23], [sflag:$0x1], $0x80, $0x38;
	[tilespmem:$0x910] =	vst v63  }
0x104: {  	_ =	swait.ge [sflag:s3], $0x80  }
0x105: {  	[sflag:s3] =	ssyncset.done $0x0  }
0x106: {  	s24 =	sadd.s32 $0x40, s4;
	s25 =	simm.s32 $0x710;
	[sflag:s3] =	ssyncadd.s32 $0xFFFFFF80  }
0x107: {  	[hbm4b:s24+s2] =	stream.linear.scatter [tilespmem:s25], [sflag:$0x1], $0x80, $0x38;
	[tilespmem:$0x910] =	vst v63  }
0x108: {  	_ =	swait.ge [sflag:s3], $0x80  }
0x109: {  	[sflag:s3] =	ssyncset.done $0x0  }
0x10a: {  	s26 =	sadd.s32 $0x50, s4;
	s28 =	simm.s32 $0x790;
	[sflag:s3] =	ssyncadd.s32 $0xFFFFFF80  }
0x10b: {  	[hbm4b:s26+s2] =	stream.linear.scatter [tilespmem:s28], [sflag:$0x1], $0x80, $0x38;
	[tilespmem:$0x910] =	vst v63  }
0x10c: {  	_ =	swait.ge [sflag:s3], $0x80  }
0x10d: {  	[sflag:s3] =	ssyncset.done $0x0  }
0x10e: {  	s29 =	sadd.s32 $0x60, s4;
	s30 =	simm.s32 $0x810;
	[sflag:s3] =	ssyncadd.s32 $0xFFFFFF80  }
0x10f: {  	[hbm4b:s29+s2] =	stream.linear.scatter [tilespmem:s30], [sflag:$0x1], $0x80, $0x38;
	[tilespmem:$0x910] =	vst v63  }
0x110: {  	_ =	swait.ge [sflag:s3], $0x80  }
0x111: {  	[sflag:s3] =	ssyncset.done $0x0  }
0x112: {  	s31 =	simm.s32 $0x890;
	s4 =	sadd.s32 $0x70, s4;
	[sflag:s3] =	ssyncadd.s32 $0xFFFFFF80  }
0x113: {  	[hbm4b:s4+s2] =	stream.linear.scatter [tilespmem:s31], [sflag:$0x1], $0x80, $0x38;
	[tilespmem:$0x910] =	vst v63  }
0x114: {  	_ =	swait.ge [sflag:s3], $0x80  }
0x115: {  	[sflag:s3] =	ssyncset.done $0x0  }
0x116: {  	[sflag:s3] =	ssyncadd.s32 $0xFFFFFF80  }
0x117: {  	_ =	sfence.sel $0x180000  }
0x118: {  	[bflag:$0x0] =	sbarrier.arrive $0xFFFF  }
0x119: {  	p0 =	sne.s32 s1, $0x0;
	_ =	strace $0x90000047  }
0x11a: {  	s0 =	sadd.s32 @!p0 $0x100000, s0;
	[bflag:$0x2] =	sbarrier.arrive $0xFFFF  }
0x11b: {  	[sflag:s0] =	ssyncadd.tile.s32 @!p0 $0x1;
	_ =	shalt  }
.Lfunc_end2:
_tile_overlayer_lowered:
.L_overlay_start_2:
0x11c: {  	(tag) =	ssettag $0x2  }
0x11d: {  	s0 =	rddreg [dreg:$0x0];
	s2 =	stileid.u32  }
0x11e: {  	s1 =	rddreg [dreg:$0x1];
	p0 =	sne.s32 s2, $0x0  }
0x11f: {  	s3 =	rddreg [dreg:$0x2];
	[bflag:$0x3] =	sbarrier.arrive $0xFFFF;
	s2 =	simm.s32 @!p0 $0x1C01  }
0x120: {  	[timem:s3], [sflag:s2] =	dma.local @!p0 [hbm:s0], s1  }
0x121: {  	s0 =	simm.s32 @!p0 $0x1  }
0x122: {  	_ =	swait.ge @!p0 [sflag:s0], s1  }
0x123: {  	s1 =	ssub.s32 @!p0 $0x0, s1;
	[sflag:s0] =	ssyncset.done @!p0 $0x0  }
0x124: {  	[sflag:s0] =	ssyncadd.s32 @!p0 s1  }
0x125: {  	[bflag:$0x3] =	sbarrier.arrive $0xFFFF  }
0x126: {  	_ =	shalt  }

</sc_bundles>
